<compile_context>
chip_gen: v7x
topology: tpu7x:2x2x1
jax: 0.10.2.dev20260603
libtpu: 0.0.44.dev20260713+nightly
codegen_flags: <defaults>
</compile_context>

<pallas_src>
import jax
import jax.numpy as jnp
from jax import lax
from jax.experimental import pallas as pl
from jax.experimental.pallas import tpu as pltpu
from jax.experimental.pallas import tpu_sc as plsc

N = 10000
E = 160000
T = 8
D = 256
HALF = 128
NBLK = 10
RB = N // NBLK

NSC = 2
NTILE = 16
CHUNK = 128
NCH = 80
EPT = NCH * CHUNK
ACC_ROWS = 10240
RPT = ACC_ROWS // NTILE


def _gru_body(*refs):
    outs = refs[20:]
    for c in range(2):
        (w0, wz, uz, bz, wr, ur, br, wh, uh, bh) = refs[10 * c:10 * (c + 1)]
        H = w0[...]
        Wz, Uz, Wr, Ur = wz[...], uz[...], wr[...], ur[...]
        Wh = wh[...]
        Uh = uh[...]
        bzv = bz[...]
        brv = br[...]
        bhv = bh[...]

        def mm(a, b):
            return jnp.dot(a, b, preferred_element_type=jnp.float32)

        for _ in range(T):
            z = jax.nn.sigmoid(mm(Wz, H) + mm(Uz, H) + bzv)
            r = jax.nn.sigmoid(mm(Wr, H) + mm(Ur, H) + brv)
            ht = jnp.tanh(mm(Wh, H) + mm(Uh, r * H) + bhv)
            H = (1.0 - z) * H + z * ht
        outs[c][...] = H


def _gru_evolve(params0, params1):
    out = pl.pallas_call(
        _gru_body,
        out_shape=[jax.ShapeDtypeStruct((D, D), jnp.float32)] * 2,
    )(*params0, *params1)
    return out


def _stage_a_body(x_ref, h_ref, deg_ref, out_ref):
    xb = x_ref[...]
    d = deg_ref[0, :, :] + deg_ref[1, :, :] + 1.0
    dinv = lax.rsqrt(jnp.maximum(d, 1.0))
    out_ref[0] = jnp.dot(xb, h_ref[...], preferred_element_type=jnp.float32) * dinv


def _stage_a(x2d, H0, deg2):
    return pl.pallas_call(
        _stage_a_body,
        grid=(NBLK, 2),
        in_specs=[
            pl.BlockSpec((RB, D), lambda i, h: (i, T - 1)),
            pl.BlockSpec((D, HALF), lambda i, h: (0, h)),
            pl.BlockSpec((2, RB, 1), lambda i, h: (0, i, 0)),
        ],
        out_specs=pl.BlockSpec((1, RB, HALF), lambda i, h: (h, i, 0)),
        out_shape=jax.ShapeDtypeStruct((2, N, HALF), jnp.float32),
    )(x2d, H0, deg2)


def _stage_b_body(agg_ref, hw_ref, h_ref, deg_ref, out_ref):
    d = deg_ref[0, :, :] + deg_ref[1, :, :] + 1.0
    dinv = lax.rsqrt(jnp.maximum(d, 1.0))
    o0 = jnp.maximum(dinv * (agg_ref[0] + hw_ref[0]), 0.0)
    o1 = jnp.maximum(dinv * (agg_ref[1] + hw_ref[1]), 0.0)
    acc = (jnp.dot(o0, h_ref[:HALF, :], preferred_element_type=jnp.float32)
           + jnp.dot(o1, h_ref[HALF:, :], preferred_element_type=jnp.float32))
    out_ref[0] = acc * dinv


def _stage_b(agg0, hw0p, H1, deg2):
    return pl.pallas_call(
        _stage_b_body,
        grid=(NBLK, 2),
        in_specs=[
            pl.BlockSpec((2, RB, HALF), lambda i, h: (0, i, 0)),
            pl.BlockSpec((2, RB, HALF), lambda i, h: (0, i, 0)),
            pl.BlockSpec((D, HALF), lambda i, h: (0, h)),
            pl.BlockSpec((2, RB, 1), lambda i, h: (0, i, 0)),
        ],
        out_specs=pl.BlockSpec((1, RB, HALF), lambda i, h: (h, i, 0)),
        out_shape=jax.ShapeDtypeStruct((2, N, HALF), jnp.float32),
    )(agg0, hw0p, H1, deg2)


def _stage_c_body(agg_ref, hw_ref, deg_ref, out_ref):
    d = deg_ref[0, :, :] + deg_ref[1, :, :] + 1.0
    dinv = lax.rsqrt(jnp.maximum(d, 1.0))
    out_ref[...] = jnp.maximum(dinv * (agg_ref[0] + hw_ref[0]), 0.0)


def _stage_c(agg1, hw1p, deg2):
    return pl.pallas_call(
        _stage_c_body,
        grid=(NBLK, 2),
        in_specs=[
            pl.BlockSpec((1, RB, HALF), lambda i, h: (h, i, 0)),
            pl.BlockSpec((1, RB, HALF), lambda i, h: (h, i, 0)),
            pl.BlockSpec((2, RB, 1), lambda i, h: (0, i, 0)),
        ],
        out_specs=pl.BlockSpec((RB, HALF), lambda i, h: (i, h)),
        out_shape=jax.ShapeDtypeStruct((N, D), jnp.float32),
    )(agg1, hw1p, deg2)


EDGES_PT = E // NTILE
NFULL = EDGES_PT // CHUNK
TAIL = EDGES_PT - NFULL * CHUNK


def _zero_rows(buf, nrows):
    zero16 = jnp.zeros((16,), jnp.float32)
    ncol = buf.shape[1] // 16

    def zrow(r, carry):
        for k in range(ncol):
            buf[r, pl.ds(k * 16, 16)] = zero16
        return carry

    lax.fori_loop(0, nrows, zrow, 0, unroll=False)


def _spmm_sc_body(table, ei, out,
                  s0, d0, s1, d1, st, dt, rows0, rows1, acc,
                  semi0, semi1, semg0, semg1):
    c = lax.axis_index("c")
    s = lax.axis_index("s")
    soff = s * EDGES_PT
    doff = E + s * EDGES_PT

    def idx_start(j, sb, db, sem):
        pltpu.async_copy(ei.at[pl.ds(soff + j * CHUNK, CHUNK)], sb, sem)
        pltpu.async_copy(ei.at[pl.ds(doff + j * CHUNK, CHUNK)], db, sem)

    def idx_wait(sb, db, sem):
        pltpu.make_async_copy(ei.at[pl.ds(0, CHUNK)], sb, sem).wait()
        pltpu.make_async_copy(ei.at[pl.ds(0, CHUNK)], db, sem).wait()

    def gather_start(sb, rbuf, sem):
        pltpu.async_copy(table.at[c].at[sb], rbuf, sem)

    def gather_wait(rbuf, sem):
        pltpu.make_async_copy(table.at[c].at[s0], rbuf, sem).wait()

    idx_start(0, s0, d0, semi0)
    idx_start(1, s1, d1, semi1)
    _zero_rows(rows0, CHUNK)
    for q in range(5):
        pltpu.sync_copy(rows0, acc.at[pl.ds(s * RPT + q * CHUNK, CHUNK)])
    plsc.subcore_barrier()

    idx_wait(s0, d0, semi0)
    gather_start(s0, rows0, semg0)
    idx_wait(s1, d1, semi1)
    gather_start(s1, rows1, semg1)

    def body(g, carry):
        j = 2 * g
        gather_wait(rows0, semg0)
        pltpu.sync_copy(rows0, acc.at[d0], add=True)
        idx_start(j + 2, s0, d0, semi0)
        gather_wait(rows1, semg1)
        pltpu.sync_copy(rows1, acc.at[d1], add=True)
        idx_start(j + 3, s1, d1, semi1)
        idx_wait(s0, d0, semi0)
        gather_start(s0, rows0, semg0)
        idx_wait(s1, d1, semi1)
        gather_start(s1, rows1, semg1)
        return carry

    lax.fori_loop(0, (NFULL - 2) // 2, body, 0, unroll=False)
    gather_wait(rows0, semg0)
    pltpu.sync_copy(rows0, acc.at[d0], add=True)
    gather_wait(rows1, semg1)
    pltpu.sync_copy(rows1, acc.at[d1], add=True)

    pltpu.sync_copy(ei.at[pl.ds(soff + NFULL * CHUNK, TAIL)], st)
    pltpu.sync_copy(ei.at[pl.ds(doff + NFULL * CHUNK, TAIL)], dt)
    pltpu.async_copy(table.at[c].at[st], rows0.at[pl.ds(0, TAIL)], semg0)
    pltpu.make_async_copy(table.at[c].at[st], rows0.at[pl.ds(0, TAIL)],
                          semg0).wait()
    pltpu.sync_copy(rows0.at[pl.ds(0, TAIL)], acc.at[dt], add=True)

    plsc.subcore_barrier()
    pltpu.sync_copy(acc.at[pl.ds(s * RPT, RPT)],
                    out.at[c].at[pl.ds(s * RPT, RPT)])


_spmm_call = pl.kernel(
    _spmm_sc_body,
    out_type=jax.ShapeDtypeStruct((NSC, ACC_ROWS, HALF), jnp.float32),
    mesh=plsc.VectorSubcoreMesh(core_axis_name="c", subcore_axis_name="s"),
    scratch_types=[
        pltpu.VMEM((CHUNK,), jnp.int32),
        pltpu.VMEM((CHUNK,), jnp.int32),
        pltpu.VMEM((CHUNK,), jnp.int32),
        pltpu.VMEM((CHUNK,), jnp.int32),
        pltpu.VMEM((TAIL,), jnp.int32),
        pltpu.VMEM((TAIL,), jnp.int32),
        pltpu.VMEM((CHUNK, HALF), jnp.float32),
        pltpu.VMEM((CHUNK, HALF), jnp.float32),
        pltpu.VMEM_SHARED((ACC_ROWS, HALF), jnp.float32),
        pltpu.SemaphoreType.DMA,
        pltpu.SemaphoreType.DMA,
        pltpu.SemaphoreType.DMA,
        pltpu.SemaphoreType.DMA,
    ],
)


def _spmm_sc(table2, ei):
    return _spmm_call(table2, ei)


EPT = 10240
NSEG = EPT // NTILE


def _deg_sc_body(ei, degout, d0, dt, ones, zbuf, degacc):
    c = lax.axis_index("c")
    s = lax.axis_index("s")
    doff = E + s * EDGES_PT
    one16 = jnp.ones((16,), jnp.float32)
    zero16 = jnp.zeros((16,), jnp.float32)
    for k in range(CHUNK // 16):
        ones[pl.ds(16 * k, 16)] = one16

    def zrow(r, carry):
        zbuf[pl.ds(r * 16, 16)] = zero16
        return carry

    lax.fori_loop(0, NSEG // 16, zrow, 0, unroll=False)
    pltpu.sync_copy(zbuf, degacc.at[pl.ds(s * NSEG, NSEG)])
    plsc.subcore_barrier()

    def chunk_body(j, carry):
        pltpu.sync_copy(ei.at[pl.ds(doff + j * CHUNK, CHUNK)], d0)
        pltpu.sync_copy(ones, degacc.at[d0], add=True)
        return carry

    lax.fori_loop(c * (NFULL // 2), (c + 1) * (NFULL // 2), chunk_body, 0,
                  unroll=False)

    @pl.when(c == 1)
    def _():
        pltpu.sync_copy(ei.at[pl.ds(doff + NFULL * CHUNK, TAIL)], dt)
        pltpu.sync_copy(ones.at[pl.ds(0, TAIL)], degacc.at[dt], add=True)

    plsc.subcore_barrier()
    pltpu.sync_copy(degacc.at[pl.ds(s * NSEG, NSEG)],
                    degout.at[c].at[pl.ds(s * NSEG, NSEG)])


_deg_call = pl.kernel(
    _deg_sc_body,
    out_type=jax.ShapeDtypeStruct((NSC, EPT), jnp.float32),
    mesh=plsc.VectorSubcoreMesh(core_axis_name="c", subcore_axis_name="s"),
    scratch_types=[
        pltpu.VMEM((CHUNK,), jnp.int32),
        pltpu.VMEM((TAIL,), jnp.int32),
        pltpu.VMEM((CHUNK,), jnp.float32),
        pltpu.VMEM((NSEG,), jnp.float32),
        pltpu.VMEM_SHARED((EPT,), jnp.float32),
    ],
)


def _degree_sc(ei):
    return _deg_call(ei)[:, :N, None]


def kernel(x, edge_index, W0_0, Wz_0, Uz_0, bz_0, Wr_0, Ur_0, br_0, Wh_0, Uh_0, bh_0,
           W0_1, Wz_1, Uz_1, bz_1, Wr_1, Ur_1, br_1, Wh_1, Uh_1, bh_1):
    H0, H1 = _gru_evolve(
        (W0_0, Wz_0, Uz_0, bz_0, Wr_0, Ur_0, br_0, Wh_0, Uh_0, bh_0),
        (W0_1, Wz_1, Uz_1, bz_1, Wr_1, Ur_1, br_1, Wh_1, Uh_1, bh_1))
    ei = edge_index.reshape(2 * E)
    deg2 = _degree_sc(ei)
    hw0p = _stage_a(x.reshape(N, T * D), H0, deg2)
    agg0 = _spmm_sc(hw0p, ei)
    hw1p = _stage_b(agg0, hw0p, H1, deg2)
    agg1 = _spmm_sc(hw1p, ei)
    return _stage_c(agg1, hw1p, deg2)

# --- scband reference (transcript-rebuilt; emitter-appended) ---
"""Pipeline reference for scband-evolve-gcn-90915867722296 (READ-ONLY COPY).

The authoritative reference and input builder live on the scoring server;
editing this copy changes nothing except your own understanding.
"""

import jax, jax.numpy as jnp
import numpy as np

N_NODES = 10000
N_EDGES = 160000
T = 8
D_IN = 256
D_HID = 256
N_LAYERS = 2


def setup_inputs(seed: int = 0) -> dict:
    key = jax.random.key(seed)
    ks = jax.random.split(key, 64)
    inp = {}
    inp["x"] = jax.random.normal(ks[0], (N_NODES, T, D_IN), dtype=jnp.float32)
    inp["edge_index"] = jax.random.randint(ks[1], (2, N_EDGES), 0, N_NODES, dtype=jnp.int32)
    idx = 2
    for c in range(N_LAYERS):
        din = D_IN if c == 0 else D_HID
        s = 1.0 / np.sqrt(din)
        inp["W0_%d" % c] = jax.random.normal(ks[idx], (din, D_HID), dtype=jnp.float32) * s; idx += 1
        for g in ["z", "r", "h"]:
            inp["W%s_%d" % (g, c)] = jax.random.normal(ks[idx], (din, din), dtype=jnp.float32) * s; idx += 1
            inp["U%s_%d" % (g, c)] = jax.random.normal(ks[idx], (din, din), dtype=jnp.float32) * s; idx += 1
            inp["b%s_%d" % (g, c)] = jnp.zeros((din, 1), dtype=jnp.float32)
    return inp


def _forward(x, edge_index, params):
    N = x.shape[0]
    src = edge_index[0]
    dst = edge_index[1]
    loop = jnp.arange(N, dtype=src.dtype)
    src_f = jnp.concatenate([src, loop])
    dst_f = jnp.concatenate([dst, loop])
    deg = jnp.zeros((N,), jnp.float32).at[dst_f].add(1.0)
    dinv = jax.lax.rsqrt(jnp.maximum(deg, 1.0))
    coef = (dinv[src_f] * dinv[dst_f])[:, None]
    h = [None] * N_LAYERS
    steps = x.shape[1]
    out = x[:, 0, :]
    for t in range(steps):
        out = x[:, t, :]
        for c in range(N_LAYERS):
            # EvolveGCN-O: GCN weight matrix evolves via a matrix-GRU whose
            # input and hidden state are both the previous weight matrix.
            H = params["W0_%d" % c] if h[c] is None else h[c]
            z = jax.nn.sigmoid(params["Wz_%d" % c] @ H + params["Uz_%d" % c] @ H + params["bz_%d" % c])
            r = jax.nn.sigmoid(params["Wr_%d" % c] @ H + params["Ur_%d" % c] @ H + params["br_%d" % c])
            ht = jnp.tanh(params["Wh_%d" % c] @ H + params["Uh_%d" % c] @ (r * H) + params["bh_%d" % c])
            Hn = (1.0 - z) * H + z * ht
            # symmetric-normalized GCN propagation with self-loops
            hw = out @ Hn
            msg = hw[src_f] * coef
            agg = jnp.zeros((N, Hn.shape[1]), hw.dtype).at[dst_f].add(msg)
            out = jax.nn.relu(agg)
            h[c] = Hn
    return out


def reference(x, edge_index, W0_0, Wz_0, Uz_0, bz_0, Wr_0, Ur_0, br_0, Wh_0, Uh_0, bh_0,
              W0_1, Wz_1, Uz_1, bz_1, Wr_1, Ur_1, br_1, Wh_1, Uh_1, bh_1):
    params = {
        "W0_0": W0_0, "Wz_0": Wz_0, "Uz_0": Uz_0, "bz_0": bz_0,
        "Wr_0": Wr_0, "Ur_0": Ur_0, "br_0": br_0,
        "Wh_0": Wh_0, "Uh_0": Uh_0, "bh_0": bh_0,
        "W0_1": W0_1, "Wz_1": Wz_1, "Uz_1": Uz_1, "bz_1": bz_1,
        "Wr_1": Wr_1, "Ur_1": Ur_1, "br_1": br_1,
        "Wh_1": Wh_1, "Uh_1": Uh_1, "bh_1": bh_1,
    }
    return _forward(x, edge_index, params)

if __name__ == "__main__":
    import jax
    _d = setup_inputs()
    print(jax.jit(kernel)(*tuple(_d.values())))

</pallas_src>

<mosaic_0001>
#map = affine_map<(d0, d1) -> (0)>
#map1 = affine_map<(d0, d1) -> (0, 0)>
module attributes {stable_mosaic.version = 14 : i64} {
  func.func @_deg_sc_body(%arg0: i32, %arg1: i32, %arg2: memref<320000xi32, #tpu.memory_space<hbm>>, %arg3: memref<2x10240xf32, #tpu.memory_space<hbm>>, %arg4: memref<128xi32, #tpu.memory_space<vmem>>, %arg5: memref<16xi32, #tpu.memory_space<vmem>>, %arg6: memref<128xf32, #tpu.memory_space<vmem>>, %arg7: memref<640xf32, #tpu.memory_space<vmem>>, %arg8: memref<10240xf32, #tpu.memory_space<vmem_shared>>) attributes {dimension_semantics = [#tpu.dimension_semantics<core_parallel>, #tpu.dimension_semantics<subcore_parallel>], iteration_bounds = array<i64: 2, 16>, scalar_prefetch = 0 : i64, scratch_operands = 5 : i64, tpu.core_type = #tpu.core_type<sc_vector_subcore>, window_params = [{transform_indices = #map}, {transform_indices = #map1}]} {
    %mul3A = arith.constant 10000 : i32
    %mul3A_0 = arith.muli %arg1, %mul3A : i32
    %add3A = arith.constant 160000 : i32
    %add3A_1 = arith.addi %add3A, %mul3A_0 : i32
    %broadcast_in_dim3A = arith.constant 1.000000e+00 : f32
    %broadcast_in_dim3A_2 = vector.broadcast %broadcast_in_dim3A : f32 to vector<16xf32>
    %broadcast_in_dim3A_3 = arith.constant 0.000000e+00 : f32
    %broadcast_in_dim3A_4 = vector.broadcast %broadcast_in_dim3A_3 : f32 to vector<16xf32>
    %swap3A = arith.constant 0 : index
    %swap3A_5 = tpu.vector_load %arg6[%swap3A] {strides = array<i32>} : memref<128xf32, #tpu.memory_space<vmem>>, vector<16xf32>,
    %swap3A_6 = vector.shape_cast %swap3A_5 : vector<16xf32> to vector<16xf32>
    %swap3A_7 = vector.shape_cast %broadcast_in_dim3A_2 : vector<16xf32> to vector<16xf32>
    tpu.vector_store %arg6[%swap3A], %swap3A_7 {strides = array<i32>} : memref<128xf32, #tpu.memory_space<vmem>>, vector<16xf32>,
    %swap3A_8 = arith.constant 16 : index
    %swap3A_9 = tpu.vector_load %arg6[%swap3A_8] {strides = array<i32>} : memref<128xf32, #tpu.memory_space<vmem>>, vector<16xf32>,
    %swap3A_10 = vector.shape_cast %swap3A_9 : vector<16xf32> to vector<16xf32>
    %swap3A_11 = vector.shape_cast %broadcast_in_dim3A_2 : vector<16xf32> to vector<16xf32>
    tpu.vector_store %arg6[%swap3A_8], %swap3A_11 {strides = array<i32>} : memref<128xf32, #tpu.memory_space<vmem>>, vector<16xf32>,
    %swap3A_12 = arith.constant 32 : index
    %swap3A_13 = tpu.vector_load %arg6[%swap3A_12] {strides = array<i32>} : memref<128xf32, #tpu.memory_space<vmem>>, vector<16xf32>,
    %swap3A_14 = vector.shape_cast %swap3A_13 : vector<16xf32> to vector<16xf32>
    %swap3A_15 = vector.shape_cast %broadcast_in_dim3A_2 : vector<16xf32> to vector<16xf32>
    tpu.vector_store %arg6[%swap3A_12], %swap3A_15 {strides = array<i32>} : memref<128xf32, #tpu.memory_space<vmem>>, vector<16xf32>,
    %swap3A_16 = arith.constant 48 : index
    %swap3A_17 = tpu.vector_load %arg6[%swap3A_16] {strides = array<i32>} : memref<128xf32, #tpu.memory_space<vmem>>, vector<16xf32>,
    %swap3A_18 = vector.shape_cast %swap3A_17 : vector<16xf32> to vector<16xf32>
    %swap3A_19 = vector.shape_cast %broadcast_in_dim3A_2 : vector<16xf32> to vector<16xf32>
    tpu.vector_store %arg6[%swap3A_16], %swap3A_19 {strides = array<i32>} : memref<128xf32, #tpu.memory_space<vmem>>, vector<16xf32>,
    %swap3A_20 = arith.constant 64 : index
    %swap3A_21 = tpu.vector_load %arg6[%swap3A_20] {strides = array<i32>} : memref<128xf32, #tpu.memory_space<vmem>>, vector<16xf32>,
    %swap3A_22 = vector.shape_cast %swap3A_21 : vector<16xf32> to vector<16xf32>
    %swap3A_23 = vector.shape_cast %broadcast_in_dim3A_2 : vector<16xf32> to vector<16xf32>
    tpu.vector_store %arg6[%swap3A_20], %swap3A_23 {strides = array<i32>} : memref<128xf32, #tpu.memory_space<vmem>>, vector<16xf32>,
    %swap3A_24 = arith.constant 80 : index
    %swap3A_25 = tpu.vector_load %arg6[%swap3A_24] {strides = array<i32>} : memref<128xf32, #tpu.memory_space<vmem>>, vector<16xf32>,
    %swap3A_26 = vector.shape_cast %swap3A_25 : vector<16xf32> to vector<16xf32>
    %swap3A_27 = vector.shape_cast %broadcast_in_dim3A_2 : vector<16xf32> to vector<16xf32>
    tpu.vector_store %arg6[%swap3A_24], %swap3A_27 {strides = array<i32>} : memref<128xf32, #tpu.memory_space<vmem>>, vector<16xf32>,
    %swap3A_28 = arith.constant 96 : index
    %swap3A_29 = tpu.vector_load %arg6[%swap3A_28] {strides = array<i32>} : memref<128xf32, #tpu.memory_space<vmem>>, vector<16xf32>,
    %swap3A_30 = vector.shape_cast %swap3A_29 : vector<16xf32> to vector<16xf32>
    %swap3A_31 = vector.shape_cast %broadcast_in_dim3A_2 : vector<16xf32> to vector<16xf32>
    tpu.vector_store %arg6[%swap3A_28], %swap3A_31 {strides = array<i32>} : memref<128xf32, #tpu.memory_space<vmem>>, vector<16xf32>,
    %swap3A_32 = arith.constant 112 : index
    %swap3A_33 = tpu.vector_load %arg6[%swap3A_32] {strides = array<i32>} : memref<128xf32, #tpu.memory_space<vmem>>, vector<16xf32>,
    %swap3A_34 = vector.shape_cast %swap3A_33 : vector<16xf32> to vector<16xf32>
    %swap3A_35 = vector.shape_cast %broadcast_in_dim3A_2 : vector<16xf32> to vector<16xf32>
    tpu.vector_store %arg6[%swap3A_32], %swap3A_35 {strides = array<i32>} : memref<128xf32, #tpu.memory_space<vmem>>, vector<16xf32>,
    %scan3A = arith.constant 0 : i32
    %scan3A_36 = arith.constant 0 : i32
    %scan3A_37 = arith.constant 40 : i32
    %scan3A_38 = arith.addi %scan3A_36, %scan3A_37 : i32
    %scan3A_39 = arith.constant 1 : i32
    scf.for %scan3A_64 = %scan3A_36 to %scan3A_38 step %scan3A_39  : i32 {
      %mul3A_65 = arith.constant 16 : i32
      %mul3A_66 = arith.muli %scan3A_64, %mul3A_65 : i32
      %swap3A_67 = arith.index_cast %mul3A_66 : i32 to index
      %swap3A_68 = tpu.vector_load %arg7[%swap3A_67] {strides = array<i32>} : memref<640xf32, #tpu.memory_space<vmem>>, vector<16xf32>,
      %swap3A_69 = vector.shape_cast %swap3A_68 : vector<16xf32> to vector<16xf32>
      %swap3A_70 = vector.shape_cast %broadcast_in_dim3A_4 : vector<16xf32> to vector<16xf32>
      tpu.vector_store %arg7[%swap3A_67], %swap3A_70 {strides = array<i32>} : memref<640xf32, #tpu.memory_space<vmem>>, vector<16xf32>,
    }
    %scan3A_40 = arith.constant 40 : i32
    %mul3A_41 = arith.constant 640 : i32
    %mul3A_42 = arith.muli %arg1, %mul3A_41 : i32
    "tpu.region"() ({
      %run_scoped3A = tpu.sem_alloc : memref<!tpu.dma_semaphore, #tpu.memory_space<semaphore_mem>>
      %dma_start3A = tpu.memref_slice %arg8[%mul3A_42] : memref<10240xf32, #tpu.memory_space<vmem_shared>> -> memref<640xf32, #tpu.memory_space<vmem_shared>>
      %dma_start3A_64 = tpu.memref_slice %arg8[%mul3A_42] : memref<10240xf32, #tpu.memory_space<vmem_shared>> -> memref<640xf32, #tpu.memory_space<vmem_shared>>
      tpu.enqueue_dma source(%arg7 : memref<640xf32, #tpu.memory_space<vmem>>) target(%dma_start3A_64 : memref<640xf32, #tpu.memory_space<vmem_shared>>) target_semaphore(%run_scoped3A : memref<!tpu.dma_semaphore, #tpu.memory_space<semaphore_mem>>)
      %dma_wait3A = tpu.memref_slice %arg8[%mul3A_42] : memref<10240xf32, #tpu.memory_space<vmem_shared>> -> memref<640xf32, #tpu.memory_space<vmem_shared>>
      %dma_wait3A_65 = tpu.memref_slice %arg8[%mul3A_42] : memref<10240xf32, #tpu.memory_space<vmem_shared>> -> memref<640xf32, #tpu.memory_space<vmem_shared>>
      tpu.wait_dma2 semaphore(%run_scoped3A : memref<!tpu.dma_semaphore, #tpu.memory_space<semaphore_mem>>) src(%arg7 : memref<640xf32, #tpu.memory_space<vmem>>) dst(%dma_wait3A_65 : memref<640xf32, #tpu.memory_space<vmem_shared>>)
      tpu.yield
    }) : () -> ()
    %barrier3A = arith.constant 0 : index
    tpu.barrier barrier_id(%barrier3A)
    %mul3A_43 = arith.constant 39 : i32
    %mul3A_44 = arith.muli %arg0, %mul3A_43 : i32
    %add3A_45 = arith.constant 1 : i32
    %add3A_46 = arith.addi %arg0, %add3A_45 : i32
    %mul3A_47 = arith.constant 39 : i32
    %mul3A_48 = arith.muli %add3A_46, %mul3A_47 : i32
    %while3A = arith.constant 0 : i32
    %while3A_49 = arith.subi %mul3A_48, %mul3A_44 : i32
    %while3A_50 = arith.addi %mul3A_44, %while3A_49 : i32
    %while3A_51 = arith.constant 1 : i32
    %while3A_52 = arith.divsi %while3A_49, %while3A_51 : i32
    %while3A_53 = arith.muli %while3A_52, %while3A_51 : i32
    %while3A_54 = arith.addi %mul3A_44, %while3A_53 : i32
    %while3A_55 = arith.constant 1 : i32
    scf.for %while3A_64 = %mul3A_44 to %while3A_54 step %while3A_55  : i32 {
      %mul3A_65 = arith.constant 128 : i32
      %mul3A_66 = arith.muli %while3A_64, %mul3A_65 : i32
      %add3A_67 = arith.addi %add3A_1, %mul3A_66 : i32
      "tpu.region"() ({
        %run_scoped3A = tpu.sem_alloc : memref<!tpu.dma_semaphore, #tpu.memory_space<semaphore_mem>>
        %dma_start3A = tpu.memref_slice %arg2[%add3A_67] : memref<320000xi32, #tpu.memory_space<hbm>> -> memref<128xi32, #tpu.memory_space<hbm>>
        %dma_start3A_68 = tpu.memref_slice %arg2[%add3A_67] : memref<320000xi32, #tpu.memory_space<hbm>> -> memref<128xi32, #tpu.memory_space<hbm>>
        tpu.enqueue_dma source(%dma_start3A_68 : memref<128xi32, #tpu.memory_space<hbm>>) target(%arg4 : memref<128xi32, #tpu.memory_space<vmem>>) target_semaphore(%run_scoped3A : memref<!tpu.dma_semaphore, #tpu.memory_space<semaphore_mem>>)
        %dma_wait3A = tpu.memref_slice %arg2[%add3A_67] : memref<320000xi32, #tpu.memory_space<hbm>> -> memref<128xi32, #tpu.memory_space<hbm>>
        %dma_wait3A_69 = tpu.memref_slice %arg2[%add3A_67] : memref<320000xi32, #tpu.memory_space<hbm>> -> memref<128xi32, #tpu.memory_space<hbm>>
        tpu.wait_dma2 semaphore(%run_scoped3A : memref<!tpu.dma_semaphore, #tpu.memory_space<semaphore_mem>>) src(%dma_wait3A_69 : memref<128xi32, #tpu.memory_space<hbm>>) dst(%arg4 : memref<128xi32, #tpu.memory_space<vmem>>)
        tpu.yield
      }) : () -> ()
      "tpu.region"() ({
        %run_scoped3A = tpu.sem_alloc : memref<!tpu.dma_semaphore, #tpu.memory_space<semaphore_mem>>
        %dma_start3A = arith.constant 0 : i32
        %dma_start3A_68 = tpu.memref_slice %arg8[%dma_start3A] : memref<10240xf32, #tpu.memory_space<vmem_shared>> -> memref<10240xf32, #tpu.memory_space<vmem_shared>>
        tpu.enqueue_indirect_dma source(%arg6 : memref<128xf32, #tpu.memory_space<vmem>>) target(%dma_start3A_68 : memref<10240xf32, #tpu.memory_space<vmem_shared>>) offsets(%arg4 : memref<128xi32, #tpu.memory_space<vmem>>) semaphore(%run_scoped3A : memref<!tpu.dma_semaphore, #tpu.memory_space<semaphore_mem>>) {add = true}
        %dma_wait3A = arith.constant 0 : i32
        %dma_wait3A_69 = tpu.memref_slice %arg8[%dma_wait3A] : memref<10240xf32, #tpu.memory_space<vmem_shared>> -> memref<10240xf32, #tpu.memory_space<vmem_shared>>
        tpu.wait_indirect_dma semaphore(%run_scoped3A : memref<!tpu.dma_semaphore, #tpu.memory_space<semaphore_mem>>) src(%arg6 : memref<128xf32, #tpu.memory_space<vmem>>) dst(%dma_wait3A_69 : memref<10240xf32, #tpu.memory_space<vmem_shared>>)
        tpu.yield
      }) : () -> ()
    }
    %while3A_56 = arith.constant 1 : i32
    scf.for %while3A_64 = %while3A_54 to %while3A_50 step %while3A_56  : i32 {
      %mul3A_65 = arith.constant 128 : i32
      %mul3A_66 = arith.muli %while3A_64, %mul3A_65 : i32
      %add3A_67 = arith.addi %add3A_1, %mul3A_66 : i32
      "tpu.region"() ({
        %run_scoped3A = tpu.sem_alloc : memref<!tpu.dma_semaphore, #tpu.memory_space<semaphore_mem>>
        %dma_start3A = tpu.memref_slice %arg2[%add3A_67] : memref<320000xi32, #tpu.memory_space<hbm>> -> memref<128xi32, #tpu.memory_space<hbm>>
        %dma_start3A_68 = tpu.memref_slice %arg2[%add3A_67] : memref<320000xi32, #tpu.memory_space<hbm>> -> memref<128xi32, #tpu.memory_space<hbm>>
        tpu.enqueue_dma source(%dma_start3A_68 : memref<128xi32, #tpu.memory_space<hbm>>) target(%arg4 : memref<128xi32, #tpu.memory_space<vmem>>) target_semaphore(%run_scoped3A : memref<!tpu.dma_semaphore, #tpu.memory_space<semaphore_mem>>)
        %dma_wait3A = tpu.memref_slice %arg2[%add3A_67] : memref<320000xi32, #tpu.memory_space<hbm>> -> memref<128xi32, #tpu.memory_space<hbm>>
        %dma_wait3A_69 = tpu.memref_slice %arg2[%add3A_67] : memref<320000xi32, #tpu.memory_space<hbm>> -> memref<128xi32, #tpu.memory_space<hbm>>
        tpu.wait_dma2 semaphore(%run_scoped3A : memref<!tpu.dma_semaphore, #tpu.memory_space<semaphore_mem>>) src(%dma_wait3A_69 : memref<128xi32, #tpu.memory_space<hbm>>) dst(%arg4 : memref<128xi32, #tpu.memory_space<vmem>>)
        tpu.yield
      }) : () -> ()
      "tpu.region"() ({
        %run_scoped3A = tpu.sem_alloc : memref<!tpu.dma_semaphore, #tpu.memory_space<semaphore_mem>>
        %dma_start3A = arith.constant 0 : i32
        %dma_start3A_68 = tpu.memref_slice %arg8[%dma_start3A] : memref<10240xf32, #tpu.memory_space<vmem_shared>> -> memref<10240xf32, #tpu.memory_space<vmem_shared>>
        tpu.enqueue_indirect_dma source(%arg6 : memref<128xf32, #tpu.memory_space<vmem>>) target(%dma_start3A_68 : memref<10240xf32, #tpu.memory_space<vmem_shared>>) offsets(%arg4 : memref<128xi32, #tpu.memory_space<vmem>>) semaphore(%run_scoped3A : memref<!tpu.dma_semaphore, #tpu.memory_space<semaphore_mem>>) {add = true}
        %dma_wait3A = arith.constant 0 : i32
        %dma_wait3A_69 = tpu.memref_slice %arg8[%dma_wait3A] : memref<10240xf32, #tpu.memory_space<vmem_shared>> -> memref<10240xf32, #tpu.memory_space<vmem_shared>>
        tpu.wait_indirect_dma semaphore(%run_scoped3A : memref<!tpu.dma_semaphore, #tpu.memory_space<semaphore_mem>>) src(%arg6 : memref<128xf32, #tpu.memory_space<vmem>>) dst(%dma_wait3A_69 : memref<10240xf32, #tpu.memory_space<vmem_shared>>)
        tpu.yield
      }) : () -> ()
    }
    %eq3A = arith.constant 1 : i32
    %eq3A_57 = arith.cmpi eq, %arg0, %eq3A : i32
    %convert_element_type3A = arith.extui %eq3A_57 : i1 to i32
    %cond3A = arith.constant 0 : i32
    %cond3A_58 = arith.cmpi ne, %convert_element_type3A, %cond3A : i32
    scf.if %cond3A_58 {
      %add3A_64 = arith.constant 9984 : i32
      %add3A_65 = arith.addi %add3A_1, %add3A_64 : i32
      "tpu.region"() ({
        %run_scoped3A = tpu.sem_alloc : memref<!tpu.dma_semaphore, #tpu.memory_space<semaphore_mem>>
        %dma_start3A = tpu.memref_slice %arg2[%add3A_65] : memref<320000xi32, #tpu.memory_space<hbm>> -> memref<16xi32, #tpu.memory_space<hbm>>
        %dma_start3A_66 = tpu.memref_slice %arg2[%add3A_65] : memref<320000xi32, #tpu.memory_space<hbm>> -> memref<16xi32, #tpu.memory_space<hbm>>
        tpu.enqueue_dma source(%dma_start3A_66 : memref<16xi32, #tpu.memory_space<hbm>>) target(%arg5 : memref<16xi32, #tpu.memory_space<vmem>>) target_semaphore(%run_scoped3A : memref<!tpu.dma_semaphore, #tpu.memory_space<semaphore_mem>>)
        %dma_wait3A = tpu.memref_slice %arg2[%add3A_65] : memref<320000xi32, #tpu.memory_space<hbm>> -> memref<16xi32, #tpu.memory_space<hbm>>
        %dma_wait3A_67 = tpu.memref_slice %arg2[%add3A_65] : memref<320000xi32, #tpu.memory_space<hbm>> -> memref<16xi32, #tpu.memory_space<hbm>>
        tpu.wait_dma2 semaphore(%run_scoped3A : memref<!tpu.dma_semaphore, #tpu.memory_space<semaphore_mem>>) src(%dma_wait3A_67 : memref<16xi32, #tpu.memory_space<hbm>>) dst(%arg5 : memref<16xi32, #tpu.memory_space<vmem>>)
        tpu.yield
      }) : () -> ()
      "tpu.region"() ({
        %run_scoped3A = tpu.sem_alloc : memref<!tpu.dma_semaphore, #tpu.memory_space<semaphore_mem>>
        %dma_start3A = arith.constant 0 : i32
        %dma_start3A_66 = tpu.memref_slice %arg6[%dma_start3A] : memref<128xf32, #tpu.memory_space<vmem>> -> memref<16xf32, #tpu.memory_space<vmem>>
        %dma_start3A_67 = arith.constant 0 : i32
        %dma_start3A_68 = tpu.memref_slice %arg8[%dma_start3A_67] : memref<10240xf32, #tpu.memory_space<vmem_shared>> -> memref<10240xf32, #tpu.memory_space<vmem_shared>>
        tpu.enqueue_indirect_dma source(%dma_start3A_66 : memref<16xf32, #tpu.memory_space<vmem>>) target(%dma_start3A_68 : memref<10240xf32, #tpu.memory_space<vmem_shared>>) offsets(%arg5 : memref<16xi32, #tpu.memory_space<vmem>>) semaphore(%run_scoped3A : memref<!tpu.dma_semaphore, #tpu.memory_space<semaphore_mem>>) {add = true}
        %dma_wait3A = arith.constant 0 : i32
        %dma_wait3A_69 = tpu.memref_slice %arg6[%dma_wait3A] : memref<128xf32, #tpu.memory_space<vmem>> -> memref<16xf32, #tpu.memory_space<vmem>>
        %dma_wait3A_70 = arith.constant 0 : i32
        %dma_wait3A_71 = tpu.memref_slice %arg8[%dma_wait3A_70] : memref<10240xf32, #tpu.memory_space<vmem_shared>> -> memref<10240xf32, #tpu.memory_space<vmem_shared>>
        tpu.wait_indirect_dma semaphore(%run_scoped3A : memref<!tpu.dma_semaphore, #tpu.memory_space<semaphore_mem>>) src(%dma_wait3A_69 : memref<16xf32, #tpu.memory_space<vmem>>) dst(%dma_wait3A_71 : memref<10240xf32, #tpu.memory_space<vmem_shared>>)
        tpu.yield
      }) : () -> ()
    } else {
    }
    %barrier3A_59 = arith.constant 0 : index
    tpu.barrier barrier_id(%barrier3A_59)
    %mul3A_60 = arith.constant 640 : i32
    %mul3A_61 = arith.muli %arg1, %mul3A_60 : i32
    %mul3A_62 = arith.constant 640 : i32
    %mul3A_63 = arith.muli %arg1, %mul3A_62 : i32
    "tpu.region"() ({
      %run_scoped3A = tpu.sem_alloc : memref<!tpu.dma_semaphore, #tpu.memory_space<semaphore_mem>>
      %dma_start3A = arith.constant 0 : i32
      %dma_start3A_64 = tpu.memref_slice %arg3[%arg0, %dma_start3A] : memref<2x10240xf32, #tpu.memory_space<hbm>> -> memref<1x10240xf32, #tpu.memory_space<hbm>>
      %dma_start3A_65 = tpu.memref_squeeze %dma_start3A_64 : memref<1x10240xf32, #tpu.memory_space<hbm>> -> memref<10240xf32, #tpu.memory_space<hbm>>
      %dma_start3A_66 = tpu.memref_slice %dma_start3A_65[%mul3A_63] : memref<10240xf32, #tpu.memory_space<hbm>> -> memref<640xf32, #tpu.memory_space<hbm>>
      %dma_start3A_67 = tpu.memref_slice %arg8[%mul3A_61] : memref<10240xf32, #tpu.memory_space<vmem_shared>> -> memref<640xf32, #tpu.memory_space<vmem_shared>>
      tpu.enqueue_dma source(%dma_start3A_67 : memref<640xf32, #tpu.memory_space<vmem_shared>>) target(%dma_start3A_66 : memref<640xf32, #tpu.memory_space<hbm>>) target_semaphore(%run_scoped3A : memref<!tpu.dma_semaphore, #tpu.memory_space<semaphore_mem>>)
      %dma_wait3A = arith.constant 0 : i32
      %dma_wait3A_68 = tpu.memref_slice %arg3[%arg0, %dma_wait3A] : memref<2x10240xf32, #tpu.memory_space<hbm>> -> memref<1x10240xf32, #tpu.memory_space<hbm>>
      %dma_wait3A_69 = tpu.memref_squeeze %dma_wait3A_68 : memref<1x10240xf32, #tpu.memory_space<hbm>> -> memref<10240xf32, #tpu.memory_space<hbm>>
      %dma_wait3A_70 = tpu.memref_slice %dma_wait3A_69[%mul3A_63] : memref<10240xf32, #tpu.memory_space<hbm>> -> memref<640xf32, #tpu.memory_space<hbm>>
      %dma_wait3A_71 = tpu.memref_slice %arg8[%mul3A_61] : memref<10240xf32, #tpu.memory_space<vmem_shared>> -> memref<640xf32, #tpu.memory_space<vmem_shared>>
      tpu.wait_dma2 semaphore(%run_scoped3A : memref<!tpu.dma_semaphore, #tpu.memory_space<semaphore_mem>>) src(%dma_wait3A_71 : memref<640xf32, #tpu.memory_space<vmem_shared>>) dst(%dma_wait3A_70 : memref<640xf32, #tpu.memory_space<hbm>>)
      tpu.yield
    }) : () -> ()
    return
  }
}

#map = affine_map<(d0, d1) -> (0, 0, 0)>
#map1 = affine_map<(d0, d1) -> (0)>
module attributes {stable_mosaic.version = 14 : i64} {
  func.func @_spmm_sc_body(%arg0: i32, %arg1: i32, %arg2: memref<2x10000x128xf32, #tpu.memory_space<hbm>>, %arg3: memref<320000xi32, #tpu.memory_space<hbm>>, %arg4: memref<2x10240x128xf32, #tpu.memory_space<hbm>>, %arg5: memref<128xi32, #tpu.memory_space<vmem>>, %arg6: memref<128xi32, #tpu.memory_space<vmem>>, %arg7: memref<128xi32, #tpu.memory_space<vmem>>, %arg8: memref<128xi32, #tpu.memory_space<vmem>>, %arg9: memref<16xi32, #tpu.memory_space<vmem>>, %arg10: memref<16xi32, #tpu.memory_space<vmem>>, %arg11: memref<128x128xf32, #tpu.memory_space<vmem>>, %arg12: memref<128x128xf32, #tpu.memory_space<vmem>>, %arg13: memref<10240x128xf32, #tpu.memory_space<vmem_shared>>, %arg14: memref<!tpu.dma_semaphore, #tpu.memory_space<semaphore_mem>>, %arg15: memref<!tpu.dma_semaphore, #tpu.memory_space<semaphore_mem>>, %arg16: memref<!tpu.dma_semaphore, #tpu.memory_space<semaphore_mem>>, %arg17: memref<!tpu.dma_semaphore, #tpu.memory_space<semaphore_mem>>) attributes {dimension_semantics = [#tpu.dimension_semantics<core_parallel>, #tpu.dimension_semantics<subcore_parallel>], iteration_bounds = array<i64: 2, 16>, scalar_prefetch = 0 : i64, scratch_operands = 13 : i64, tpu.core_type = #tpu.core_type<sc_vector_subcore>, window_params = [{transform_indices = #map}, {transform_indices = #map1}, {transform_indices = #map}]} {
    %mul3A = arith.constant 10000 : i32
    %mul3A_0 = arith.muli %arg1, %mul3A : i32
    %mul3A_1 = arith.constant 10000 : i32
    %mul3A_2 = arith.muli %arg1, %mul3A_1 : i32
    %add3A = arith.constant 160000 : i32
    %add3A_3 = arith.addi %add3A, %mul3A_2 : i32
    %add3A_4 = arith.constant 0 : i32
    %add3A_5 = arith.addi %mul3A_0, %add3A_4 : i32
    %dma_start3A = tpu.memref_slice %arg3[%add3A_5] : memref<320000xi32, #tpu.memory_space<hbm>> -> memref<128xi32, #tpu.memory_space<hbm>>
    %dma_start3A_6 = tpu.memref_slice %arg3[%add3A_5] : memref<320000xi32, #tpu.memory_space<hbm>> -> memref<128xi32, #tpu.memory_space<hbm>>
    tpu.enqueue_dma source(%dma_start3A_6 : memref<128xi32, #tpu.memory_space<hbm>>) target(%arg5 : memref<128xi32, #tpu.memory_space<vmem>>) target_semaphore(%arg14 : memref<!tpu.dma_semaphore, #tpu.memory_space<semaphore_mem>>)
    %add3A_7 = arith.constant 0 : i32
    %add3A_8 = arith.addi %add3A_3, %add3A_7 : i32
    %dma_start3A_9 = tpu.memref_slice %arg3[%add3A_8] : memref<320000xi32, #tpu.memory_space<hbm>> -> memref<128xi32, #tpu.memory_space<hbm>>
    %dma_start3A_10 = tpu.memref_slice %arg3[%add3A_8] : memref<320000xi32, #tpu.memory_space<hbm>> -> memref<128xi32, #tpu.memory_space<hbm>>
    tpu.enqueue_dma source(%dma_start3A_10 : memref<128xi32, #tpu.memory_space<hbm>>) target(%arg6 : memref<128xi32, #tpu.memory_space<vmem>>) target_semaphore(%arg14 : memref<!tpu.dma_semaphore, #tpu.memory_space<semaphore_mem>>)
    %add3A_11 = arith.constant 128 : i32
    %add3A_12 = arith.addi %mul3A_0, %add3A_11 : i32
    %dma_start3A_13 = tpu.memref_slice %arg3[%add3A_12] : memref<320000xi32, #tpu.memory_space<hbm>> -> memref<128xi32, #tpu.memory_space<hbm>>
    %dma_start3A_14 = tpu.memref_slice %arg3[%add3A_12] : memref<320000xi32, #tpu.memory_space<hbm>> -> memref<128xi32, #tpu.memory_space<hbm>>
    tpu.enqueue_dma source(%dma_start3A_14 : memref<128xi32, #tpu.memory_space<hbm>>) target(%arg7 : memref<128xi32, #tpu.memory_space<vmem>>) target_semaphore(%arg15 : memref<!tpu.dma_semaphore, #tpu.memory_space<semaphore_mem>>)
    %add3A_15 = arith.constant 128 : i32
    %add3A_16 = arith.addi %add3A_3, %add3A_15 : i32
    %dma_start3A_17 = tpu.memref_slice %arg3[%add3A_16] : memref<320000xi32, #tpu.memory_space<hbm>> -> memref<128xi32, #tpu.memory_space<hbm>>
    %dma_start3A_18 = tpu.memref_slice %arg3[%add3A_16] : memref<320000xi32, #tpu.memory_space<hbm>> -> memref<128xi32, #tpu.memory_space<hbm>>
    tpu.enqueue_dma source(%dma_start3A_18 : memref<128xi32, #tpu.memory_space<hbm>>) target(%arg8 : memref<128xi32, #tpu.memory_space<vmem>>) target_semaphore(%arg15 : memref<!tpu.dma_semaphore, #tpu.memory_space<semaphore_mem>>)
    %broadcast_in_dim3A = arith.constant 0.000000e+00 : f32
    %broadcast_in_dim3A_19 = vector.broadcast %broadcast_in_dim3A : f32 to vector<16xf32>
    %scan3A = arith.constant 0 : i32
    %scan3A_20 = arith.constant 0 : i32
    %scan3A_21 = arith.constant 128 : i32
    %scan3A_22 = arith.addi %scan3A_20, %scan3A_21 : i32
    %scan3A_23 = arith.constant 1 : i32
    scf.for %scan3A_123 = %scan3A_20 to %scan3A_22 step %scan3A_23  : i32 {
      %swap3A = arith.index_cast %scan3A_123 : i32 to index
      %swap3A_124 = arith.constant 0 : index
      %swap3A_125 = tpu.vector_load %arg11[%swap3A, %swap3A_124] {strides = array<i32>} : memref<128x128xf32, #tpu.memory_space<vmem>>, vector<1x16xf32>,
      %swap3A_126 = vector.shape_cast %swap3A_125 : vector<1x16xf32> to vector<16xf32>
      %swap3A_127 = vector.shape_cast %broadcast_in_dim3A_19 : vector<16xf32> to vector<1x16xf32>
      tpu.vector_store %arg11[%swap3A, %swap3A_124], %swap3A_127 {strides = array<i32>} : memref<128x128xf32, #tpu.memory_space<vmem>>, vector<1x16xf32>,
      %swap3A_128 = arith.index_cast %scan3A_123 : i32 to index
      %swap3A_129 = arith.constant 16 : index
      %swap3A_130 = tpu.vector_load %arg11[%swap3A_128, %swap3A_129] {strides = array<i32>} : memref<128x128xf32, #tpu.memory_space<vmem>>, vector<1x16xf32>,
      %swap3A_131 = vector.shape_cast %swap3A_130 : vector<1x16xf32> to vector<16xf32>
      %swap3A_132 = vector.shape_cast %broadcast_in_dim3A_19 : vector<16xf32> to vector<1x16xf32>
      tpu.vector_store %arg11[%swap3A_128, %swap3A_129], %swap3A_132 {strides = array<i32>} : memref<128x128xf32, #tpu.memory_space<vmem>>, vector<1x16xf32>,
      %swap3A_133 = arith.index_cast %scan3A_123 : i32 to index
      %swap3A_134 = arith.constant 32 : index
      %swap3A_135 = tpu.vector_load %arg11[%swap3A_133, %swap3A_134] {strides = array<i32>} : memref<128x128xf32, #tpu.memory_space<vmem>>, vector<1x16xf32>,
      %swap3A_136 = vector.shape_cast %swap3A_135 : vector<1x16xf32> to vector<16xf32>
      %swap3A_137 = vector.shape_cast %broadcast_in_dim3A_19 : vector<16xf32> to vector<1x16xf32>
      tpu.vector_store %arg11[%swap3A_133, %swap3A_134], %swap3A_137 {strides = array<i32>} : memref<128x128xf32, #tpu.memory_space<vmem>>, vector<1x16xf32>,
      %swap3A_138 = arith.index_cast %scan3A_123 : i32 to index
      %swap3A_139 = arith.constant 48 : index
      %swap3A_140 = tpu.vector_load %arg11[%swap3A_138, %swap3A_139] {strides = array<i32>} : memref<128x128xf32, #tpu.memory_space<vmem>>, vector<1x16xf32>,
      %swap3A_141 = vector.shape_cast %swap3A_140 : vector<1x16xf32> to vector<16xf32>
      %swap3A_142 = vector.shape_cast %broadcast_in_dim3A_19 : vector<16xf32> to vector<1x16xf32>
      tpu.vector_store %arg11[%swap3A_138, %swap3A_139], %swap3A_142 {strides = array<i32>} : memref<128x128xf32, #tpu.memory_space<vmem>>, vector<1x16xf32>,
      %swap3A_143 = arith.index_cast %scan3A_123 : i32 to index
      %swap3A_144 = arith.constant 64 : index
      %swap3A_145 = tpu.vector_load %arg11[%swap3A_143, %swap3A_144] {strides = array<i32>} : memref<128x128xf32, #tpu.memory_space<vmem>>, vector<1x16xf32>,
      %swap3A_146 = vector.shape_cast %swap3A_145 : vector<1x16xf32> to vector<16xf32>
      %swap3A_147 = vector.shape_cast %broadcast_in_dim3A_19 : vector<16xf32> to vector<1x16xf32>
      tpu.vector_store %arg11[%swap3A_143, %swap3A_144], %swap3A_147 {strides = array<i32>} : memref<128x128xf32, #tpu.memory_space<vmem>>, vector<1x16xf32>,
      %swap3A_148 = arith.index_cast %scan3A_123 : i32 to index
      %swap3A_149 = arith.constant 80 : index
      %swap3A_150 = tpu.vector_load %arg11[%swap3A_148, %swap3A_149] {strides = array<i32>} : memref<128x128xf32, #tpu.memory_space<vmem>>, vector<1x16xf32>,
      %swap3A_151 = vector.shape_cast %swap3A_150 : vector<1x16xf32> to vector<16xf32>
      %swap3A_152 = vector.shape_cast %broadcast_in_dim3A_19 : vector<16xf32> to vector<1x16xf32>
      tpu.vector_store %arg11[%swap3A_148, %swap3A_149], %swap3A_152 {strides = array<i32>} : memref<128x128xf32, #tpu.memory_space<vmem>>, vector<1x16xf32>,
      %swap3A_153 = arith.index_cast %scan3A_123 : i32 to index
      %swap3A_154 = arith.constant 96 : index
      %swap3A_155 = tpu.vector_load %arg11[%swap3A_153, %swap3A_154] {strides = array<i32>} : memref<128x128xf32, #tpu.memory_space<vmem>>, vector<1x16xf32>,
      %swap3A_156 = vector.shape_cast %swap3A_155 : vector<1x16xf32> to vector<16xf32>
      %swap3A_157 = vector.shape_cast %broadcast_in_dim3A_19 : vector<16xf32> to vector<1x16xf32>
      tpu.vector_store %arg11[%swap3A_153, %swap3A_154], %swap3A_157 {strides = array<i32>} : memref<128x128xf32, #tpu.memory_space<vmem>>, vector<1x16xf32>,
      %swap3A_158 = arith.index_cast %scan3A_123 : i32 to index
      %swap3A_159 = arith.constant 112 : index
      %swap3A_160 = tpu.vector_load %arg11[%swap3A_158, %swap3A_159] {strides = array<i32>} : memref<128x128xf32, #tpu.memory_space<vmem>>, vector<1x16xf32>,
      %swap3A_161 = vector.shape_cast %swap3A_160 : vector<1x16xf32> to vector<16xf32>
      %swap3A_162 = vector.shape_cast %broadcast_in_dim3A_19 : vector<16xf32> to vector<1x16xf32>
      tpu.vector_store %arg11[%swap3A_158, %swap3A_159], %swap3A_162 {strides = array<i32>} : memref<128x128xf32, #tpu.memory_space<vmem>>, vector<1x16xf32>,
    }
    %scan3A_24 = arith.constant 128 : i32
    %mul3A_25 = arith.constant 640 : i32
    %mul3A_26 = arith.muli %arg1, %mul3A_25 : i32
    %add3A_27 = arith.constant 0 : i32
    %add3A_28 = arith.addi %mul3A_26, %add3A_27 : i32
    "tpu.region"() ({
      %run_scoped3A = tpu.sem_alloc : memref<!tpu.dma_semaphore, #tpu.memory_space<semaphore_mem>>
      %dma_start3A_123 = arith.constant 0 : i32
      %dma_start3A_124 = tpu.memref_slice %arg13[%add3A_28, %dma_start3A_123] : memref<10240x128xf32, #tpu.memory_space<vmem_shared>> -> memref<128x128xf32, #tpu.memory_space<vmem_shared>>
      %dma_start3A_125 = arith.constant 0 : i32
      %dma_start3A_126 = tpu.memref_slice %arg13[%add3A_28, %dma_start3A_125] : memref<10240x128xf32, #tpu.memory_space<vmem_shared>> -> memref<128x128xf32, #tpu.memory_space<vmem_shared>>
      tpu.enqueue_dma source(%arg11 : memref<128x128xf32, #tpu.memory_space<vmem>>) target(%dma_start3A_126 : memref<128x128xf32, #tpu.memory_space<vmem_shared>>) target_semaphore(%run_scoped3A : memref<!tpu.dma_semaphore, #tpu.memory_space<semaphore_mem>>)
      %dma_wait3A_127 = arith.constant 0 : i32
      %dma_wait3A_128 = tpu.memref_slice %arg13[%add3A_28, %dma_wait3A_127] : memref<10240x128xf32, #tpu.memory_space<vmem_shared>> -> memref<128x128xf32, #tpu.memory_space<vmem_shared>>
      %dma_wait3A_129 = arith.constant 0 : i32
      %dma_wait3A_130 = tpu.memref_slice %arg13[%add3A_28, %dma_wait3A_129] : memref<10240x128xf32, #tpu.memory_space<vmem_shared>> -> memref<128x128xf32, #tpu.memory_space<vmem_shared>>
      tpu.wait_dma2 semaphore(%run_scoped3A : memref<!tpu.dma_semaphore, #tpu.memory_space<semaphore_mem>>) src(%arg11 : memref<128x128xf32, #tpu.memory_space<vmem>>) dst(%dma_wait3A_130 : memref<128x128xf32, #tpu.memory_space<vmem_shared>>)
      tpu.yield
    }) : () -> ()
    %mul3A_29 = arith.constant 640 : i32
    %mul3A_30 = arith.muli %arg1, %mul3A_29 : i32
    %add3A_31 = arith.constant 128 : i32
    %add3A_32 = arith.addi %mul3A_30, %add3A_31 : i32
    "tpu.region"() ({
      %run_scoped3A = tpu.sem_alloc : memref<!tpu.dma_semaphore, #tpu.memory_space<semaphore_mem>>
      %dma_start3A_123 = arith.constant 0 : i32
      %dma_start3A_124 = tpu.memref_slice %arg13[%add3A_32, %dma_start3A_123] : memref<10240x128xf32, #tpu.memory_space<vmem_shared>> -> memref<128x128xf32, #tpu.memory_space<vmem_shared>>
      %dma_start3A_125 = arith.constant 0 : i32
      %dma_start3A_126 = tpu.memref_slice %arg13[%add3A_32, %dma_start3A_125] : memref<10240x128xf32, #tpu.memory_space<vmem_shared>> -> memref<128x128xf32, #tpu.memory_space<vmem_shared>>
      tpu.enqueue_dma source(%arg11 : memref<128x128xf32, #tpu.memory_space<vmem>>) target(%dma_start3A_126 : memref<128x128xf32, #tpu.memory_space<vmem_shared>>) target_semaphore(%run_scoped3A : memref<!tpu.dma_semaphore, #tpu.memory_space<semaphore_mem>>)
      %dma_wait3A_127 = arith.constant 0 : i32
      %dma_wait3A_128 = tpu.memref_slice %arg13[%add3A_32, %dma_wait3A_127] : memref<10240x128xf32, #tpu.memory_space<vmem_shared>> -> memref<128x128xf32, #tpu.memory_space<vmem_shared>>
      %dma_wait3A_129 = arith.constant 0 : i32
      %dma_wait3A_130 = tpu.memref_slice %arg13[%add3A_32, %dma_wait3A_129] : memref<10240x128xf32, #tpu.memory_space<vmem_shared>> -> memref<128x128xf32, #tpu.memory_space<vmem_shared>>
      tpu.wait_dma2 semaphore(%run_scoped3A : memref<!tpu.dma_semaphore, #tpu.memory_space<semaphore_mem>>) src(%arg11 : memref<128x128xf32, #tpu.memory_space<vmem>>) dst(%dma_wait3A_130 : memref<128x128xf32, #tpu.memory_space<vmem_shared>>)
      tpu.yield
    }) : () -> ()
    %mul3A_33 = arith.constant 640 : i32
    %mul3A_34 = arith.muli %arg1, %mul3A_33 : i32
    %add3A_35 = arith.constant 256 : i32
    %add3A_36 = arith.addi %mul3A_34, %add3A_35 : i32
    "tpu.region"() ({
      %run_scoped3A = tpu.sem_alloc : memref<!tpu.dma_semaphore, #tpu.memory_space<semaphore_mem>>
      %dma_start3A_123 = arith.constant 0 : i32
      %dma_start3A_124 = tpu.memref_slice %arg13[%add3A_36, %dma_start3A_123] : memref<10240x128xf32, #tpu.memory_space<vmem_shared>> -> memref<128x128xf32, #tpu.memory_space<vmem_shared>>
      %dma_start3A_125 = arith.constant 0 : i32
      %dma_start3A_126 = tpu.memref_slice %arg13[%add3A_36, %dma_start3A_125] : memref<10240x128xf32, #tpu.memory_space<vmem_shared>> -> memref<128x128xf32, #tpu.memory_space<vmem_shared>>
      tpu.enqueue_dma source(%arg11 : memref<128x128xf32, #tpu.memory_space<vmem>>) target(%dma_start3A_126 : memref<128x128xf32, #tpu.memory_space<vmem_shared>>) target_semaphore(%run_scoped3A : memref<!tpu.dma_semaphore, #tpu.memory_space<semaphore_mem>>)
      %dma_wait3A_127 = arith.constant 0 : i32
      %dma_wait3A_128 = tpu.memref_slice %arg13[%add3A_36, %dma_wait3A_127] : memref<10240x128xf32, #tpu.memory_space<vmem_shared>> -> memref<128x128xf32, #tpu.memory_space<vmem_shared>>
      %dma_wait3A_129 = arith.constant 0 : i32
      %dma_wait3A_130 = tpu.memref_slice %arg13[%add3A_36, %dma_wait3A_129] : memref<10240x128xf32, #tpu.memory_space<vmem_shared>> -> memref<128x128xf32, #tpu.memory_space<vmem_shared>>
      tpu.wait_dma2 semaphore(%run_scoped3A : memref<!tpu.dma_semaphore, #tpu.memory_space<semaphore_mem>>) src(%arg11 : memref<128x128xf32, #tpu.memory_space<vmem>>) dst(%dma_wait3A_130 : memref<128x128xf32, #tpu.memory_space<vmem_shared>>)
      tpu.yield
    }) : () -> ()
    %mul3A_37 = arith.constant 640 : i32
    %mul3A_38 = arith.muli %arg1, %mul3A_37 : i32
    %add3A_39 = arith.constant 384 : i32
    %add3A_40 = arith.addi %mul3A_38, %add3A_39 : i32
    "tpu.region"() ({
      %run_scoped3A = tpu.sem_alloc : memref<!tpu.dma_semaphore, #tpu.memory_space<semaphore_mem>>
      %dma_start3A_123 = arith.constant 0 : i32
      %dma_start3A_124 = tpu.memref_slice %arg13[%add3A_40, %dma_start3A_123] : memref<10240x128xf32, #tpu.memory_space<vmem_shared>> -> memref<128x128xf32, #tpu.memory_space<vmem_shared>>
      %dma_start3A_125 = arith.constant 0 : i32
      %dma_start3A_126 = tpu.memref_slice %arg13[%add3A_40, %dma_start3A_125] : memref<10240x128xf32, #tpu.memory_space<vmem_shared>> -> memref<128x128xf32, #tpu.memory_space<vmem_shared>>
      tpu.enqueue_dma source(%arg11 : memref<128x128xf32, #tpu.memory_space<vmem>>) target(%dma_start3A_126 : memref<128x128xf32, #tpu.memory_space<vmem_shared>>) target_semaphore(%run_scoped3A : memref<!tpu.dma_semaphore, #tpu.memory_space<semaphore_mem>>)
      %dma_wait3A_127 = arith.constant 0 : i32
      %dma_wait3A_128 = tpu.memref_slice %arg13[%add3A_40, %dma_wait3A_127] : memref<10240x128xf32, #tpu.memory_space<vmem_shared>> -> memref<128x128xf32, #tpu.memory_space<vmem_shared>>
      %dma_wait3A_129 = arith.constant 0 : i32
      %dma_wait3A_130 = tpu.memref_slice %arg13[%add3A_40, %dma_wait3A_129] : memref<10240x128xf32, #tpu.memory_space<vmem_shared>> -> memref<128x128xf32, #tpu.memory_space<vmem_shared>>
      tpu.wait_dma2 semaphore(%run_scoped3A : memref<!tpu.dma_semaphore, #tpu.memory_space<semaphore_mem>>) src(%arg11 : memref<128x128xf32, #tpu.memory_space<vmem>>) dst(%dma_wait3A_130 : memref<128x128xf32, #tpu.memory_space<vmem_shared>>)
      tpu.yield
    }) : () -> ()
    %mul3A_41 = arith.constant 640 : i32
    %mul3A_42 = arith.muli %arg1, %mul3A_41 : i32
    %add3A_43 = arith.constant 512 : i32
    %add3A_44 = arith.addi %mul3A_42, %add3A_43 : i32
    "tpu.region"() ({
      %run_scoped3A = tpu.sem_alloc : memref<!tpu.dma_semaphore, #tpu.memory_space<semaphore_mem>>
      %dma_start3A_123 = arith.constant 0 : i32
      %dma_start3A_124 = tpu.memref_slice %arg13[%add3A_44, %dma_start3A_123] : memref<10240x128xf32, #tpu.memory_space<vmem_shared>> -> memref<128x128xf32, #tpu.memory_space<vmem_shared>>
      %dma_start3A_125 = arith.constant 0 : i32
      %dma_start3A_126 = tpu.memref_slice %arg13[%add3A_44, %dma_start3A_125] : memref<10240x128xf32, #tpu.memory_space<vmem_shared>> -> memref<128x128xf32, #tpu.memory_space<vmem_shared>>
      tpu.enqueue_dma source(%arg11 : memref<128x128xf32, #tpu.memory_space<vmem>>) target(%dma_start3A_126 : memref<128x128xf32, #tpu.memory_space<vmem_shared>>) target_semaphore(%run_scoped3A : memref<!tpu.dma_semaphore, #tpu.memory_space<semaphore_mem>>)
      %dma_wait3A_127 = arith.constant 0 : i32
      %dma_wait3A_128 = tpu.memref_slice %arg13[%add3A_44, %dma_wait3A_127] : memref<10240x128xf32, #tpu.memory_space<vmem_shared>> -> memref<128x128xf32, #tpu.memory_space<vmem_shared>>
      %dma_wait3A_129 = arith.constant 0 : i32
      %dma_wait3A_130 = tpu.memref_slice %arg13[%add3A_44, %dma_wait3A_129] : memref<10240x128xf32, #tpu.memory_space<vmem_shared>> -> memref<128x128xf32, #tpu.memory_space<vmem_shared>>
      tpu.wait_dma2 semaphore(%run_scoped3A : memref<!tpu.dma_semaphore, #tpu.memory_space<semaphore_mem>>) src(%arg11 : memref<128x128xf32, #tpu.memory_space<vmem>>) dst(%dma_wait3A_130 : memref<128x128xf32, #tpu.memory_space<vmem_shared>>)
      tpu.yield
    }) : () -> ()
    %barrier3A = arith.constant 0 : index
    tpu.barrier barrier_id(%barrier3A)
    %dma_wait3A = arith.constant 0 : i32
    %dma_wait3A_45 = tpu.memref_slice %arg3[%dma_wait3A] : memref<320000xi32, #tpu.memory_space<hbm>> -> memref<128xi32, #tpu.memory_space<hbm>>
    %dma_wait3A_46 = arith.constant 0 : i32
    %dma_wait3A_47 = tpu.memref_slice %arg3[%dma_wait3A_46] : memref<320000xi32, #tpu.memory_space<hbm>> -> memref<128xi32, #tpu.memory_space<hbm>>
    tpu.wait_dma2 semaphore(%arg14 : memref<!tpu.dma_semaphore, #tpu.memory_space<semaphore_mem>>) src(%dma_wait3A_47 : memref<128xi32, #tpu.memory_space<hbm>>) dst(%arg5 : memref<128xi32, #tpu.memory_space<vmem>>)
    %dma_wait3A_48 = arith.constant 0 : i32
    %dma_wait3A_49 = tpu.memref_slice %arg3[%dma_wait3A_48] : memref<320000xi32, #tpu.memory_space<hbm>> -> memref<128xi32, #tpu.memory_space<hbm>>
    %dma_wait3A_50 = arith.constant 0 : i32
    %dma_wait3A_51 = tpu.memref_slice %arg3[%dma_wait3A_50] : memref<320000xi32, #tpu.memory_space<hbm>> -> memref<128xi32, #tpu.memory_space<hbm>>
    tpu.wait_dma2 semaphore(%arg14 : memref<!tpu.dma_semaphore, #tpu.memory_space<semaphore_mem>>) src(%dma_wait3A_51 : memref<128xi32, #tpu.memory_space<hbm>>) dst(%arg6 : memref<128xi32, #tpu.memory_space<vmem>>)
    %dma_start3A_52 = arith.constant 0 : i32
    %dma_start3A_53 = arith.constant 0 : i32
    %dma_start3A_54 = tpu.memref_slice %arg2[%arg0, %dma_start3A_52, %dma_start3A_53] : memref<2x10000x128xf32, #tpu.memory_space<hbm>> -> memref<1x10000x128xf32, #tpu.memory_space<hbm>>
    %dma_start3A_55 = tpu.memref_squeeze %dma_start3A_54 : memref<1x10000x128xf32, #tpu.memory_space<hbm>> -> memref<10000x128xf32, #tpu.memory_space<hbm>>
    %dma_start3A_56 = arith.constant 0 : i32
    %dma_start3A_57 = arith.constant 0 : i32
    %dma_start3A_58 = tpu.memref_slice %dma_start3A_55[%dma_start3A_56, %dma_start3A_57] : memref<10000x128xf32, #tpu.memory_space<hbm>> -> memref<10000x128xf32, #tpu.memory_space<hbm>>
    tpu.enqueue_indirect_dma source(%dma_start3A_58 : memref<10000x128xf32, #tpu.memory_space<hbm>>) target(%arg11 : memref<128x128xf32, #tpu.memory_space<vmem>>) offsets(%arg5 : memref<128xi32, #tpu.memory_space<vmem>>) semaphore(%arg16 : memref<!tpu.dma_semaphore, #tpu.memory_space<semaphore_mem>>)
    %dma_wait3A_59 = arith.constant 0 : i32
    %dma_wait3A_60 = tpu.memref_slice %arg3[%dma_wait3A_59] : memref<320000xi32, #tpu.memory_space<hbm>> -> memref<128xi32, #tpu.memory_space<hbm>>
    %dma_wait3A_61 = arith.constant 0 : i32
    %dma_wait3A_62 = tpu.memref_slice %arg3[%dma_wait3A_61] : memref<320000xi32, #tpu.memory_space<hbm>> -> memref<128xi32, #tpu.memory_space<hbm>>
    tpu.wait_dma2 semaphore(%arg15 : memref<!tpu.dma_semaphore, #tpu.memory_space<semaphore_mem>>) src(%dma_wait3A_62 : memref<128xi32, #tpu.memory_space<hbm>>) dst(%arg7 : memref<128xi32, #tpu.memory_space<vmem>>)
    %dma_wait3A_63 = arith.constant 0 : i32
    %dma_wait3A_64 = tpu.memref_slice %arg3[%dma_wait3A_63] : memref<320000xi32, #tpu.memory_space<hbm>> -> memref<128xi32, #tpu.memory_space<hbm>>
    %dma_wait3A_65 = arith.constant 0 : i32
    %dma_wait3A_66 = tpu.memref_slice %arg3[%dma_wait3A_65] : memref<320000xi32, #tpu.memory_space<hbm>> -> memref<128xi32, #tpu.memory_space<hbm>>
    tpu.wait_dma2 semaphore(%arg15 : memref<!tpu.dma_semaphore, #tpu.memory_space<semaphore_mem>>) src(%dma_wait3A_66 : memref<128xi32, #tpu.memory_space<hbm>>) dst(%arg8 : memref<128xi32, #tpu.memory_space<vmem>>)
    %dma_start3A_67 = arith.constant 0 : i32
    %dma_start3A_68 = arith.constant 0 : i32
    %dma_start3A_69 = tpu.memref_slice %arg2[%arg0, %dma_start3A_67, %dma_start3A_68] : memref<2x10000x128xf32, #tpu.memory_space<hbm>> -> memref<1x10000x128xf32, #tpu.memory_space<hbm>>
    %dma_start3A_70 = tpu.memref_squeeze %dma_start3A_69 : memref<1x10000x128xf32, #tpu.memory_space<hbm>> -> memref<10000x128xf32, #tpu.memory_space<hbm>>
    %dma_start3A_71 = arith.constant 0 : i32
    %dma_start3A_72 = arith.constant 0 : i32
    %dma_start3A_73 = tpu.memref_slice %dma_start3A_70[%dma_start3A_71, %dma_start3A_72] : memref<10000x128xf32, #tpu.memory_space<hbm>> -> memref<10000x128xf32, #tpu.memory_space<hbm>>
    tpu.enqueue_indirect_dma source(%dma_start3A_73 : memref<10000x128xf32, #tpu.memory_space<hbm>>) target(%arg12 : memref<128x128xf32, #tpu.memory_space<vmem>>) offsets(%arg7 : memref<128xi32, #tpu.memory_space<vmem>>) semaphore(%arg17 : memref<!tpu.dma_semaphore, #tpu.memory_space<semaphore_mem>>)
    %scan3A_74 = arith.constant 0 : i32
    %scan3A_75 = arith.constant 0 : i32
    %scan3A_76 = arith.constant 38 : i32
    %scan3A_77 = arith.addi %scan3A_75, %scan3A_76 : i32
    %scan3A_78 = arith.constant 1 : i32
    scf.for %scan3A_123 = %scan3A_75 to %scan3A_77 step %scan3A_78  : i32 {
      %mul3A_124 = arith.constant 2 : i32
      %mul3A_125 = arith.muli %mul3A_124, %scan3A_123 : i32
      %dma_wait3A_126 = arith.constant 0 : i32
      %dma_wait3A_127 = arith.constant 0 : i32
      %dma_wait3A_128 = tpu.memref_slice %arg2[%arg0, %dma_wait3A_126, %dma_wait3A_127] : memref<2x10000x128xf32, #tpu.memory_space<hbm>> -> memref<1x10000x128xf32, #tpu.memory_space<hbm>>
      %dma_wait3A_129 = tpu.memref_squeeze %dma_wait3A_128 : memref<1x10000x128xf32, #tpu.memory_space<hbm>> -> memref<10000x128xf32, #tpu.memory_space<hbm>>
      %dma_wait3A_130 = arith.constant 0 : i32
      %dma_wait3A_131 = arith.constant 0 : i32
      %dma_wait3A_132 = tpu.memref_slice %dma_wait3A_129[%dma_wait3A_130, %dma_wait3A_131] : memref<10000x128xf32, #tpu.memory_space<hbm>> -> memref<10000x128xf32, #tpu.memory_space<hbm>>
      tpu.wait_indirect_dma semaphore(%arg16 : memref<!tpu.dma_semaphore, #tpu.memory_space<semaphore_mem>>) src(%dma_wait3A_132 : memref<10000x128xf32, #tpu.memory_space<hbm>>) dst(%arg11 : memref<128x128xf32, #tpu.memory_space<vmem>>)
      "tpu.region"() ({
        %run_scoped3A = tpu.sem_alloc : memref<!tpu.dma_semaphore, #tpu.memory_space<semaphore_mem>>
        %dma_start3A_194 = arith.constant 0 : i32
        %dma_start3A_195 = arith.constant 0 : i32
        %dma_start3A_196 = tpu.memref_slice %arg13[%dma_start3A_194, %dma_start3A_195] : memref<10240x128xf32, #tpu.memory_space<vmem_shared>> -> memref<10240x128xf32, #tpu.memory_space<vmem_shared>>
        tpu.enqueue_indirect_dma source(%arg11 : memref<128x128xf32, #tpu.memory_space<vmem>>) target(%dma_start3A_196 : memref<10240x128xf32, #tpu.memory_space<vmem_shared>>) offsets(%arg6 : memref<128xi32, #tpu.memory_space<vmem>>) semaphore(%run_scoped3A : memref<!tpu.dma_semaphore, #tpu.memory_space<semaphore_mem>>) {add = true}
        %dma_wait3A_197 = arith.constant 0 : i32
        %dma_wait3A_198 = arith.constant 0 : i32
        %dma_wait3A_199 = tpu.memref_slice %arg13[%dma_wait3A_197, %dma_wait3A_198] : memref<10240x128xf32, #tpu.memory_space<vmem_shared>> -> memref<10240x128xf32, #tpu.memory_space<vmem_shared>>
        tpu.wait_indirect_dma semaphore(%run_scoped3A : memref<!tpu.dma_semaphore, #tpu.memory_space<semaphore_mem>>) src(%arg11 : memref<128x128xf32, #tpu.memory_space<vmem>>) dst(%dma_wait3A_199 : memref<10240x128xf32, #tpu.memory_space<vmem_shared>>)
        tpu.yield
      }) : () -> ()
      %add3A_133 = arith.constant 2 : i32
      %add3A_134 = arith.addi %mul3A_125, %add3A_133 : i32
      %mul3A_135 = arith.constant 128 : i32
      %mul3A_136 = arith.muli %add3A_134, %mul3A_135 : i32
      %add3A_137 = arith.addi %mul3A_0, %mul3A_136 : i32
      %dma_start3A_138 = tpu.memref_slice %arg3[%add3A_137] : memref<320000xi32, #tpu.memory_space<hbm>> -> memref<128xi32, #tpu.memory_space<hbm>>
      %dma_start3A_139 = tpu.memref_slice %arg3[%add3A_137] : memref<320000xi32, #tpu.memory_space<hbm>> -> memref<128xi32, #tpu.memory_space<hbm>>
      tpu.enqueue_dma source(%dma_start3A_139 : memref<128xi32, #tpu.memory_space<hbm>>) target(%arg5 : memref<128xi32, #tpu.memory_space<vmem>>) target_semaphore(%arg14 : memref<!tpu.dma_semaphore, #tpu.memory_space<semaphore_mem>>)
      %mul3A_140 = arith.constant 128 : i32
      %mul3A_141 = arith.muli %add3A_134, %mul3A_140 : i32
      %add3A_142 = arith.addi %add3A_3, %mul3A_141 : i32
      %dma_start3A_143 = tpu.memref_slice %arg3[%add3A_142] : memref<320000xi32, #tpu.memory_space<hbm>> -> memref<128xi32, #tpu.memory_space<hbm>>
      %dma_start3A_144 = tpu.memref_slice %arg3[%add3A_142] : memref<320000xi32, #tpu.memory_space<hbm>> -> memref<128xi32, #tpu.memory_space<hbm>>
      tpu.enqueue_dma source(%dma_start3A_144 : memref<128xi32, #tpu.memory_space<hbm>>) target(%arg6 : memref<128xi32, #tpu.memory_space<vmem>>) target_semaphore(%arg14 : memref<!tpu.dma_semaphore, #tpu.memory_space<semaphore_mem>>)
      %dma_wait3A_145 = arith.constant 0 : i32
      %dma_wait3A_146 = arith.constant 0 : i32
      %dma_wait3A_147 = tpu.memref_slice %arg2[%arg0, %dma_wait3A_145, %dma_wait3A_146] : memref<2x10000x128xf32, #tpu.memory_space<hbm>> -> memref<1x10000x128xf32, #tpu.memory_space<hbm>>
      %dma_wait3A_148 = tpu.memref_squeeze %dma_wait3A_147 : memref<1x10000x128xf32, #tpu.memory_space<hbm>> -> memref<10000x128xf32, #tpu.memory_space<hbm>>
      %dma_wait3A_149 = arith.constant 0 : i32
      %dma_wait3A_150 = arith.constant 0 : i32
      %dma_wait3A_151 = tpu.memref_slice %dma_wait3A_148[%dma_wait3A_149, %dma_wait3A_150] : memref<10000x128xf32, #tpu.memory_space<hbm>> -> memref<10000x128xf32, #tpu.memory_space<hbm>>
      tpu.wait_indirect_dma semaphore(%arg17 : memref<!tpu.dma_semaphore, #tpu.memory_space<semaphore_mem>>) src(%dma_wait3A_151 : memref<10000x128xf32, #tpu.memory_space<hbm>>) dst(%arg12 : memref<128x128xf32, #tpu.memory_space<vmem>>)
      "tpu.region"() ({
        %run_scoped3A = tpu.sem_alloc : memref<!tpu.dma_semaphore, #tpu.memory_space<semaphore_mem>>
        %dma_start3A_194 = arith.constant 0 : i32
        %dma_start3A_195 = arith.constant 0 : i32
        %dma_start3A_196 = tpu.memref_slice %arg13[%dma_start3A_194, %dma_start3A_195] : memref<10240x128xf32, #tpu.memory_space<vmem_shared>> -> memref<10240x128xf32, #tpu.memory_space<vmem_shared>>
        tpu.enqueue_indirect_dma source(%arg12 : memref<128x128xf32, #tpu.memory_space<vmem>>) target(%dma_start3A_196 : memref<10240x128xf32, #tpu.memory_space<vmem_shared>>) offsets(%arg8 : memref<128xi32, #tpu.memory_space<vmem>>) semaphore(%run_scoped3A : memref<!tpu.dma_semaphore, #tpu.memory_space<semaphore_mem>>) {add = true}
        %dma_wait3A_197 = arith.constant 0 : i32
        %dma_wait3A_198 = arith.constant 0 : i32
        %dma_wait3A_199 = tpu.memref_slice %arg13[%dma_wait3A_197, %dma_wait3A_198] : memref<10240x128xf32, #tpu.memory_space<vmem_shared>> -> memref<10240x128xf32, #tpu.memory_space<vmem_shared>>
        tpu.wait_indirect_dma semaphore(%run_scoped3A : memref<!tpu.dma_semaphore, #tpu.memory_space<semaphore_mem>>) src(%arg12 : memref<128x128xf32, #tpu.memory_space<vmem>>) dst(%dma_wait3A_199 : memref<10240x128xf32, #tpu.memory_space<vmem_shared>>)
        tpu.yield
      }) : () -> ()
      %add3A_152 = arith.constant 3 : i32
      %add3A_153 = arith.addi %mul3A_125, %add3A_152 : i32
      %mul3A_154 = arith.constant 128 : i32
      %mul3A_155 = arith.muli %add3A_153, %mul3A_154 : i32
      %add3A_156 = arith.addi %mul3A_0, %mul3A_155 : i32
      %dma_start3A_157 = tpu.memref_slice %arg3[%add3A_156] : memref<320000xi32, #tpu.memory_space<hbm>> -> memref<128xi32, #tpu.memory_space<hbm>>
      %dma_start3A_158 = tpu.memref_slice %arg3[%add3A_156] : memref<320000xi32, #tpu.memory_space<hbm>> -> memref<128xi32, #tpu.memory_space<hbm>>
      tpu.enqueue_dma source(%dma_start3A_158 : memref<128xi32, #tpu.memory_space<hbm>>) target(%arg7 : memref<128xi32, #tpu.memory_space<vmem>>) target_semaphore(%arg15 : memref<!tpu.dma_semaphore, #tpu.memory_space<semaphore_mem>>)
      %mul3A_159 = arith.constant 128 : i32
      %mul3A_160 = arith.muli %add3A_153, %mul3A_159 : i32
      %add3A_161 = arith.addi %add3A_3, %mul3A_160 : i32
      %dma_start3A_162 = tpu.memref_slice %arg3[%add3A_161] : memref<320000xi32, #tpu.memory_space<hbm>> -> memref<128xi32, #tpu.memory_space<hbm>>
      %dma_start3A_163 = tpu.memref_slice %arg3[%add3A_161] : memref<320000xi32, #tpu.memory_space<hbm>> -> memref<128xi32, #tpu.memory_space<hbm>>
      tpu.enqueue_dma source(%dma_start3A_163 : memref<128xi32, #tpu.memory_space<hbm>>) target(%arg8 : memref<128xi32, #tpu.memory_space<vmem>>) target_semaphore(%arg15 : memref<!tpu.dma_semaphore, #tpu.memory_space<semaphore_mem>>)
      %dma_wait3A_164 = arith.constant 0 : i32
      %dma_wait3A_165 = tpu.memref_slice %arg3[%dma_wait3A_164] : memref<320000xi32, #tpu.memory_space<hbm>> -> memref<128xi32, #tpu.memory_space<hbm>>
      %dma_wait3A_166 = arith.constant 0 : i32
      %dma_wait3A_167 = tpu.memref_slice %arg3[%dma_wait3A_166] : memref<320000xi32, #tpu.memory_space<hbm>> -> memref<128xi32, #tpu.memory_space<hbm>>
      tpu.wait_dma2 semaphore(%arg14 : memref<!tpu.dma_semaphore, #tpu.memory_space<semaphore_mem>>) src(%dma_wait3A_167 : memref<128xi32, #tpu.memory_space<hbm>>) dst(%arg5 : memref<128xi32, #tpu.memory_space<vmem>>)
      %dma_wait3A_168 = arith.constant 0 : i32
      %dma_wait3A_169 = tpu.memref_slice %arg3[%dma_wait3A_168] : memref<320000xi32, #tpu.memory_space<hbm>> -> memref<128xi32, #tpu.memory_space<hbm>>
      %dma_wait3A_170 = arith.constant 0 : i32
      %dma_wait3A_171 = tpu.memref_slice %arg3[%dma_wait3A_170] : memref<320000xi32, #tpu.memory_space<hbm>> -> memref<128xi32, #tpu.memory_space<hbm>>
      tpu.wait_dma2 semaphore(%arg14 : memref<!tpu.dma_semaphore, #tpu.memory_space<semaphore_mem>>) src(%dma_wait3A_171 : memref<128xi32, #tpu.memory_space<hbm>>) dst(%arg6 : memref<128xi32, #tpu.memory_space<vmem>>)
      %dma_start3A_172 = arith.constant 0 : i32
      %dma_start3A_173 = arith.constant 0 : i32
      %dma_start3A_174 = tpu.memref_slice %arg2[%arg0, %dma_start3A_172, %dma_start3A_173] : memref<2x10000x128xf32, #tpu.memory_space<hbm>> -> memref<1x10000x128xf32, #tpu.memory_space<hbm>>
      %dma_start3A_175 = tpu.memref_squeeze %dma_start3A_174 : memref<1x10000x128xf32, #tpu.memory_space<hbm>> -> memref<10000x128xf32, #tpu.memory_space<hbm>>
      %dma_start3A_176 = arith.constant 0 : i32
      %dma_start3A_177 = arith.constant 0 : i32
      %dma_start3A_178 = tpu.memref_slice %dma_start3A_175[%dma_start3A_176, %dma_start3A_177] : memref<10000x128xf32, #tpu.memory_space<hbm>> -> memref<10000x128xf32, #tpu.memory_space<hbm>>
      tpu.enqueue_indirect_dma source(%dma_start3A_178 : memref<10000x128xf32, #tpu.memory_space<hbm>>) target(%arg11 : memref<128x128xf32, #tpu.memory_space<vmem>>) offsets(%arg5 : memref<128xi32, #tpu.memory_space<vmem>>) semaphore(%arg16 : memref<!tpu.dma_semaphore, #tpu.memory_space<semaphore_mem>>)
      %dma_wait3A_179 = arith.constant 0 : i32
      %dma_wait3A_180 = tpu.memref_slice %arg3[%dma_wait3A_179] : memref<320000xi32, #tpu.memory_space<hbm>> -> memref<128xi32, #tpu.memory_space<hbm>>
      %dma_wait3A_181 = arith.constant 0 : i32
      %dma_wait3A_182 = tpu.memref_slice %arg3[%dma_wait3A_181] : memref<320000xi32, #tpu.memory_space<hbm>> -> memref<128xi32, #tpu.memory_space<hbm>>
      tpu.wait_dma2 semaphore(%arg15 : memref<!tpu.dma_semaphore, #tpu.memory_space<semaphore_mem>>) src(%dma_wait3A_182 : memref<128xi32, #tpu.memory_space<hbm>>) dst(%arg7 : memref<128xi32, #tpu.memory_space<vmem>>)
      %dma_wait3A_183 = arith.constant 0 : i32
      %dma_wait3A_184 = tpu.memref_slice %arg3[%dma_wait3A_183] : memref<320000xi32, #tpu.memory_space<hbm>> -> memref<128xi32, #tpu.memory_space<hbm>>
      %dma_wait3A_185 = arith.constant 0 : i32
      %dma_wait3A_186 = tpu.memref_slice %arg3[%dma_wait3A_185] : memref<320000xi32, #tpu.memory_space<hbm>> -> memref<128xi32, #tpu.memory_space<hbm>>
      tpu.wait_dma2 semaphore(%arg15 : memref<!tpu.dma_semaphore, #tpu.memory_space<semaphore_mem>>) src(%dma_wait3A_186 : memref<128xi32, #tpu.memory_space<hbm>>) dst(%arg8 : memref<128xi32, #tpu.memory_space<vmem>>)
      %dma_start3A_187 = arith.constant 0 : i32
      %dma_start3A_188 = arith.constant 0 : i32
      %dma_start3A_189 = tpu.memref_slice %arg2[%arg0, %dma_start3A_187, %dma_start3A_188] : memref<2x10000x128xf32, #tpu.memory_space<hbm>> -> memref<1x10000x128xf32, #tpu.memory_space<hbm>>
      %dma_start3A_190 = tpu.memref_squeeze %dma_start3A_189 : memref<1x10000x128xf32, #tpu.memory_space<hbm>> -> memref<10000x128xf32, #tpu.memory_space<hbm>>
      %dma_start3A_191 = arith.constant 0 : i32
      %dma_start3A_192 = arith.constant 0 : i32
      %dma_start3A_193 = tpu.memref_slice %dma_start3A_190[%dma_start3A_191, %dma_start3A_192] : memref<10000x128xf32, #tpu.memory_space<hbm>> -> memref<10000x128xf32, #tpu.memory_space<hbm>>
      tpu.enqueue_indirect_dma source(%dma_start3A_193 : memref<10000x128xf32, #tpu.memory_space<hbm>>) target(%arg12 : memref<128x128xf32, #tpu.memory_space<vmem>>) offsets(%arg7 : memref<128xi32, #tpu.memory_space<vmem>>) semaphore(%arg17 : memref<!tpu.dma_semaphore, #tpu.memory_space<semaphore_mem>>)
    }
    %scan3A_79 = arith.constant 38 : i32
    %dma_wait3A_80 = arith.constant 0 : i32
    %dma_wait3A_81 = arith.constant 0 : i32
    %dma_wait3A_82 = tpu.memref_slice %arg2[%arg0, %dma_wait3A_80, %dma_wait3A_81] : memref<2x10000x128xf32, #tpu.memory_space<hbm>> -> memref<1x10000x128xf32, #tpu.memory_space<hbm>>
    %dma_wait3A_83 = tpu.memref_squeeze %dma_wait3A_82 : memref<1x10000x128xf32, #tpu.memory_space<hbm>> -> memref<10000x128xf32, #tpu.memory_space<hbm>>
    %dma_wait3A_84 = arith.constant 0 : i32
    %dma_wait3A_85 = arith.constant 0 : i32
    %dma_wait3A_86 = tpu.memref_slice %dma_wait3A_83[%dma_wait3A_84, %dma_wait3A_85] : memref<10000x128xf32, #tpu.memory_space<hbm>> -> memref<10000x128xf32, #tpu.memory_space<hbm>>
    tpu.wait_indirect_dma semaphore(%arg16 : memref<!tpu.dma_semaphore, #tpu.memory_space<semaphore_mem>>) src(%dma_wait3A_86 : memref<10000x128xf32, #tpu.memory_space<hbm>>) dst(%arg11 : memref<128x128xf32, #tpu.memory_space<vmem>>)
    "tpu.region"() ({
      %run_scoped3A = tpu.sem_alloc : memref<!tpu.dma_semaphore, #tpu.memory_space<semaphore_mem>>
      %dma_start3A_123 = arith.constant 0 : i32
      %dma_start3A_124 = arith.constant 0 : i32
      %dma_start3A_125 = tpu.memref_slice %arg13[%dma_start3A_123, %dma_start3A_124] : memref<10240x128xf32, #tpu.memory_space<vmem_shared>> -> memref<10240x128xf32, #tpu.memory_space<vmem_shared>>
      tpu.enqueue_indirect_dma source(%arg11 : memref<128x128xf32, #tpu.memory_space<vmem>>) target(%dma_start3A_125 : memref<10240x128xf32, #tpu.memory_space<vmem_shared>>) offsets(%arg6 : memref<128xi32, #tpu.memory_space<vmem>>) semaphore(%run_scoped3A : memref<!tpu.dma_semaphore, #tpu.memory_space<semaphore_mem>>) {add = true}
      %dma_wait3A_126 = arith.constant 0 : i32
      %dma_wait3A_127 = arith.constant 0 : i32
      %dma_wait3A_128 = tpu.memref_slice %arg13[%dma_wait3A_126, %dma_wait3A_127] : memref<10240x128xf32, #tpu.memory_space<vmem_shared>> -> memref<10240x128xf32, #tpu.memory_space<vmem_shared>>
      tpu.wait_indirect_dma semaphore(%run_scoped3A : memref<!tpu.dma_semaphore, #tpu.memory_space<semaphore_mem>>) src(%arg11 : memref<128x128xf32, #tpu.memory_space<vmem>>) dst(%dma_wait3A_128 : memref<10240x128xf32, #tpu.memory_space<vmem_shared>>)
      tpu.yield
    }) : () -> ()
    %dma_wait3A_87 = arith.constant 0 : i32
    %dma_wait3A_88 = arith.constant 0 : i32
    %dma_wait3A_89 = tpu.memref_slice %arg2[%arg0, %dma_wait3A_87, %dma_wait3A_88] : memref<2x10000x128xf32, #tpu.memory_space<hbm>> -> memref<1x10000x128xf32, #tpu.memory_space<hbm>>
    %dma_wait3A_90 = tpu.memref_squeeze %dma_wait3A_89 : memref<1x10000x128xf32, #tpu.memory_space<hbm>> -> memref<10000x128xf32, #tpu.memory_space<hbm>>
    %dma_wait3A_91 = arith.constant 0 : i32
    %dma_wait3A_92 = arith.constant 0 : i32
    %dma_wait3A_93 = tpu.memref_slice %dma_wait3A_90[%dma_wait3A_91, %dma_wait3A_92] : memref<10000x128xf32, #tpu.memory_space<hbm>> -> memref<10000x128xf32, #tpu.memory_space<hbm>>
    tpu.wait_indirect_dma semaphore(%arg17 : memref<!tpu.dma_semaphore, #tpu.memory_space<semaphore_mem>>) src(%dma_wait3A_93 : memref<10000x128xf32, #tpu.memory_space<hbm>>) dst(%arg12 : memref<128x128xf32, #tpu.memory_space<vmem>>)
    "tpu.region"() ({
      %run_scoped3A = tpu.sem_alloc : memref<!tpu.dma_semaphore, #tpu.memory_space<semaphore_mem>>
      %dma_start3A_123 = arith.constant 0 : i32
      %dma_start3A_124 = arith.constant 0 : i32
      %dma_start3A_125 = tpu.memref_slice %arg13[%dma_start3A_123, %dma_start3A_124] : memref<10240x128xf32, #tpu.memory_space<vmem_shared>> -> memref<10240x128xf32, #tpu.memory_space<vmem_shared>>
      tpu.enqueue_indirect_dma source(%arg12 : memref<128x128xf32, #tpu.memory_space<vmem>>) target(%dma_start3A_125 : memref<10240x128xf32, #tpu.memory_space<vmem_shared>>) offsets(%arg8 : memref<128xi32, #tpu.memory_space<vmem>>) semaphore(%run_scoped3A : memref<!tpu.dma_semaphore, #tpu.memory_space<semaphore_mem>>) {add = true}
      %dma_wait3A_126 = arith.constant 0 : i32
      %dma_wait3A_127 = arith.constant 0 : i32
      %dma_wait3A_128 = tpu.memref_slice %arg13[%dma_wait3A_126, %dma_wait3A_127] : memref<10240x128xf32, #tpu.memory_space<vmem_shared>> -> memref<10240x128xf32, #tpu.memory_space<vmem_shared>>
      tpu.wait_indirect_dma semaphore(%run_scoped3A : memref<!tpu.dma_semaphore, #tpu.memory_space<semaphore_mem>>) src(%arg12 : memref<128x128xf32, #tpu.memory_space<vmem>>) dst(%dma_wait3A_128 : memref<10240x128xf32, #tpu.memory_space<vmem_shared>>)
      tpu.yield
    }) : () -> ()
    %add3A_94 = arith.constant 9984 : i32
    %add3A_95 = arith.addi %mul3A_0, %add3A_94 : i32
    "tpu.region"() ({
      %run_scoped3A = tpu.sem_alloc : memref<!tpu.dma_semaphore, #tpu.memory_space<semaphore_mem>>
      %dma_start3A_123 = tpu.memref_slice %arg3[%add3A_95] : memref<320000xi32, #tpu.memory_space<hbm>> -> memref<16xi32, #tpu.memory_space<hbm>>
      %dma_start3A_124 = tpu.memref_slice %arg3[%add3A_95] : memref<320000xi32, #tpu.memory_space<hbm>> -> memref<16xi32, #tpu.memory_space<hbm>>
      tpu.enqueue_dma source(%dma_start3A_124 : memref<16xi32, #tpu.memory_space<hbm>>) target(%arg9 : memref<16xi32, #tpu.memory_space<vmem>>) target_semaphore(%run_scoped3A : memref<!tpu.dma_semaphore, #tpu.memory_space<semaphore_mem>>)
      %dma_wait3A_125 = tpu.memref_slice %arg3[%add3A_95] : memref<320000xi32, #tpu.memory_space<hbm>> -> memref<16xi32, #tpu.memory_space<hbm>>
      %dma_wait3A_126 = tpu.memref_slice %arg3[%add3A_95] : memref<320000xi32, #tpu.memory_space<hbm>> -> memref<16xi32, #tpu.memory_space<hbm>>
      tpu.wait_dma2 semaphore(%run_scoped3A : memref<!tpu.dma_semaphore, #tpu.memory_space<semaphore_mem>>) src(%dma_wait3A_126 : memref<16xi32, #tpu.memory_space<hbm>>) dst(%arg9 : memref<16xi32, #tpu.memory_space<vmem>>)
      tpu.yield
    }) : () -> ()
    %add3A_96 = arith.constant 9984 : i32
    %add3A_97 = arith.addi %add3A_3, %add3A_96 : i32
    "tpu.region"() ({
      %run_scoped3A = tpu.sem_alloc : memref<!tpu.dma_semaphore, #tpu.memory_space<semaphore_mem>>
      %dma_start3A_123 = tpu.memref_slice %arg3[%add3A_97] : memref<320000xi32, #tpu.memory_space<hbm>> -> memref<16xi32, #tpu.memory_space<hbm>>
      %dma_start3A_124 = tpu.memref_slice %arg3[%add3A_97] : memref<320000xi32, #tpu.memory_space<hbm>> -> memref<16xi32, #tpu.memory_space<hbm>>
      tpu.enqueue_dma source(%dma_start3A_124 : memref<16xi32, #tpu.memory_space<hbm>>) target(%arg10 : memref<16xi32, #tpu.memory_space<vmem>>) target_semaphore(%run_scoped3A : memref<!tpu.dma_semaphore, #tpu.memory_space<semaphore_mem>>)
      %dma_wait3A_125 = tpu.memref_slice %arg3[%add3A_97] : memref<320000xi32, #tpu.memory_space<hbm>> -> memref<16xi32, #tpu.memory_space<hbm>>
      %dma_wait3A_126 = tpu.memref_slice %arg3[%add3A_97] : memref<320000xi32, #tpu.memory_space<hbm>> -> memref<16xi32, #tpu.memory_space<hbm>>
      tpu.wait_dma2 semaphore(%run_scoped3A : memref<!tpu.dma_semaphore, #tpu.memory_space<semaphore_mem>>) src(%dma_wait3A_126 : memref<16xi32, #tpu.memory_space<hbm>>) dst(%arg10 : memref<16xi32, #tpu.memory_space<vmem>>)
      tpu.yield
    }) : () -> ()
    %dma_start3A_98 = arith.constant 0 : i32
    %dma_start3A_99 = arith.constant 0 : i32
    %dma_start3A_100 = tpu.memref_slice %arg11[%dma_start3A_98, %dma_start3A_99] : memref<128x128xf32, #tpu.memory_space<vmem>> -> memref<16x128xf32, #tpu.memory_space<vmem>>
    %dma_start3A_101 = arith.constant 0 : i32
    %dma_start3A_102 = arith.constant 0 : i32
    %dma_start3A_103 = tpu.memref_slice %arg2[%arg0, %dma_start3A_101, %dma_start3A_102] : memref<2x10000x128xf32, #tpu.memory_space<hbm>> -> memref<1x10000x128xf32, #tpu.memory_space<hbm>>
    %dma_start3A_104 = tpu.memref_squeeze %dma_start3A_103 : memref<1x10000x128xf32, #tpu.memory_space<hbm>> -> memref<10000x128xf32, #tpu.memory_space<hbm>>
    %dma_start3A_105 = arith.constant 0 : i32
    %dma_start3A_106 = arith.constant 0 : i32
    %dma_start3A_107 = tpu.memref_slice %dma_start3A_104[%dma_start3A_105, %dma_start3A_106] : memref<10000x128xf32, #tpu.memory_space<hbm>> -> memref<10000x128xf32, #tpu.memory_space<hbm>>
    tpu.enqueue_indirect_dma source(%dma_start3A_107 : memref<10000x128xf32, #tpu.memory_space<hbm>>) target(%dma_start3A_100 : memref<16x128xf32, #tpu.memory_space<vmem>>) offsets(%arg9 : memref<16xi32, #tpu.memory_space<vmem>>) semaphore(%arg16 : memref<!tpu.dma_semaphore, #tpu.memory_space<semaphore_mem>>)
    %dma_wait3A_108 = arith.constant 0 : i32
    %dma_wait3A_109 = arith.constant 0 : i32
    %dma_wait3A_110 = tpu.memref_slice %arg11[%dma_wait3A_108, %dma_wait3A_109] : memref<128x128xf32, #tpu.memory_space<vmem>> -> memref<16x128xf32, #tpu.memory_space<vmem>>
    %dma_wait3A_111 = arith.constant 0 : i32
    %dma_wait3A_112 = arith.constant 0 : i32
    %dma_wait3A_113 = tpu.memref_slice %arg2[%arg0, %dma_wait3A_111, %dma_wait3A_112] : memref<2x10000x128xf32, #tpu.memory_space<hbm>> -> memref<1x10000x128xf32, #tpu.memory_space<hbm>>
    %dma_wait3A_114 = tpu.memref_squeeze %dma_wait3A_113 : memref<1x10000x128xf32, #tpu.memory_space<hbm>> -> memref<10000x128xf32, #tpu.memory_space<hbm>>
    %dma_wait3A_115 = arith.constant 0 : i32
    %dma_wait3A_116 = arith.constant 0 : i32
    %dma_wait3A_117 = tpu.memref_slice %dma_wait3A_114[%dma_wait3A_115, %dma_wait3A_116] : memref<10000x128xf32, #tpu.memory_space<hbm>> -> memref<10000x128xf32, #tpu.memory_space<hbm>>
    tpu.wait_indirect_dma semaphore(%arg16 : memref<!tpu.dma_semaphore, #tpu.memory_space<semaphore_mem>>) src(%dma_wait3A_117 : memref<10000x128xf32, #tpu.memory_space<hbm>>) dst(%dma_wait3A_110 : memref<16x128xf32, #tpu.memory_space<vmem>>)
    "tpu.region"() ({
      %run_scoped3A = tpu.sem_alloc : memref<!tpu.dma_semaphore, #tpu.memory_space<semaphore_mem>>
      %dma_start3A_123 = arith.constant 0 : i32
      %dma_start3A_124 = arith.constant 0 : i32
      %dma_start3A_125 = tpu.memref_slice %arg11[%dma_start3A_123, %dma_start3A_124] : memref<128x128xf32, #tpu.memory_space<vmem>> -> memref<16x128xf32, #tpu.memory_space<vmem>>
      %dma_start3A_126 = arith.constant 0 : i32
      %dma_start3A_127 = arith.constant 0 : i32
      %dma_start3A_128 = tpu.memref_slice %arg13[%dma_start3A_126, %dma_start3A_127] : memref<10240x128xf32, #tpu.memory_space<vmem_shared>> -> memref<10240x128xf32, #tpu.memory_space<vmem_shared>>
      tpu.enqueue_indirect_dma source(%dma_start3A_125 : memref<16x128xf32, #tpu.memory_space<vmem>>) target(%dma_start3A_128 : memref<10240x128xf32, #tpu.memory_space<vmem_shared>>) offsets(%arg10 : memref<16xi32, #tpu.memory_space<vmem>>) semaphore(%run_scoped3A : memref<!tpu.dma_semaphore, #tpu.memory_space<semaphore_mem>>) {add = true}
      %dma_wait3A_129 = arith.constant 0 : i32
      %dma_wait3A_130 = arith.constant 0 : i32
      %dma_wait3A_131 = tpu.memref_slice %arg11[%dma_wait3A_129, %dma_wait3A_130] : memref<128x128xf32, #tpu.memory_space<vmem>> -> memref<16x128xf32, #tpu.memory_space<vmem>>
      %dma_wait3A_132 = arith.constant 0 : i32
      %dma_wait3A_133 = arith.constant 0 : i32
      %dma_wait3A_134 = tpu.memref_slice %arg13[%dma_wait3A_132, %dma_wait3A_133] : memref<10240x128xf32, #tpu.memory_space<vmem_shared>> -> memref<10240x128xf32, #tpu.memory_space<vmem_shared>>
      tpu.wait_indirect_dma semaphore(%run_scoped3A : memref<!tpu.dma_semaphore, #tpu.memory_space<semaphore_mem>>) src(%dma_wait3A_131 : memref<16x128xf32, #tpu.memory_space<vmem>>) dst(%dma_wait3A_134 : memref<10240x128xf32, #tpu.memory_space<vmem_shared>>)
      tpu.yield
    }) : () -> ()
    %barrier3A_118 = arith.constant 0 : index
    tpu.barrier barrier_id(%barrier3A_118)
    %mul3A_119 = arith.constant 640 : i32
    %mul3A_120 = arith.muli %arg1, %mul3A_119 : i32
    %mul3A_121 = arith.constant 640 : i32
    %mul3A_122 = arith.muli %arg1, %mul3A_121 : i32
    "tpu.region"() ({
      %run_scoped3A = tpu.sem_alloc : memref<!tpu.dma_semaphore, #tpu.memory_space<semaphore_mem>>
      %dma_start3A_123 = arith.constant 0 : i32
      %dma_start3A_124 = arith.constant 0 : i32
      %dma_start3A_125 = tpu.memref_slice %arg4[%arg0, %dma_start3A_123, %dma_start3A_124] : memref<2x10240x128xf32, #tpu.memory_space<hbm>> -> memref<1x10240x128xf32, #tpu.memory_space<hbm>>
      %dma_start3A_126 = tpu.memref_squeeze %dma_start3A_125 : memref<1x10240x128xf32, #tpu.memory_space<hbm>> -> memref<10240x128xf32, #tpu.memory_space<hbm>>
      %dma_start3A_127 = arith.constant 0 : i32
      %dma_start3A_128 = tpu.memref_slice %dma_start3A_126[%mul3A_122, %dma_start3A_127] : memref<10240x128xf32, #tpu.memory_space<hbm>> -> memref<640x128xf32, #tpu.memory_space<hbm>>
      %dma_start3A_129 = arith.constant 0 : i32
      %dma_start3A_130 = tpu.memref_slice %arg13[%mul3A_120, %dma_start3A_129] : memref<10240x128xf32, #tpu.memory_space<vmem_shared>> -> memref<640x128xf32, #tpu.memory_space<vmem_shared>>
      tpu.enqueue_dma source(%dma_start3A_130 : memref<640x128xf32, #tpu.memory_space<vmem_shared>>) target(%dma_start3A_128 : memref<640x128xf32, #tpu.memory_space<hbm>>) target_semaphore(%run_scoped3A : memref<!tpu.dma_semaphore, #tpu.memory_space<semaphore_mem>>)
      %dma_wait3A_131 = arith.constant 0 : i32
      %dma_wait3A_132 = arith.constant 0 : i32
      %dma_wait3A_133 = tpu.memref_slice %arg4[%arg0, %dma_wait3A_131, %dma_wait3A_132] : memref<2x10240x128xf32, #tpu.memory_space<hbm>> -> memref<1x10240x128xf32, #tpu.memory_space<hbm>>
      %dma_wait3A_134 = tpu.memref_squeeze %dma_wait3A_133 : memref<1x10240x128xf32, #tpu.memory_space<hbm>> -> memref<10240x128xf32, #tpu.memory_space<hbm>>
      %dma_wait3A_135 = arith.constant 0 : i32
      %dma_wait3A_136 = tpu.memref_slice %dma_wait3A_134[%mul3A_122, %dma_wait3A_135] : memref<10240x128xf32, #tpu.memory_space<hbm>> -> memref<640x128xf32, #tpu.memory_space<hbm>>
      %dma_wait3A_137 = arith.constant 0 : i32
      %dma_wait3A_138 = tpu.memref_slice %arg13[%mul3A_120, %dma_wait3A_137] : memref<10240x128xf32, #tpu.memory_space<vmem_shared>> -> memref<640x128xf32, #tpu.memory_space<vmem_shared>>
      tpu.wait_dma2 semaphore(%run_scoped3A : memref<!tpu.dma_semaphore, #tpu.memory_space<semaphore_mem>>) src(%dma_wait3A_138 : memref<640x128xf32, #tpu.memory_space<vmem_shared>>) dst(%dma_wait3A_136 : memref<640x128xf32, #tpu.memory_space<hbm>>)
      tpu.yield
    }) : () -> ()
    return
  }
}

#map = affine_map<(d0, d1) -> (0, 0, 0)>
#map1 = affine_map<(d0, d1) -> (0)>
module attributes {stable_mosaic.version = 14 : i64} {
  func.func @_spmm_sc_body(%arg0: i32, %arg1: i32, %arg2: memref<2x10000x128xf32, #tpu.memory_space<hbm>>, %arg3: memref<320000xi32, #tpu.memory_space<hbm>>, %arg4: memref<2x10240x128xf32, #tpu.memory_space<hbm>>, %arg5: memref<128xi32, #tpu.memory_space<vmem>>, %arg6: memref<128xi32, #tpu.memory_space<vmem>>, %arg7: memref<128xi32, #tpu.memory_space<vmem>>, %arg8: memref<128xi32, #tpu.memory_space<vmem>>, %arg9: memref<16xi32, #tpu.memory_space<vmem>>, %arg10: memref<16xi32, #tpu.memory_space<vmem>>, %arg11: memref<128x128xf32, #tpu.memory_space<vmem>>, %arg12: memref<128x128xf32, #tpu.memory_space<vmem>>, %arg13: memref<10240x128xf32, #tpu.memory_space<vmem_shared>>, %arg14: memref<!tpu.dma_semaphore, #tpu.memory_space<semaphore_mem>>, %arg15: memref<!tpu.dma_semaphore, #tpu.memory_space<semaphore_mem>>, %arg16: memref<!tpu.dma_semaphore, #tpu.memory_space<semaphore_mem>>, %arg17: memref<!tpu.dma_semaphore, #tpu.memory_space<semaphore_mem>>) attributes {dimension_semantics = [#tpu.dimension_semantics<core_parallel>, #tpu.dimension_semantics<subcore_parallel>], iteration_bounds = array<i64: 2, 16>, scalar_prefetch = 0 : i64, scratch_operands = 13 : i64, tpu.core_type = #tpu.core_type<sc_vector_subcore>, window_params = [{transform_indices = #map}, {transform_indices = #map1}, {transform_indices = #map}]} {
    %mul3A = arith.constant 10000 : i32
    %mul3A_0 = arith.muli %arg1, %mul3A : i32
    %mul3A_1 = arith.constant 10000 : i32
    %mul3A_2 = arith.muli %arg1, %mul3A_1 : i32
    %add3A = arith.constant 160000 : i32
    %add3A_3 = arith.addi %add3A, %mul3A_2 : i32
    %add3A_4 = arith.constant 0 : i32
    %add3A_5 = arith.addi %mul3A_0, %add3A_4 : i32
    %dma_start3A = tpu.memref_slice %arg3[%add3A_5] : memref<320000xi32, #tpu.memory_space<hbm>> -> memref<128xi32, #tpu.memory_space<hbm>>
    %dma_start3A_6 = tpu.memref_slice %arg3[%add3A_5] : memref<320000xi32, #tpu.memory_space<hbm>> -> memref<128xi32, #tpu.memory_space<hbm>>
    tpu.enqueue_dma source(%dma_start3A_6 : memref<128xi32, #tpu.memory_space<hbm>>) target(%arg5 : memref<128xi32, #tpu.memory_space<vmem>>) target_semaphore(%arg14 : memref<!tpu.dma_semaphore, #tpu.memory_space<semaphore_mem>>)
    %add3A_7 = arith.constant 0 : i32
    %add3A_8 = arith.addi %add3A_3, %add3A_7 : i32
    %dma_start3A_9 = tpu.memref_slice %arg3[%add3A_8] : memref<320000xi32, #tpu.memory_space<hbm>> -> memref<128xi32, #tpu.memory_space<hbm>>
    %dma_start3A_10 = tpu.memref_slice %arg3[%add3A_8] : memref<320000xi32, #tpu.memory_space<hbm>> -> memref<128xi32, #tpu.memory_space<hbm>>
    tpu.enqueue_dma source(%dma_start3A_10 : memref<128xi32, #tpu.memory_space<hbm>>) target(%arg6 : memref<128xi32, #tpu.memory_space<vmem>>) target_semaphore(%arg14 : memref<!tpu.dma_semaphore, #tpu.memory_space<semaphore_mem>>)
    %add3A_11 = arith.constant 128 : i32
    %add3A_12 = arith.addi %mul3A_0, %add3A_11 : i32
    %dma_start3A_13 = tpu.memref_slice %arg3[%add3A_12] : memref<320000xi32, #tpu.memory_space<hbm>> -> memref<128xi32, #tpu.memory_space<hbm>>
    %dma_start3A_14 = tpu.memref_slice %arg3[%add3A_12] : memref<320000xi32, #tpu.memory_space<hbm>> -> memref<128xi32, #tpu.memory_space<hbm>>
    tpu.enqueue_dma source(%dma_start3A_14 : memref<128xi32, #tpu.memory_space<hbm>>) target(%arg7 : memref<128xi32, #tpu.memory_space<vmem>>) target_semaphore(%arg15 : memref<!tpu.dma_semaphore, #tpu.memory_space<semaphore_mem>>)
    %add3A_15 = arith.constant 128 : i32
    %add3A_16 = arith.addi %add3A_3, %add3A_15 : i32
    %dma_start3A_17 = tpu.memref_slice %arg3[%add3A_16] : memref<320000xi32, #tpu.memory_space<hbm>> -> memref<128xi32, #tpu.memory_space<hbm>>
    %dma_start3A_18 = tpu.memref_slice %arg3[%add3A_16] : memref<320000xi32, #tpu.memory_space<hbm>> -> memref<128xi32, #tpu.memory_space<hbm>>
    tpu.enqueue_dma source(%dma_start3A_18 : memref<128xi32, #tpu.memory_space<hbm>>) target(%arg8 : memref<128xi32, #tpu.memory_space<vmem>>) target_semaphore(%arg15 : memref<!tpu.dma_semaphore, #tpu.memory_space<semaphore_mem>>)
    %broadcast_in_dim3A = arith.constant 0.000000e+00 : f32
    %broadcast_in_dim3A_19 = vector.broadcast %broadcast_in_dim3A : f32 to vector<16xf32>
    %scan3A = arith.constant 0 : i32
    %scan3A_20 = arith.constant 0 : i32
    %scan3A_21 = arith.constant 128 : i32
    %scan3A_22 = arith.addi %scan3A_20, %scan3A_21 : i32
    %scan3A_23 = arith.constant 1 : i32
    scf.for %scan3A_123 = %scan3A_20 to %scan3A_22 step %scan3A_23  : i32 {
      %swap3A = arith.index_cast %scan3A_123 : i32 to index
      %swap3A_124 = arith.constant 0 : index
      %swap3A_125 = tpu.vector_load %arg11[%swap3A, %swap3A_124] {strides = array<i32>} : memref<128x128xf32, #tpu.memory_space<vmem>>, vector<1x16xf32>,
      %swap3A_126 = vector.shape_cast %swap3A_125 : vector<1x16xf32> to vector<16xf32>
      %swap3A_127 = vector.shape_cast %broadcast_in_dim3A_19 : vector<16xf32> to vector<1x16xf32>
      tpu.vector_store %arg11[%swap3A, %swap3A_124], %swap3A_127 {strides = array<i32>} : memref<128x128xf32, #tpu.memory_space<vmem>>, vector<1x16xf32>,
      %swap3A_128 = arith.index_cast %scan3A_123 : i32 to index
      %swap3A_129 = arith.constant 16 : index
      %swap3A_130 = tpu.vector_load %arg11[%swap3A_128, %swap3A_129] {strides = array<i32>} : memref<128x128xf32, #tpu.memory_space<vmem>>, vector<1x16xf32>,
      %swap3A_131 = vector.shape_cast %swap3A_130 : vector<1x16xf32> to vector<16xf32>
      %swap3A_132 = vector.shape_cast %broadcast_in_dim3A_19 : vector<16xf32> to vector<1x16xf32>
      tpu.vector_store %arg11[%swap3A_128, %swap3A_129], %swap3A_132 {strides = array<i32>} : memref<128x128xf32, #tpu.memory_space<vmem>>, vector<1x16xf32>,
      %swap3A_133 = arith.index_cast %scan3A_123 : i32 to index
      %swap3A_134 = arith.constant 32 : index
      %swap3A_135 = tpu.vector_load %arg11[%swap3A_133, %swap3A_134] {strides = array<i32>} : memref<128x128xf32, #tpu.memory_space<vmem>>, vector<1x16xf32>,
      %swap3A_136 = vector.shape_cast %swap3A_135 : vector<1x16xf32> to vector<16xf32>
      %swap3A_137 = vector.shape_cast %broadcast_in_dim3A_19 : vector<16xf32> to vector<1x16xf32>
      tpu.vector_store %arg11[%swap3A_133, %swap3A_134], %swap3A_137 {strides = array<i32>} : memref<128x128xf32, #tpu.memory_space<vmem>>, vector<1x16xf32>,
      %swap3A_138 = arith.index_cast %scan3A_123 : i32 to index
      %swap3A_139 = arith.constant 48 : index
      %swap3A_140 = tpu.vector_load %arg11[%swap3A_138, %swap3A_139] {strides = array<i32>} : memref<128x128xf32, #tpu.memory_space<vmem>>, vector<1x16xf32>,
      %swap3A_141 = vector.shape_cast %swap3A_140 : vector<1x16xf32> to vector<16xf32>
      %swap3A_142 = vector.shape_cast %broadcast_in_dim3A_19 : vector<16xf32> to vector<1x16xf32>
      tpu.vector_store %arg11[%swap3A_138, %swap3A_139], %swap3A_142 {strides = array<i32>} : memref<128x128xf32, #tpu.memory_space<vmem>>, vector<1x16xf32>,
      %swap3A_143 = arith.index_cast %scan3A_123 : i32 to index
      %swap3A_144 = arith.constant 64 : index
      %swap3A_145 = tpu.vector_load %arg11[%swap3A_143, %swap3A_144] {strides = array<i32>} : memref<128x128xf32, #tpu.memory_space<vmem>>, vector<1x16xf32>,
      %swap3A_146 = vector.shape_cast %swap3A_145 : vector<1x16xf32> to vector<16xf32>
      %swap3A_147 = vector.shape_cast %broadcast_in_dim3A_19 : vector<16xf32> to vector<1x16xf32>
      tpu.vector_store %arg11[%swap3A_143, %swap3A_144], %swap3A_147 {strides = array<i32>} : memref<128x128xf32, #tpu.memory_space<vmem>>, vector<1x16xf32>,
      %swap3A_148 = arith.index_cast %scan3A_123 : i32 to index
      %swap3A_149 = arith.constant 80 : index
      %swap3A_150 = tpu.vector_load %arg11[%swap3A_148, %swap3A_149] {strides = array<i32>} : memref<128x128xf32, #tpu.memory_space<vmem>>, vector<1x16xf32>,
      %swap3A_151 = vector.shape_cast %swap3A_150 : vector<1x16xf32> to vector<16xf32>
      %swap3A_152 = vector.shape_cast %broadcast_in_dim3A_19 : vector<16xf32> to vector<1x16xf32>
      tpu.vector_store %arg11[%swap3A_148, %swap3A_149], %swap3A_152 {strides = array<i32>} : memref<128x128xf32, #tpu.memory_space<vmem>>, vector<1x16xf32>,
      %swap3A_153 = arith.index_cast %scan3A_123 : i32 to index
      %swap3A_154 = arith.constant 96 : index
      %swap3A_155 = tpu.vector_load %arg11[%swap3A_153, %swap3A_154] {strides = array<i32>} : memref<128x128xf32, #tpu.memory_space<vmem>>, vector<1x16xf32>,
      %swap3A_156 = vector.shape_cast %swap3A_155 : vector<1x16xf32> to vector<16xf32>
      %swap3A_157 = vector.shape_cast %broadcast_in_dim3A_19 : vector<16xf32> to vector<1x16xf32>
      tpu.vector_store %arg11[%swap3A_153, %swap3A_154], %swap3A_157 {strides = array<i32>} : memref<128x128xf32, #tpu.memory_space<vmem>>, vector<1x16xf32>,
      %swap3A_158 = arith.index_cast %scan3A_123 : i32 to index
      %swap3A_159 = arith.constant 112 : index
      %swap3A_160 = tpu.vector_load %arg11[%swap3A_158, %swap3A_159] {strides = array<i32>} : memref<128x128xf32, #tpu.memory_space<vmem>>, vector<1x16xf32>,
      %swap3A_161 = vector.shape_cast %swap3A_160 : vector<1x16xf32> to vector<16xf32>
      %swap3A_162 = vector.shape_cast %broadcast_in_dim3A_19 : vector<16xf32> to vector<1x16xf32>
      tpu.vector_store %arg11[%swap3A_158, %swap3A_159], %swap3A_162 {strides = array<i32>} : memref<128x128xf32, #tpu.memory_space<vmem>>, vector<1x16xf32>,
    }
    %scan3A_24 = arith.constant 128 : i32
    %mul3A_25 = arith.constant 640 : i32
    %mul3A_26 = arith.muli %arg1, %mul3A_25 : i32
    %add3A_27 = arith.constant 0 : i32
    %add3A_28 = arith.addi %mul3A_26, %add3A_27 : i32
    "tpu.region"() ({
      %run_scoped3A = tpu.sem_alloc : memref<!tpu.dma_semaphore, #tpu.memory_space<semaphore_mem>>
      %dma_start3A_123 = arith.constant 0 : i32
      %dma_start3A_124 = tpu.memref_slice %arg13[%add3A_28, %dma_start3A_123] : memref<10240x128xf32, #tpu.memory_space<vmem_shared>> -> memref<128x128xf32, #tpu.memory_space<vmem_shared>>
      %dma_start3A_125 = arith.constant 0 : i32
      %dma_start3A_126 = tpu.memref_slice %arg13[%add3A_28, %dma_start3A_125] : memref<10240x128xf32, #tpu.memory_space<vmem_shared>> -> memref<128x128xf32, #tpu.memory_space<vmem_shared>>
      tpu.enqueue_dma source(%arg11 : memref<128x128xf32, #tpu.memory_space<vmem>>) target(%dma_start3A_126 : memref<128x128xf32, #tpu.memory_space<vmem_shared>>) target_semaphore(%run_scoped3A : memref<!tpu.dma_semaphore, #tpu.memory_space<semaphore_mem>>)
      %dma_wait3A_127 = arith.constant 0 : i32
      %dma_wait3A_128 = tpu.memref_slice %arg13[%add3A_28, %dma_wait3A_127] : memref<10240x128xf32, #tpu.memory_space<vmem_shared>> -> memref<128x128xf32, #tpu.memory_space<vmem_shared>>
      %dma_wait3A_129 = arith.constant 0 : i32
      %dma_wait3A_130 = tpu.memref_slice %arg13[%add3A_28, %dma_wait3A_129] : memref<10240x128xf32, #tpu.memory_space<vmem_shared>> -> memref<128x128xf32, #tpu.memory_space<vmem_shared>>
      tpu.wait_dma2 semaphore(%run_scoped3A : memref<!tpu.dma_semaphore, #tpu.memory_space<semaphore_mem>>) src(%arg11 : memref<128x128xf32, #tpu.memory_space<vmem>>) dst(%dma_wait3A_130 : memref<128x128xf32, #tpu.memory_space<vmem_shared>>)
      tpu.yield
    }) : () -> ()
    %mul3A_29 = arith.constant 640 : i32
    %mul3A_30 = arith.muli %arg1, %mul3A_29 : i32
    %add3A_31 = arith.constant 128 : i32
    %add3A_32 = arith.addi %mul3A_30, %add3A_31 : i32
    "tpu.region"() ({
      %run_scoped3A = tpu.sem_alloc : memref<!tpu.dma_semaphore, #tpu.memory_space<semaphore_mem>>
      %dma_start3A_123 = arith.constant 0 : i32
      %dma_start3A_124 = tpu.memref_slice %arg13[%add3A_32, %dma_start3A_123] : memref<10240x128xf32, #tpu.memory_space<vmem_shared>> -> memref<128x128xf32, #tpu.memory_space<vmem_shared>>
      %dma_start3A_125 = arith.constant 0 : i32
      %dma_start3A_126 = tpu.memref_slice %arg13[%add3A_32, %dma_start3A_125] : memref<10240x128xf32, #tpu.memory_space<vmem_shared>> -> memref<128x128xf32, #tpu.memory_space<vmem_shared>>
      tpu.enqueue_dma source(%arg11 : memref<128x128xf32, #tpu.memory_space<vmem>>) target(%dma_start3A_126 : memref<128x128xf32, #tpu.memory_space<vmem_shared>>) target_semaphore(%run_scoped3A : memref<!tpu.dma_semaphore, #tpu.memory_space<semaphore_mem>>)
      %dma_wait3A_127 = arith.constant 0 : i32
      %dma_wait3A_128 = tpu.memref_slice %arg13[%add3A_32, %dma_wait3A_127] : memref<10240x128xf32, #tpu.memory_space<vmem_shared>> -> memref<128x128xf32, #tpu.memory_space<vmem_shared>>
      %dma_wait3A_129 = arith.constant 0 : i32
      %dma_wait3A_130 = tpu.memref_slice %arg13[%add3A_32, %dma_wait3A_129] : memref<10240x128xf32, #tpu.memory_space<vmem_shared>> -> memref<128x128xf32, #tpu.memory_space<vmem_shared>>
      tpu.wait_dma2 semaphore(%run_scoped3A : memref<!tpu.dma_semaphore, #tpu.memory_space<semaphore_mem>>) src(%arg11 : memref<128x128xf32, #tpu.memory_space<vmem>>) dst(%dma_wait3A_130 : memref<128x128xf32, #tpu.memory_space<vmem_shared>>)
      tpu.yield
    }) : () -> ()
    %mul3A_33 = arith.constant 640 : i32
    %mul3A_34 = arith.muli %arg1, %mul3A_33 : i32
    %add3A_35 = arith.constant 256 : i32
    %add3A_36 = arith.addi %mul3A_34, %add3A_35 : i32
    "tpu.region"() ({
      %run_scoped3A = tpu.sem_alloc : memref<!tpu.dma_semaphore, #tpu.memory_space<semaphore_mem>>
      %dma_start3A_123 = arith.constant 0 : i32
      %dma_start3A_124 = tpu.memref_slice %arg13[%add3A_36, %dma_start3A_123] : memref<10240x128xf32, #tpu.memory_space<vmem_shared>> -> memref<128x128xf32, #tpu.memory_space<vmem_shared>>
      %dma_start3A_125 = arith.constant 0 : i32
      %dma_start3A_126 = tpu.memref_slice %arg13[%add3A_36, %dma_start3A_125] : memref<10240x128xf32, #tpu.memory_space<vmem_shared>> -> memref<128x128xf32, #tpu.memory_space<vmem_shared>>
      tpu.enqueue_dma source(%arg11 : memref<128x128xf32, #tpu.memory_space<vmem>>) target(%dma_start3A_126 : memref<128x128xf32, #tpu.memory_space<vmem_shared>>) target_semaphore(%run_scoped3A : memref<!tpu.dma_semaphore, #tpu.memory_space<semaphore_mem>>)
      %dma_wait3A_127 = arith.constant 0 : i32
      %dma_wait3A_128 = tpu.memref_slice %arg13[%add3A_36, %dma_wait3A_127] : memref<10240x128xf32, #tpu.memory_space<vmem_shared>> -> memref<128x128xf32, #tpu.memory_space<vmem_shared>>
      %dma_wait3A_129 = arith.constant 0 : i32
      %dma_wait3A_130 = tpu.memref_slice %arg13[%add3A_36, %dma_wait3A_129] : memref<10240x128xf32, #tpu.memory_space<vmem_shared>> -> memref<128x128xf32, #tpu.memory_space<vmem_shared>>
      tpu.wait_dma2 semaphore(%run_scoped3A : memref<!tpu.dma_semaphore, #tpu.memory_space<semaphore_mem>>) src(%arg11 : memref<128x128xf32, #tpu.memory_space<vmem>>) dst(%dma_wait3A_130 : memref<128x128xf32, #tpu.memory_space<vmem_shared>>)
      tpu.yield
    }) : () -> ()
    %mul3A_37 = arith.constant 640 : i32
    %mul3A_38 = arith.muli %arg1, %mul3A_37 : i32
    %add3A_39 = arith.constant 384 : i32
    %add3A_40 = arith.addi %mul3A_38, %add3A_39 : i32
    "tpu.region"() ({
      %run_scoped3A = tpu.sem_alloc : memref<!tpu.dma_semaphore, #tpu.memory_space<semaphore_mem>>
      %dma_start3A_123 = arith.constant 0 : i32
      %dma_start3A_124 = tpu.memref_slice %arg13[%add3A_40, %dma_start3A_123] : memref<10240x128xf32, #tpu.memory_space<vmem_shared>> -> memref<128x128xf32, #tpu.memory_space<vmem_shared>>
      %dma_start3A_125 = arith.constant 0 : i32
      %dma_start3A_126 = tpu.memref_slice %arg13[%add3A_40, %dma_start3A_125] : memref<10240x128xf32, #tpu.memory_space<vmem_shared>> -> memref<128x128xf32, #tpu.memory_space<vmem_shared>>
      tpu.enqueue_dma source(%arg11 : memref<128x128xf32, #tpu.memory_space<vmem>>) target(%dma_start3A_126 : memref<128x128xf32, #tpu.memory_space<vmem_shared>>) target_semaphore(%run_scoped3A : memref<!tpu.dma_semaphore, #tpu.memory_space<semaphore_mem>>)
      %dma_wait3A_127 = arith.constant 0 : i32
      %dma_wait3A_128 = tpu.memref_slice %arg13[%add3A_40, %dma_wait3A_127] : memref<10240x128xf32, #tpu.memory_space<vmem_shared>> -> memref<128x128xf32, #tpu.memory_space<vmem_shared>>
      %dma_wait3A_129 = arith.constant 0 : i32
      %dma_wait3A_130 = tpu.memref_slice %arg13[%add3A_40, %dma_wait3A_129] : memref<10240x128xf32, #tpu.memory_space<vmem_shared>> -> memref<128x128xf32, #tpu.memory_space<vmem_shared>>
      tpu.wait_dma2 semaphore(%run_scoped3A : memref<!tpu.dma_semaphore, #tpu.memory_space<semaphore_mem>>) src(%arg11 : memref<128x128xf32, #tpu.memory_space<vmem>>) dst(%dma_wait3A_130 : memref<128x128xf32, #tpu.memory_space<vmem_shared>>)
      tpu.yield
    }) : () -> ()
    %mul3A_41 = arith.constant 640 : i32
    %mul3A_42 = arith.muli %arg1, %mul3A_41 : i32
    %add3A_43 = arith.constant 512 : i32
    %add3A_44 = arith.addi %mul3A_42, %add3A_43 : i32
    "tpu.region"() ({
      %run_scoped3A = tpu.sem_alloc : memref<!tpu.dma_semaphore, #tpu.memory_space<semaphore_mem>>
      %dma_start3A_123 = arith.constant 0 : i32
      %dma_start3A_124 = tpu.memref_slice %arg13[%add3A_44, %dma_start3A_123] : memref<10240x128xf32, #tpu.memory_space<vmem_shared>> -> memref<128x128xf32, #tpu.memory_space<vmem_shared>>
      %dma_start3A_125 = arith.constant 0 : i32
      %dma_start3A_126 = tpu.memref_slice %arg13[%add3A_44, %dma_start3A_125] : memref<10240x128xf32, #tpu.memory_space<vmem_shared>> -> memref<128x128xf32, #tpu.memory_space<vmem_shared>>
      tpu.enqueue_dma source(%arg11 : memref<128x128xf32, #tpu.memory_space<vmem>>) target(%dma_start3A_126 : memref<128x128xf32, #tpu.memory_space<vmem_shared>>) target_semaphore(%run_scoped3A : memref<!tpu.dma_semaphore, #tpu.memory_space<semaphore_mem>>)
      %dma_wait3A_127 = arith.constant 0 : i32
      %dma_wait3A_128 = tpu.memref_slice %arg13[%add3A_44, %dma_wait3A_127] : memref<10240x128xf32, #tpu.memory_space<vmem_shared>> -> memref<128x128xf32, #tpu.memory_space<vmem_shared>>
      %dma_wait3A_129 = arith.constant 0 : i32
      %dma_wait3A_130 = tpu.memref_slice %arg13[%add3A_44, %dma_wait3A_129] : memref<10240x128xf32, #tpu.memory_space<vmem_shared>> -> memref<128x128xf32, #tpu.memory_space<vmem_shared>>
      tpu.wait_dma2 semaphore(%run_scoped3A : memref<!tpu.dma_semaphore, #tpu.memory_space<semaphore_mem>>) src(%arg11 : memref<128x128xf32, #tpu.memory_space<vmem>>) dst(%dma_wait3A_130 : memref<128x128xf32, #tpu.memory_space<vmem_shared>>)
      tpu.yield
    }) : () -> ()
    %barrier3A = arith.constant 0 : index
    tpu.barrier barrier_id(%barrier3A)
    %dma_wait3A = arith.constant 0 : i32
    %dma_wait3A_45 = tpu.memref_slice %arg3[%dma_wait3A] : memref<320000xi32, #tpu.memory_space<hbm>> -> memref<128xi32, #tpu.memory_space<hbm>>
    %dma_wait3A_46 = arith.constant 0 : i32
    %dma_wait3A_47 = tpu.memref_slice %arg3[%dma_wait3A_46] : memref<320000xi32, #tpu.memory_space<hbm>> -> memref<128xi32, #tpu.memory_space<hbm>>
    tpu.wait_dma2 semaphore(%arg14 : memref<!tpu.dma_semaphore, #tpu.memory_space<semaphore_mem>>) src(%dma_wait3A_47 : memref<128xi32, #tpu.memory_space<hbm>>) dst(%arg5 : memref<128xi32, #tpu.memory_space<vmem>>)
    %dma_wait3A_48 = arith.constant 0 : i32
    %dma_wait3A_49 = tpu.memref_slice %arg3[%dma_wait3A_48] : memref<320000xi32, #tpu.memory_space<hbm>> -> memref<128xi32, #tpu.memory_space<hbm>>
    %dma_wait3A_50 = arith.constant 0 : i32
    %dma_wait3A_51 = tpu.memref_slice %arg3[%dma_wait3A_50] : memref<320000xi32, #tpu.memory_space<hbm>> -> memref<128xi32, #tpu.memory_space<hbm>>
    tpu.wait_dma2 semaphore(%arg14 : memref<!tpu.dma_semaphore, #tpu.memory_space<semaphore_mem>>) src(%dma_wait3A_51 : memref<128xi32, #tpu.memory_space<hbm>>) dst(%arg6 : memref<128xi32, #tpu.memory_space<vmem>>)
    %dma_start3A_52 = arith.constant 0 : i32
    %dma_start3A_53 = arith.constant 0 : i32
    %dma_start3A_54 = tpu.memref_slice %arg2[%arg0, %dma_start3A_52, %dma_start3A_53] : memref<2x10000x128xf32, #tpu.memory_space<hbm>> -> memref<1x10000x128xf32, #tpu.memory_space<hbm>>
    %dma_start3A_55 = tpu.memref_squeeze %dma_start3A_54 : memref<1x10000x128xf32, #tpu.memory_space<hbm>> -> memref<10000x128xf32, #tpu.memory_space<hbm>>
    %dma_start3A_56 = arith.constant 0 : i32
    %dma_start3A_57 = arith.constant 0 : i32
    %dma_start3A_58 = tpu.memref_slice %dma_start3A_55[%dma_start3A_56, %dma_start3A_57] : memref<10000x128xf32, #tpu.memory_space<hbm>> -> memref<10000x128xf32, #tpu.memory_space<hbm>>
    tpu.enqueue_indirect_dma source(%dma_start3A_58 : memref<10000x128xf32, #tpu.memory_space<hbm>>) target(%arg11 : memref<128x128xf32, #tpu.memory_space<vmem>>) offsets(%arg5 : memref<128xi32, #tpu.memory_space<vmem>>) semaphore(%arg16 : memref<!tpu.dma_semaphore, #tpu.memory_space<semaphore_mem>>)
    %dma_wait3A_59 = arith.constant 0 : i32
    %dma_wait3A_60 = tpu.memref_slice %arg3[%dma_wait3A_59] : memref<320000xi32, #tpu.memory_space<hbm>> -> memref<128xi32, #tpu.memory_space<hbm>>
    %dma_wait3A_61 = arith.constant 0 : i32
    %dma_wait3A_62 = tpu.memref_slice %arg3[%dma_wait3A_61] : memref<320000xi32, #tpu.memory_space<hbm>> -> memref<128xi32, #tpu.memory_space<hbm>>
    tpu.wait_dma2 semaphore(%arg15 : memref<!tpu.dma_semaphore, #tpu.memory_space<semaphore_mem>>) src(%dma_wait3A_62 : memref<128xi32, #tpu.memory_space<hbm>>) dst(%arg7 : memref<128xi32, #tpu.memory_space<vmem>>)
    %dma_wait3A_63 = arith.constant 0 : i32
    %dma_wait3A_64 = tpu.memref_slice %arg3[%dma_wait3A_63] : memref<320000xi32, #tpu.memory_space<hbm>> -> memref<128xi32, #tpu.memory_space<hbm>>
    %dma_wait3A_65 = arith.constant 0 : i32
    %dma_wait3A_66 = tpu.memref_slice %arg3[%dma_wait3A_65] : memref<320000xi32, #tpu.memory_space<hbm>> -> memref<128xi32, #tpu.memory_space<hbm>>
    tpu.wait_dma2 semaphore(%arg15 : memref<!tpu.dma_semaphore, #tpu.memory_space<semaphore_mem>>) src(%dma_wait3A_66 : memref<128xi32, #tpu.memory_space<hbm>>) dst(%arg8 : memref<128xi32, #tpu.memory_space<vmem>>)
    %dma_start3A_67 = arith.constant 0 : i32
    %dma_start3A_68 = arith.constant 0 : i32
    %dma_start3A_69 = tpu.memref_slice %arg2[%arg0, %dma_start3A_67, %dma_start3A_68] : memref<2x10000x128xf32, #tpu.memory_space<hbm>> -> memref<1x10000x128xf32, #tpu.memory_space<hbm>>
    %dma_start3A_70 = tpu.memref_squeeze %dma_start3A_69 : memref<1x10000x128xf32, #tpu.memory_space<hbm>> -> memref<10000x128xf32, #tpu.memory_space<hbm>>
    %dma_start3A_71 = arith.constant 0 : i32
    %dma_start3A_72 = arith.constant 0 : i32
    %dma_start3A_73 = tpu.memref_slice %dma_start3A_70[%dma_start3A_71, %dma_start3A_72] : memref<10000x128xf32, #tpu.memory_space<hbm>> -> memref<10000x128xf32, #tpu.memory_space<hbm>>
    tpu.enqueue_indirect_dma source(%dma_start3A_73 : memref<10000x128xf32, #tpu.memory_space<hbm>>) target(%arg12 : memref<128x128xf32, #tpu.memory_space<vmem>>) offsets(%arg7 : memref<128xi32, #tpu.memory_space<vmem>>) semaphore(%arg17 : memref<!tpu.dma_semaphore, #tpu.memory_space<semaphore_mem>>)
    %scan3A_74 = arith.constant 0 : i32
    %scan3A_75 = arith.constant 0 : i32
    %scan3A_76 = arith.constant 38 : i32
    %scan3A_77 = arith.addi %scan3A_75, %scan3A_76 : i32
    %scan3A_78 = arith.constant 1 : i32
    scf.for %scan3A_123 = %scan3A_75 to %scan3A_77 step %scan3A_78  : i32 {
      %mul3A_124 = arith.constant 2 : i32
      %mul3A_125 = arith.muli %mul3A_124, %scan3A_123 : i32
      %dma_wait3A_126 = arith.constant 0 : i32
      %dma_wait3A_127 = arith.constant 0 : i32
      %dma_wait3A_128 = tpu.memref_slice %arg2[%arg0, %dma_wait3A_126, %dma_wait3A_127] : memref<2x10000x128xf32, #tpu.memory_space<hbm>> -> memref<1x10000x128xf32, #tpu.memory_space<hbm>>
      %dma_wait3A_129 = tpu.memref_squeeze %dma_wait3A_128 : memref<1x10000x128xf32, #tpu.memory_space<hbm>> -> memref<10000x128xf32, #tpu.memory_space<hbm>>
      %dma_wait3A_130 = arith.constant 0 : i32
      %dma_wait3A_131 = arith.constant 0 : i32
      %dma_wait3A_132 = tpu.memref_slice %dma_wait3A_129[%dma_wait3A_130, %dma_wait3A_131] : memref<10000x128xf32, #tpu.memory_space<hbm>> -> memref<10000x128xf32, #tpu.memory_space<hbm>>
      tpu.wait_indirect_dma semaphore(%arg16 : memref<!tpu.dma_semaphore, #tpu.memory_space<semaphore_mem>>) src(%dma_wait3A_132 : memref<10000x128xf32, #tpu.memory_space<hbm>>) dst(%arg11 : memref<128x128xf32, #tpu.memory_space<vmem>>)
      "tpu.region"() ({
        %run_scoped3A = tpu.sem_alloc : memref<!tpu.dma_semaphore, #tpu.memory_space<semaphore_mem>>
        %dma_start3A_194 = arith.constant 0 : i32
        %dma_start3A_195 = arith.constant 0 : i32
        %dma_start3A_196 = tpu.memref_slice %arg13[%dma_start3A_194, %dma_start3A_195] : memref<10240x128xf32, #tpu.memory_space<vmem_shared>> -> memref<10240x128xf32, #tpu.memory_space<vmem_shared>>
        tpu.enqueue_indirect_dma source(%arg11 : memref<128x128xf32, #tpu.memory_space<vmem>>) target(%dma_start3A_196 : memref<10240x128xf32, #tpu.memory_space<vmem_shared>>) offsets(%arg6 : memref<128xi32, #tpu.memory_space<vmem>>) semaphore(%run_scoped3A : memref<!tpu.dma_semaphore, #tpu.memory_space<semaphore_mem>>) {add = true}
        %dma_wait3A_197 = arith.constant 0 : i32
        %dma_wait3A_198 = arith.constant 0 : i32
        %dma_wait3A_199 = tpu.memref_slice %arg13[%dma_wait3A_197, %dma_wait3A_198] : memref<10240x128xf32, #tpu.memory_space<vmem_shared>> -> memref<10240x128xf32, #tpu.memory_space<vmem_shared>>
        tpu.wait_indirect_dma semaphore(%run_scoped3A : memref<!tpu.dma_semaphore, #tpu.memory_space<semaphore_mem>>) src(%arg11 : memref<128x128xf32, #tpu.memory_space<vmem>>) dst(%dma_wait3A_199 : memref<10240x128xf32, #tpu.memory_space<vmem_shared>>)
        tpu.yield
      }) : () -> ()
      %add3A_133 = arith.constant 2 : i32
      %add3A_134 = arith.addi %mul3A_125, %add3A_133 : i32
      %mul3A_135 = arith.constant 128 : i32
      %mul3A_136 = arith.muli %add3A_134, %mul3A_135 : i32
      %add3A_137 = arith.addi %mul3A_0, %mul3A_136 : i32
      %dma_start3A_138 = tpu.memref_slice %arg3[%add3A_137] : memref<320000xi32, #tpu.memory_space<hbm>> -> memref<128xi32, #tpu.memory_space<hbm>>
      %dma_start3A_139 = tpu.memref_slice %arg3[%add3A_137] : memref<320000xi32, #tpu.memory_space<hbm>> -> memref<128xi32, #tpu.memory_space<hbm>>
      tpu.enqueue_dma source(%dma_start3A_139 : memref<128xi32, #tpu.memory_space<hbm>>) target(%arg5 : memref<128xi32, #tpu.memory_space<vmem>>) target_semaphore(%arg14 : memref<!tpu.dma_semaphore, #tpu.memory_space<semaphore_mem>>)
      %mul3A_140 = arith.constant 128 : i32
      %mul3A_141 = arith.muli %add3A_134, %mul3A_140 : i32
      %add3A_142 = arith.addi %add3A_3, %mul3A_141 : i32
      %dma_start3A_143 = tpu.memref_slice %arg3[%add3A_142] : memref<320000xi32, #tpu.memory_space<hbm>> -> memref<128xi32, #tpu.memory_space<hbm>>
      %dma_start3A_144 = tpu.memref_slice %arg3[%add3A_142] : memref<320000xi32, #tpu.memory_space<hbm>> -> memref<128xi32, #tpu.memory_space<hbm>>
      tpu.enqueue_dma source(%dma_start3A_144 : memref<128xi32, #tpu.memory_space<hbm>>) target(%arg6 : memref<128xi32, #tpu.memory_space<vmem>>) target_semaphore(%arg14 : memref<!tpu.dma_semaphore, #tpu.memory_space<semaphore_mem>>)
      %dma_wait3A_145 = arith.constant 0 : i32
      %dma_wait3A_146 = arith.constant 0 : i32
      %dma_wait3A_147 = tpu.memref_slice %arg2[%arg0, %dma_wait3A_145, %dma_wait3A_146] : memref<2x10000x128xf32, #tpu.memory_space<hbm>> -> memref<1x10000x128xf32, #tpu.memory_space<hbm>>
      %dma_wait3A_148 = tpu.memref_squeeze %dma_wait3A_147 : memref<1x10000x128xf32, #tpu.memory_space<hbm>> -> memref<10000x128xf32, #tpu.memory_space<hbm>>
      %dma_wait3A_149 = arith.constant 0 : i32
      %dma_wait3A_150 = arith.constant 0 : i32
      %dma_wait3A_151 = tpu.memref_slice %dma_wait3A_148[%dma_wait3A_149, %dma_wait3A_150] : memref<10000x128xf32, #tpu.memory_space<hbm>> -> memref<10000x128xf32, #tpu.memory_space<hbm>>
      tpu.wait_indirect_dma semaphore(%arg17 : memref<!tpu.dma_semaphore, #tpu.memory_space<semaphore_mem>>) src(%dma_wait3A_151 : memref<10000x128xf32, #tpu.memory_space<hbm>>) dst(%arg12 : memref<128x128xf32, #tpu.memory_space<vmem>>)
      "tpu.region"() ({
        %run_scoped3A = tpu.sem_alloc : memref<!tpu.dma_semaphore, #tpu.memory_space<semaphore_mem>>
        %dma_start3A_194 = arith.constant 0 : i32
        %dma_start3A_195 = arith.constant 0 : i32
        %dma_start3A_196 = tpu.memref_slice %arg13[%dma_start3A_194, %dma_start3A_195] : memref<10240x128xf32, #tpu.memory_space<vmem_shared>> -> memref<10240x128xf32, #tpu.memory_space<vmem_shared>>
        tpu.enqueue_indirect_dma source(%arg12 : memref<128x128xf32, #tpu.memory_space<vmem>>) target(%dma_start3A_196 : memref<10240x128xf32, #tpu.memory_space<vmem_shared>>) offsets(%arg8 : memref<128xi32, #tpu.memory_space<vmem>>) semaphore(%run_scoped3A : memref<!tpu.dma_semaphore, #tpu.memory_space<semaphore_mem>>) {add = true}
        %dma_wait3A_197 = arith.constant 0 : i32
        %dma_wait3A_198 = arith.constant 0 : i32
        %dma_wait3A_199 = tpu.memref_slice %arg13[%dma_wait3A_197, %dma_wait3A_198] : memref<10240x128xf32, #tpu.memory_space<vmem_shared>> -> memref<10240x128xf32, #tpu.memory_space<vmem_shared>>
        tpu.wait_indirect_dma semaphore(%run_scoped3A : memref<!tpu.dma_semaphore, #tpu.memory_space<semaphore_mem>>) src(%arg12 : memref<128x128xf32, #tpu.memory_space<vmem>>) dst(%dma_wait3A_199 : memref<10240x128xf32, #tpu.memory_space<vmem_shared>>)
        tpu.yield
      }) : () -> ()
      %add3A_152 = arith.constant 3 : i32
      %add3A_153 = arith.addi %mul3A_125, %add3A_152 : i32
      %mul3A_154 = arith.constant 128 : i32
      %mul3A_155 = arith.muli %add3A_153, %mul3A_154 : i32
      %add3A_156 = arith.addi %mul3A_0, %mul3A_155 : i32
      %dma_start3A_157 = tpu.memref_slice %arg3[%add3A_156] : memref<320000xi32, #tpu.memory_space<hbm>> -> memref<128xi32, #tpu.memory_space<hbm>>
      %dma_start3A_158 = tpu.memref_slice %arg3[%add3A_156] : memref<320000xi32, #tpu.memory_space<hbm>> -> memref<128xi32, #tpu.memory_space<hbm>>
      tpu.enqueue_dma source(%dma_start3A_158 : memref<128xi32, #tpu.memory_space<hbm>>) target(%arg7 : memref<128xi32, #tpu.memory_space<vmem>>) target_semaphore(%arg15 : memref<!tpu.dma_semaphore, #tpu.memory_space<semaphore_mem>>)
      %mul3A_159 = arith.constant 128 : i32
      %mul3A_160 = arith.muli %add3A_153, %mul3A_159 : i32
      %add3A_161 = arith.addi %add3A_3, %mul3A_160 : i32
      %dma_start3A_162 = tpu.memref_slice %arg3[%add3A_161] : memref<320000xi32, #tpu.memory_space<hbm>> -> memref<128xi32, #tpu.memory_space<hbm>>
      %dma_start3A_163 = tpu.memref_slice %arg3[%add3A_161] : memref<320000xi32, #tpu.memory_space<hbm>> -> memref<128xi32, #tpu.memory_space<hbm>>
      tpu.enqueue_dma source(%dma_start3A_163 : memref<128xi32, #tpu.memory_space<hbm>>) target(%arg8 : memref<128xi32, #tpu.memory_space<vmem>>) target_semaphore(%arg15 : memref<!tpu.dma_semaphore, #tpu.memory_space<semaphore_mem>>)
      %dma_wait3A_164 = arith.constant 0 : i32
      %dma_wait3A_165 = tpu.memref_slice %arg3[%dma_wait3A_164] : memref<320000xi32, #tpu.memory_space<hbm>> -> memref<128xi32, #tpu.memory_space<hbm>>
      %dma_wait3A_166 = arith.constant 0 : i32
      %dma_wait3A_167 = tpu.memref_slice %arg3[%dma_wait3A_166] : memref<320000xi32, #tpu.memory_space<hbm>> -> memref<128xi32, #tpu.memory_space<hbm>>
      tpu.wait_dma2 semaphore(%arg14 : memref<!tpu.dma_semaphore, #tpu.memory_space<semaphore_mem>>) src(%dma_wait3A_167 : memref<128xi32, #tpu.memory_space<hbm>>) dst(%arg5 : memref<128xi32, #tpu.memory_space<vmem>>)
      %dma_wait3A_168 = arith.constant 0 : i32
      %dma_wait3A_169 = tpu.memref_slice %arg3[%dma_wait3A_168] : memref<320000xi32, #tpu.memory_space<hbm>> -> memref<128xi32, #tpu.memory_space<hbm>>
      %dma_wait3A_170 = arith.constant 0 : i32
      %dma_wait3A_171 = tpu.memref_slice %arg3[%dma_wait3A_170] : memref<320000xi32, #tpu.memory_space<hbm>> -> memref<128xi32, #tpu.memory_space<hbm>>
      tpu.wait_dma2 semaphore(%arg14 : memref<!tpu.dma_semaphore, #tpu.memory_space<semaphore_mem>>) src(%dma_wait3A_171 : memref<128xi32, #tpu.memory_space<hbm>>) dst(%arg6 : memref<128xi32, #tpu.memory_space<vmem>>)
      %dma_start3A_172 = arith.constant 0 : i32
      %dma_start3A_173 = arith.constant 0 : i32
      %dma_start3A_174 = tpu.memref_slice %arg2[%arg0, %dma_start3A_172, %dma_start3A_173] : memref<2x10000x128xf32, #tpu.memory_space<hbm>> -> memref<1x10000x128xf32, #tpu.memory_space<hbm>>
      %dma_start3A_175 = tpu.memref_squeeze %dma_start3A_174 : memref<1x10000x128xf32, #tpu.memory_space<hbm>> -> memref<10000x128xf32, #tpu.memory_space<hbm>>
      %dma_start3A_176 = arith.constant 0 : i32
      %dma_start3A_177 = arith.constant 0 : i32
      %dma_start3A_178 = tpu.memref_slice %dma_start3A_175[%dma_start3A_176, %dma_start3A_177] : memref<10000x128xf32, #tpu.memory_space<hbm>> -> memref<10000x128xf32, #tpu.memory_space<hbm>>
      tpu.enqueue_indirect_dma source(%dma_start3A_178 : memref<10000x128xf32, #tpu.memory_space<hbm>>) target(%arg11 : memref<128x128xf32, #tpu.memory_space<vmem>>) offsets(%arg5 : memref<128xi32, #tpu.memory_space<vmem>>) semaphore(%arg16 : memref<!tpu.dma_semaphore, #tpu.memory_space<semaphore_mem>>)
      %dma_wait3A_179 = arith.constant 0 : i32
      %dma_wait3A_180 = tpu.memref_slice %arg3[%dma_wait3A_179] : memref<320000xi32, #tpu.memory_space<hbm>> -> memref<128xi32, #tpu.memory_space<hbm>>
      %dma_wait3A_181 = arith.constant 0 : i32
      %dma_wait3A_182 = tpu.memref_slice %arg3[%dma_wait3A_181] : memref<320000xi32, #tpu.memory_space<hbm>> -> memref<128xi32, #tpu.memory_space<hbm>>
      tpu.wait_dma2 semaphore(%arg15 : memref<!tpu.dma_semaphore, #tpu.memory_space<semaphore_mem>>) src(%dma_wait3A_182 : memref<128xi32, #tpu.memory_space<hbm>>) dst(%arg7 : memref<128xi32, #tpu.memory_space<vmem>>)
      %dma_wait3A_183 = arith.constant 0 : i32
      %dma_wait3A_184 = tpu.memref_slice %arg3[%dma_wait3A_183] : memref<320000xi32, #tpu.memory_space<hbm>> -> memref<128xi32, #tpu.memory_space<hbm>>
      %dma_wait3A_185 = arith.constant 0 : i32
      %dma_wait3A_186 = tpu.memref_slice %arg3[%dma_wait3A_185] : memref<320000xi32, #tpu.memory_space<hbm>> -> memref<128xi32, #tpu.memory_space<hbm>>
      tpu.wait_dma2 semaphore(%arg15 : memref<!tpu.dma_semaphore, #tpu.memory_space<semaphore_mem>>) src(%dma_wait3A_186 : memref<128xi32, #tpu.memory_space<hbm>>) dst(%arg8 : memref<128xi32, #tpu.memory_space<vmem>>)
      %dma_start3A_187 = arith.constant 0 : i32
      %dma_start3A_188 = arith.constant 0 : i32
      %dma_start3A_189 = tpu.memref_slice %arg2[%arg0, %dma_start3A_187, %dma_start3A_188] : memref<2x10000x128xf32, #tpu.memory_space<hbm>> -> memref<1x10000x128xf32, #tpu.memory_space<hbm>>
      %dma_start3A_190 = tpu.memref_squeeze %dma_start3A_189 : memref<1x10000x128xf32, #tpu.memory_space<hbm>> -> memref<10000x128xf32, #tpu.memory_space<hbm>>
      %dma_start3A_191 = arith.constant 0 : i32
      %dma_start3A_192 = arith.constant 0 : i32
      %dma_start3A_193 = tpu.memref_slice %dma_start3A_190[%dma_start3A_191, %dma_start3A_192] : memref<10000x128xf32, #tpu.memory_space<hbm>> -> memref<10000x128xf32, #tpu.memory_space<hbm>>
      tpu.enqueue_indirect_dma source(%dma_start3A_193 : memref<10000x128xf32, #tpu.memory_space<hbm>>) target(%arg12 : memref<128x128xf32, #tpu.memory_space<vmem>>) offsets(%arg7 : memref<128xi32, #tpu.memory_space<vmem>>) semaphore(%arg17 : memref<!tpu.dma_semaphore, #tpu.memory_space<semaphore_mem>>)
    }
    %scan3A_79 = arith.constant 38 : i32
    %dma_wait3A_80 = arith.constant 0 : i32
    %dma_wait3A_81 = arith.constant 0 : i32
    %dma_wait3A_82 = tpu.memref_slice %arg2[%arg0, %dma_wait3A_80, %dma_wait3A_81] : memref<2x10000x128xf32, #tpu.memory_space<hbm>> -> memref<1x10000x128xf32, #tpu.memory_space<hbm>>
    %dma_wait3A_83 = tpu.memref_squeeze %dma_wait3A_82 : memref<1x10000x128xf32, #tpu.memory_space<hbm>> -> memref<10000x128xf32, #tpu.memory_space<hbm>>
    %dma_wait3A_84 = arith.constant 0 : i32
    %dma_wait3A_85 = arith.constant 0 : i32
    %dma_wait3A_86 = tpu.memref_slice %dma_wait3A_83[%dma_wait3A_84, %dma_wait3A_85] : memref<10000x128xf32, #tpu.memory_space<hbm>> -> memref<10000x128xf32, #tpu.memory_space<hbm>>
    tpu.wait_indirect_dma semaphore(%arg16 : memref<!tpu.dma_semaphore, #tpu.memory_space<semaphore_mem>>) src(%dma_wait3A_86 : memref<10000x128xf32, #tpu.memory_space<hbm>>) dst(%arg11 : memref<128x128xf32, #tpu.memory_space<vmem>>)
    "tpu.region"() ({
      %run_scoped3A = tpu.sem_alloc : memref<!tpu.dma_semaphore, #tpu.memory_space<semaphore_mem>>
      %dma_start3A_123 = arith.constant 0 : i32
      %dma_start3A_124 = arith.constant 0 : i32
      %dma_start3A_125 = tpu.memref_slice %arg13[%dma_start3A_123, %dma_start3A_124] : memref<10240x128xf32, #tpu.memory_space<vmem_shared>> -> memref<10240x128xf32, #tpu.memory_space<vmem_shared>>
      tpu.enqueue_indirect_dma source(%arg11 : memref<128x128xf32, #tpu.memory_space<vmem>>) target(%dma_start3A_125 : memref<10240x128xf32, #tpu.memory_space<vmem_shared>>) offsets(%arg6 : memref<128xi32, #tpu.memory_space<vmem>>) semaphore(%run_scoped3A : memref<!tpu.dma_semaphore, #tpu.memory_space<semaphore_mem>>) {add = true}
      %dma_wait3A_126 = arith.constant 0 : i32
      %dma_wait3A_127 = arith.constant 0 : i32
      %dma_wait3A_128 = tpu.memref_slice %arg13[%dma_wait3A_126, %dma_wait3A_127] : memref<10240x128xf32, #tpu.memory_space<vmem_shared>> -> memref<10240x128xf32, #tpu.memory_space<vmem_shared>>
      tpu.wait_indirect_dma semaphore(%run_scoped3A : memref<!tpu.dma_semaphore, #tpu.memory_space<semaphore_mem>>) src(%arg11 : memref<128x128xf32, #tpu.memory_space<vmem>>) dst(%dma_wait3A_128 : memref<10240x128xf32, #tpu.memory_space<vmem_shared>>)
      tpu.yield
    }) : () -> ()
    %dma_wait3A_87 = arith.constant 0 : i32
    %dma_wait3A_88 = arith.constant 0 : i32
    %dma_wait3A_89 = tpu.memref_slice %arg2[%arg0, %dma_wait3A_87, %dma_wait3A_88] : memref<2x10000x128xf32, #tpu.memory_space<hbm>> -> memref<1x10000x128xf32, #tpu.memory_space<hbm>>
    %dma_wait3A_90 = tpu.memref_squeeze %dma_wait3A_89 : memref<1x10000x128xf32, #tpu.memory_space<hbm>> -> memref<10000x128xf32, #tpu.memory_space<hbm>>
    %dma_wait3A_91 = arith.constant 0 : i32
    %dma_wait3A_92 = arith.constant 0 : i32
    %dma_wait3A_93 = tpu.memref_slice %dma_wait3A_90[%dma_wait3A_91, %dma_wait3A_92] : memref<10000x128xf32, #tpu.memory_space<hbm>> -> memref<10000x128xf32, #tpu.memory_space<hbm>>
    tpu.wait_indirect_dma semaphore(%arg17 : memref<!tpu.dma_semaphore, #tpu.memory_space<semaphore_mem>>) src(%dma_wait3A_93 : memref<10000x128xf32, #tpu.memory_space<hbm>>) dst(%arg12 : memref<128x128xf32, #tpu.memory_space<vmem>>)
    "tpu.region"() ({
      %run_scoped3A = tpu.sem_alloc : memref<!tpu.dma_semaphore, #tpu.memory_space<semaphore_mem>>
      %dma_start3A_123 = arith.constant 0 : i32
      %dma_start3A_124 = arith.constant 0 : i32
      %dma_start3A_125 = tpu.memref_slice %arg13[%dma_start3A_123, %dma_start3A_124] : memref<10240x128xf32, #tpu.memory_space<vmem_shared>> -> memref<10240x128xf32, #tpu.memory_space<vmem_shared>>
      tpu.enqueue_indirect_dma source(%arg12 : memref<128x128xf32, #tpu.memory_space<vmem>>) target(%dma_start3A_125 : memref<10240x128xf32, #tpu.memory_space<vmem_shared>>) offsets(%arg8 : memref<128xi32, #tpu.memory_space<vmem>>) semaphore(%run_scoped3A : memref<!tpu.dma_semaphore, #tpu.memory_space<semaphore_mem>>) {add = true}
      %dma_wait3A_126 = arith.constant 0 : i32
      %dma_wait3A_127 = arith.constant 0 : i32
      %dma_wait3A_128 = tpu.memref_slice %arg13[%dma_wait3A_126, %dma_wait3A_127] : memref<10240x128xf32, #tpu.memory_space<vmem_shared>> -> memref<10240x128xf32, #tpu.memory_space<vmem_shared>>
      tpu.wait_indirect_dma semaphore(%run_scoped3A : memref<!tpu.dma_semaphore, #tpu.memory_space<semaphore_mem>>) src(%arg12 : memref<128x128xf32, #tpu.memory_space<vmem>>) dst(%dma_wait3A_128 : memref<10240x128xf32, #tpu.memory_space<vmem_shared>>)
      tpu.yield
    }) : () -> ()
    %add3A_94 = arith.constant 9984 : i32
    %add3A_95 = arith.addi %mul3A_0, %add3A_94 : i32
    "tpu.region"() ({
      %run_scoped3A = tpu.sem_alloc : memref<!tpu.dma_semaphore, #tpu.memory_space<semaphore_mem>>
      %dma_start3A_123 = tpu.memref_slice %arg3[%add3A_95] : memref<320000xi32, #tpu.memory_space<hbm>> -> memref<16xi32, #tpu.memory_space<hbm>>
      %dma_start3A_124 = tpu.memref_slice %arg3[%add3A_95] : memref<320000xi32, #tpu.memory_space<hbm>> -> memref<16xi32, #tpu.memory_space<hbm>>
      tpu.enqueue_dma source(%dma_start3A_124 : memref<16xi32, #tpu.memory_space<hbm>>) target(%arg9 : memref<16xi32, #tpu.memory_space<vmem>>) target_semaphore(%run_scoped3A : memref<!tpu.dma_semaphore, #tpu.memory_space<semaphore_mem>>)
      %dma_wait3A_125 = tpu.memref_slice %arg3[%add3A_95] : memref<320000xi32, #tpu.memory_space<hbm>> -> memref<16xi32, #tpu.memory_space<hbm>>
      %dma_wait3A_126 = tpu.memref_slice %arg3[%add3A_95] : memref<320000xi32, #tpu.memory_space<hbm>> -> memref<16xi32, #tpu.memory_space<hbm>>
      tpu.wait_dma2 semaphore(%run_scoped3A : memref<!tpu.dma_semaphore, #tpu.memory_space<semaphore_mem>>) src(%dma_wait3A_126 : memref<16xi32, #tpu.memory_space<hbm>>) dst(%arg9 : memref<16xi32, #tpu.memory_space<vmem>>)
      tpu.yield
    }) : () -> ()
    %add3A_96 = arith.constant 9984 : i32
    %add3A_97 = arith.addi %add3A_3, %add3A_96 : i32
    "tpu.region"() ({
      %run_scoped3A = tpu.sem_alloc : memref<!tpu.dma_semaphore, #tpu.memory_space<semaphore_mem>>
      %dma_start3A_123 = tpu.memref_slice %arg3[%add3A_97] : memref<320000xi32, #tpu.memory_space<hbm>> -> memref<16xi32, #tpu.memory_space<hbm>>
      %dma_start3A_124 = tpu.memref_slice %arg3[%add3A_97] : memref<320000xi32, #tpu.memory_space<hbm>> -> memref<16xi32, #tpu.memory_space<hbm>>
      tpu.enqueue_dma source(%dma_start3A_124 : memref<16xi32, #tpu.memory_space<hbm>>) target(%arg10 : memref<16xi32, #tpu.memory_space<vmem>>) target_semaphore(%run_scoped3A : memref<!tpu.dma_semaphore, #tpu.memory_space<semaphore_mem>>)
      %dma_wait3A_125 = tpu.memref_slice %arg3[%add3A_97] : memref<320000xi32, #tpu.memory_space<hbm>> -> memref<16xi32, #tpu.memory_space<hbm>>
      %dma_wait3A_126 = tpu.memref_slice %arg3[%add3A_97] : memref<320000xi32, #tpu.memory_space<hbm>> -> memref<16xi32, #tpu.memory_space<hbm>>
      tpu.wait_dma2 semaphore(%run_scoped3A : memref<!tpu.dma_semaphore, #tpu.memory_space<semaphore_mem>>) src(%dma_wait3A_126 : memref<16xi32, #tpu.memory_space<hbm>>) dst(%arg10 : memref<16xi32, #tpu.memory_space<vmem>>)
      tpu.yield
    }) : () -> ()
    %dma_start3A_98 = arith.constant 0 : i32
    %dma_start3A_99 = arith.constant 0 : i32
    %dma_start3A_100 = tpu.memref_slice %arg11[%dma_start3A_98, %dma_start3A_99] : memref<128x128xf32, #tpu.memory_space<vmem>> -> memref<16x128xf32, #tpu.memory_space<vmem>>
    %dma_start3A_101 = arith.constant 0 : i32
    %dma_start3A_102 = arith.constant 0 : i32
    %dma_start3A_103 = tpu.memref_slice %arg2[%arg0, %dma_start3A_101, %dma_start3A_102] : memref<2x10000x128xf32, #tpu.memory_space<hbm>> -> memref<1x10000x128xf32, #tpu.memory_space<hbm>>
    %dma_start3A_104 = tpu.memref_squeeze %dma_start3A_103 : memref<1x10000x128xf32, #tpu.memory_space<hbm>> -> memref<10000x128xf32, #tpu.memory_space<hbm>>
    %dma_start3A_105 = arith.constant 0 : i32
    %dma_start3A_106 = arith.constant 0 : i32
    %dma_start3A_107 = tpu.memref_slice %dma_start3A_104[%dma_start3A_105, %dma_start3A_106] : memref<10000x128xf32, #tpu.memory_space<hbm>> -> memref<10000x128xf32, #tpu.memory_space<hbm>>
    tpu.enqueue_indirect_dma source(%dma_start3A_107 : memref<10000x128xf32, #tpu.memory_space<hbm>>) target(%dma_start3A_100 : memref<16x128xf32, #tpu.memory_space<vmem>>) offsets(%arg9 : memref<16xi32, #tpu.memory_space<vmem>>) semaphore(%arg16 : memref<!tpu.dma_semaphore, #tpu.memory_space<semaphore_mem>>)
    %dma_wait3A_108 = arith.constant 0 : i32
    %dma_wait3A_109 = arith.constant 0 : i32
    %dma_wait3A_110 = tpu.memref_slice %arg11[%dma_wait3A_108, %dma_wait3A_109] : memref<128x128xf32, #tpu.memory_space<vmem>> -> memref<16x128xf32, #tpu.memory_space<vmem>>
    %dma_wait3A_111 = arith.constant 0 : i32
    %dma_wait3A_112 = arith.constant 0 : i32
    %dma_wait3A_113 = tpu.memref_slice %arg2[%arg0, %dma_wait3A_111, %dma_wait3A_112] : memref<2x10000x128xf32, #tpu.memory_space<hbm>> -> memref<1x10000x128xf32, #tpu.memory_space<hbm>>
    %dma_wait3A_114 = tpu.memref_squeeze %dma_wait3A_113 : memref<1x10000x128xf32, #tpu.memory_space<hbm>> -> memref<10000x128xf32, #tpu.memory_space<hbm>>
    %dma_wait3A_115 = arith.constant 0 : i32
    %dma_wait3A_116 = arith.constant 0 : i32
    %dma_wait3A_117 = tpu.memref_slice %dma_wait3A_114[%dma_wait3A_115, %dma_wait3A_116] : memref<10000x128xf32, #tpu.memory_space<hbm>> -> memref<10000x128xf32, #tpu.memory_space<hbm>>
    tpu.wait_indirect_dma semaphore(%arg16 : memref<!tpu.dma_semaphore, #tpu.memory_space<semaphore_mem>>) src(%dma_wait3A_117 : memref<10000x128xf32, #tpu.memory_space<hbm>>) dst(%dma_wait3A_110 : memref<16x128xf32, #tpu.memory_space<vmem>>)
    "tpu.region"() ({
      %run_scoped3A = tpu.sem_alloc : memref<!tpu.dma_semaphore, #tpu.memory_space<semaphore_mem>>
      %dma_start3A_123 = arith.constant 0 : i32
      %dma_start3A_124 = arith.constant 0 : i32
      %dma_start3A_125 = tpu.memref_slice %arg11[%dma_start3A_123, %dma_start3A_124] : memref<128x128xf32, #tpu.memory_space<vmem>> -> memref<16x128xf32, #tpu.memory_space<vmem>>
      %dma_start3A_126 = arith.constant 0 : i32
      %dma_start3A_127 = arith.constant 0 : i32
      %dma_start3A_128 = tpu.memref_slice %arg13[%dma_start3A_126, %dma_start3A_127] : memref<10240x128xf32, #tpu.memory_space<vmem_shared>> -> memref<10240x128xf32, #tpu.memory_space<vmem_shared>>
      tpu.enqueue_indirect_dma source(%dma_start3A_125 : memref<16x128xf32, #tpu.memory_space<vmem>>) target(%dma_start3A_128 : memref<10240x128xf32, #tpu.memory_space<vmem_shared>>) offsets(%arg10 : memref<16xi32, #tpu.memory_space<vmem>>) semaphore(%run_scoped3A : memref<!tpu.dma_semaphore, #tpu.memory_space<semaphore_mem>>) {add = true}
      %dma_wait3A_129 = arith.constant 0 : i32
      %dma_wait3A_130 = arith.constant 0 : i32
      %dma_wait3A_131 = tpu.memref_slice %arg11[%dma_wait3A_129, %dma_wait3A_130] : memref<128x128xf32, #tpu.memory_space<vmem>> -> memref<16x128xf32, #tpu.memory_space<vmem>>
      %dma_wait3A_132 = arith.constant 0 : i32
      %dma_wait3A_133 = arith.constant 0 : i32
      %dma_wait3A_134 = tpu.memref_slice %arg13[%dma_wait3A_132, %dma_wait3A_133] : memref<10240x128xf32, #tpu.memory_space<vmem_shared>> -> memref<10240x128xf32, #tpu.memory_space<vmem_shared>>
      tpu.wait_indirect_dma semaphore(%run_scoped3A : memref<!tpu.dma_semaphore, #tpu.memory_space<semaphore_mem>>) src(%dma_wait3A_131 : memref<16x128xf32, #tpu.memory_space<vmem>>) dst(%dma_wait3A_134 : memref<10240x128xf32, #tpu.memory_space<vmem_shared>>)
      tpu.yield
    }) : () -> ()
    %barrier3A_118 = arith.constant 0 : index
    tpu.barrier barrier_id(%barrier3A_118)
    %mul3A_119 = arith.constant 640 : i32
    %mul3A_120 = arith.muli %arg1, %mul3A_119 : i32
    %mul3A_121 = arith.constant 640 : i32
    %mul3A_122 = arith.muli %arg1, %mul3A_121 : i32
    "tpu.region"() ({
      %run_scoped3A = tpu.sem_alloc : memref<!tpu.dma_semaphore, #tpu.memory_space<semaphore_mem>>
      %dma_start3A_123 = arith.constant 0 : i32
      %dma_start3A_124 = arith.constant 0 : i32
      %dma_start3A_125 = tpu.memref_slice %arg4[%arg0, %dma_start3A_123, %dma_start3A_124] : memref<2x10240x128xf32, #tpu.memory_space<hbm>> -> memref<1x10240x128xf32, #tpu.memory_space<hbm>>
      %dma_start3A_126 = tpu.memref_squeeze %dma_start3A_125 : memref<1x10240x128xf32, #tpu.memory_space<hbm>> -> memref<10240x128xf32, #tpu.memory_space<hbm>>
      %dma_start3A_127 = arith.constant 0 : i32
      %dma_start3A_128 = tpu.memref_slice %dma_start3A_126[%mul3A_122, %dma_start3A_127] : memref<10240x128xf32, #tpu.memory_space<hbm>> -> memref<640x128xf32, #tpu.memory_space<hbm>>
      %dma_start3A_129 = arith.constant 0 : i32
      %dma_start3A_130 = tpu.memref_slice %arg13[%mul3A_120, %dma_start3A_129] : memref<10240x128xf32, #tpu.memory_space<vmem_shared>> -> memref<640x128xf32, #tpu.memory_space<vmem_shared>>
      tpu.enqueue_dma source(%dma_start3A_130 : memref<640x128xf32, #tpu.memory_space<vmem_shared>>) target(%dma_start3A_128 : memref<640x128xf32, #tpu.memory_space<hbm>>) target_semaphore(%run_scoped3A : memref<!tpu.dma_semaphore, #tpu.memory_space<semaphore_mem>>)
      %dma_wait3A_131 = arith.constant 0 : i32
      %dma_wait3A_132 = arith.constant 0 : i32
      %dma_wait3A_133 = tpu.memref_slice %arg4[%arg0, %dma_wait3A_131, %dma_wait3A_132] : memref<2x10240x128xf32, #tpu.memory_space<hbm>> -> memref<1x10240x128xf32, #tpu.memory_space<hbm>>
      %dma_wait3A_134 = tpu.memref_squeeze %dma_wait3A_133 : memref<1x10240x128xf32, #tpu.memory_space<hbm>> -> memref<10240x128xf32, #tpu.memory_space<hbm>>
      %dma_wait3A_135 = arith.constant 0 : i32
      %dma_wait3A_136 = tpu.memref_slice %dma_wait3A_134[%mul3A_122, %dma_wait3A_135] : memref<10240x128xf32, #tpu.memory_space<hbm>> -> memref<640x128xf32, #tpu.memory_space<hbm>>
      %dma_wait3A_137 = arith.constant 0 : i32
      %dma_wait3A_138 = tpu.memref_slice %arg13[%mul3A_120, %dma_wait3A_137] : memref<10240x128xf32, #tpu.memory_space<vmem_shared>> -> memref<640x128xf32, #tpu.memory_space<vmem_shared>>
      tpu.wait_dma2 semaphore(%run_scoped3A : memref<!tpu.dma_semaphore, #tpu.memory_space<semaphore_mem>>) src(%dma_wait3A_138 : memref<640x128xf32, #tpu.memory_space<vmem_shared>>) dst(%dma_wait3A_136 : memref<640x128xf32, #tpu.memory_space<hbm>>)
      tpu.yield
    }) : () -> ()
    return
  }
}

module attributes {stable_mosaic.version = 14 : i64} {
  func.func @_stage_a_body(%arg0: i32, %arg1: i32, %arg2: memref<1000x256xf32, #tpu.memory_space<vmem>>, %arg3: memref<256x128xf32, #tpu.memory_space<vmem>>, %arg4: memref<2x1000x1xf32, #tpu.memory_space<vmem>>, %arg5: memref<1x1000x128xf32, #tpu.memory_space<vmem>>) attributes {dimension_semantics = [#tpu.dimension_semantics<arbitrary>, #tpu.dimension_semantics<arbitrary>], iteration_bounds = array<i64: 10, 2>, scalar_prefetch = 0 : i64, scratch_operands = 0 : i64, tpu.core_type = #tpu.core_type<tc>, window_params = [{transform_indices = @transform_0, window_bounds = array<i64: 1000, 256>}, {transform_indices = @transform_1, window_bounds = array<i64: 256, 128>}, {transform_indices = @transform_2, window_bounds = array<i64: 2, 1000, 1>}, {transform_indices = @transform_3, window_bounds = array<i64: 1, 1000, 128>}]} {
    %get3A = arith.constant 0 : index
    %get3A_0 = arith.constant 0 : index
    %get3A_1 = vector.load %arg2[%get3A, %get3A_0] : memref<1000x256xf32, #tpu.memory_space<vmem>>, vector<1000x256xf32>
    %get3A_2 = arith.constant 0 : index
    %get3A_3 = arith.constant 0 : index
    %get3A_4 = arith.constant 0 : index
    %get3A_5 = vector.load %arg4[%get3A_2, %get3A_3, %get3A_4] : memref<2x1000x1xf32, #tpu.memory_space<vmem>>, vector<1x1000x1xf32>
    %get3A_6 = vector.shape_cast %get3A_5 : vector<1x1000x1xf32> to vector<1000x1xf32>
    %get3A_7 = arith.constant 1 : index
    %get3A_8 = arith.constant 0 : index
    %get3A_9 = arith.constant 0 : index
    %get3A_10 = vector.load %arg4[%get3A_7, %get3A_8, %get3A_9] : memref<2x1000x1xf32, #tpu.memory_space<vmem>>, vector<1x1000x1xf32>
    %get3A_11 = vector.shape_cast %get3A_10 : vector<1x1000x1xf32> to vector<1000x1xf32>
    %add3A = arith.addf %get3A_6, %get3A_11 : vector<1000x1xf32>
    %add3A_12 = arith.constant 1.000000e+00 : f32
    %add3A_13 = vector.broadcast %add3A_12 : f32 to vector<1000x1xf32>
    %add3A_14 = arith.addf %add3A, %add3A_13 : vector<1000x1xf32>
    %max3A = arith.constant 1.000000e+00 : f32
    %max3A_15 = vector.broadcast %max3A : f32 to vector<1000x1xf32>
    %max3A_16 = arith.maximumf %add3A_14, %max3A_15 : vector<1000x1xf32>
    %rsqrt3A = math.rsqrt %max3A_16 : vector<1000x1xf32>
    %get3A_17 = arith.constant 0 : index
    %get3A_18 = arith.constant 0 : index
    %get3A_19 = vector.load %arg3[%get3A_17, %get3A_18] : memref<256x128xf32, #tpu.memory_space<vmem>>, vector<256x128xf32>
    %dot_general3A = arith.constant dense<0.000000e+00> : vector<1000x128xf32>
    %dot_general3A_20 = tpu.matmul %get3A_1, %get3A_19, %dot_general3A {dimension_numbers = #tpu.dot_dimension_numbers<[1], [0], [0], [1], [0, 0, 1, 1], [], []>, transpose_lhs_hint = false} : vector<1000x256xf32>, vector<256x128xf32>, vector<1000x128xf32> -> vector<1000x128xf32>
    %mul3A = vector.broadcast %rsqrt3A : vector<1000x1xf32> to vector<1000x128xf32>
    %mul3A_21 = arith.mulf %dot_general3A_20, %mul3A : vector<1000x128xf32>
    %swap3A = arith.constant 0 : index
    %swap3A_22 = arith.constant 0 : index
    %swap3A_23 = arith.constant 0 : index
    %swap3A_24 = vector.load %arg5[%swap3A, %swap3A_22, %swap3A_23] : memref<1x1000x128xf32, #tpu.memory_space<vmem>>, vector<1x1000x128xf32>
    %swap3A_25 = vector.shape_cast %swap3A_24 : vector<1x1000x128xf32> to vector<1000x128xf32>
    %swap3A_26 = vector.shape_cast %mul3A_21 : vector<1000x128xf32> to vector<1x1000x128xf32>
    tpu.vector_store %arg5[%swap3A, %swap3A_22, %swap3A_23], %swap3A_26 {strides = array<i32>} : memref<1x1000x128xf32, #tpu.memory_space<vmem>>, vector<1x1000x128xf32>,
    return
  }
  func.func @transform_0(%arg0: i32, %arg1: i32) -> (i32, i32) {
    %c7_i32 = arith.constant 7 : i32
    %c0_i32 = arith.constant 0 : i32
    return %arg0, %c7_i32 : i32, i32
  }
  func.func @transform_1(%arg0: i32, %arg1: i32) -> (i32, i32) {
    %c0_i32 = arith.constant 0 : i32
    %c0_i32_0 = arith.constant 0 : i32
    return %c0_i32, %arg1 : i32, i32
  }
  func.func @transform_2(%arg0: i32, %arg1: i32) -> (i32, i32, i32) {
    %c0_i32 = arith.constant 0 : i32
    %c0_i32_0 = arith.constant 0 : i32
    %c0_i32_1 = arith.constant 0 : i32
    return %c0_i32, %arg0, %c0_i32_0 : i32, i32, i32
  }
  func.func @transform_3(%arg0: i32, %arg1: i32) -> (i32, i32, i32) {
    %c0_i32 = arith.constant 0 : i32
    %c0_i32_0 = arith.constant 0 : i32
    return %arg1, %arg0, %c0_i32 : i32, i32, i32
  }
}

module attributes {stable_mosaic.version = 14 : i64} {
  func.func @_gru_body(%arg0: memref<256x256xf32, #tpu.memory_space<vmem>>, %arg1: memref<256x256xf32, #tpu.memory_space<vmem>>, %arg2: memref<256x256xf32, #tpu.memory_space<vmem>>, %arg3: memref<256x1xf32, #tpu.memory_space<vmem>>, %arg4: memref<256x256xf32, #tpu.memory_space<vmem>>, %arg5: memref<256x256xf32, #tpu.memory_space<vmem>>, %arg6: memref<256x1xf32, #tpu.memory_space<vmem>>, %arg7: memref<256x256xf32, #tpu.memory_space<vmem>>, %arg8: memref<256x256xf32, #tpu.memory_space<vmem>>, %arg9: memref<256x1xf32, #tpu.memory_space<vmem>>, %arg10: memref<256x256xf32, #tpu.memory_space<vmem>>, %arg11: memref<256x256xf32, #tpu.memory_space<vmem>>, %arg12: memref<256x256xf32, #tpu.memory_space<vmem>>, %arg13: memref<256x1xf32, #tpu.memory_space<vmem>>, %arg14: memref<256x256xf32, #tpu.memory_space<vmem>>, %arg15: memref<256x256xf32, #tpu.memory_space<vmem>>, %arg16: memref<256x1xf32, #tpu.memory_space<vmem>>, %arg17: memref<256x256xf32, #tpu.memory_space<vmem>>, %arg18: memref<256x256xf32, #tpu.memory_space<vmem>>, %arg19: memref<256x1xf32, #tpu.memory_space<vmem>>, %arg20: memref<256x256xf32, #tpu.memory_space<vmem>>, %arg21: memref<256x256xf32, #tpu.memory_space<vmem>>) attributes {dimension_semantics = [], scalar_prefetch = 0 : i64, scratch_operands = 0 : i64, tpu.core_type = #tpu.core_type<tc>} {
    %get3A = arith.constant 0 : index
    %get3A_0 = arith.constant 0 : index
    %get3A_1 = vector.load %arg0[%get3A, %get3A_0] : memref<256x256xf32, #tpu.memory_space<vmem>>, vector<256x256xf32>
    %get3A_2 = arith.constant 0 : index
    %get3A_3 = arith.constant 0 : index
    %get3A_4 = vector.load %arg1[%get3A_2, %get3A_3] : memref<256x256xf32, #tpu.memory_space<vmem>>, vector<256x256xf32>
    %get3A_5 = arith.constant 0 : index
    %get3A_6 = arith.constant 0 : index
    %get3A_7 = vector.load %arg2[%get3A_5, %get3A_6] : memref<256x256xf32, #tpu.memory_space<vmem>>, vector<256x256xf32>
    %get3A_8 = arith.constant 0 : index
    %get3A_9 = arith.constant 0 : index
    %get3A_10 = vector.load %arg4[%get3A_8, %get3A_9] : memref<256x256xf32, #tpu.memory_space<vmem>>, vector<256x256xf32>
    %get3A_11 = arith.constant 0 : index
    %get3A_12 = arith.constant 0 : index
    %get3A_13 = vector.load %arg5[%get3A_11, %get3A_12] : memref<256x256xf32, #tpu.memory_space<vmem>>, vector<256x256xf32>
    %get3A_14 = arith.constant 0 : index
    %get3A_15 = arith.constant 0 : index
    %get3A_16 = vector.load %arg7[%get3A_14, %get3A_15] : memref<256x256xf32, #tpu.memory_space<vmem>>, vector<256x256xf32>
    %get3A_17 = arith.constant 0 : index
    %get3A_18 = arith.constant 0 : index
    %get3A_19 = vector.load %arg8[%get3A_17, %get3A_18] : memref<256x256xf32, #tpu.memory_space<vmem>>, vector<256x256xf32>
    %get3A_20 = arith.constant 0 : index
    %get3A_21 = arith.constant 0 : index
    %get3A_22 = vector.load %arg3[%get3A_20, %get3A_21] : memref<256x1xf32, #tpu.memory_space<vmem>>, vector<256x1xf32>
    %get3A_23 = arith.constant 0 : index
    %get3A_24 = arith.constant 0 : index
    %get3A_25 = vector.load %arg6[%get3A_23, %get3A_24] : memref<256x1xf32, #tpu.memory_space<vmem>>, vector<256x1xf32>
    %get3A_26 = arith.constant 0 : index
    %get3A_27 = arith.constant 0 : index
    %get3A_28 = vector.load %arg9[%get3A_26, %get3A_27] : memref<256x1xf32, #tpu.memory_space<vmem>>, vector<256x1xf32>
    %dot_general3A = arith.constant dense<0.000000e+00> : vector<256x256xf32>
    %dot_general3A_29 = tpu.matmul %get3A_4, %get3A_1, %dot_general3A {dimension_numbers = #tpu.dot_dimension_numbers<[1], [0], [0], [1], [0, 0, 1, 1], [], []>, transpose_lhs_hint = false} : vector<256x256xf32>, vector<256x256xf32>, vector<256x256xf32> -> vector<256x256xf32>
    %dot_general3A_30 = arith.constant dense<0.000000e+00> : vector<256x256xf32>
    %dot_general3A_31 = tpu.matmul %get3A_7, %get3A_1, %dot_general3A_30 {dimension_numbers = #tpu.dot_dimension_numbers<[1], [0], [0], [1], [0, 0, 1, 1], [], []>, transpose_lhs_hint = false} : vector<256x256xf32>, vector<256x256xf32>, vector<256x256xf32> -> vector<256x256xf32>
    %add3A = arith.addf %dot_general3A_29, %dot_general3A_31 : vector<256x256xf32>
    %add3A_32 = vector.broadcast %get3A_22 : vector<256x1xf32> to vector<256x256xf32>
    %add3A_33 = arith.addf %add3A, %add3A_32 : vector<256x256xf32>
    %logistic3A = arith.negf %add3A_33 : vector<256x256xf32>
    %logistic3A_34 = math.exp %logistic3A : vector<256x256xf32>
    %logistic3A_35 = arith.constant 1.000000e+00 : f32
    %logistic3A_36 = vector.broadcast %logistic3A_35 : f32 to vector<256x256xf32>
    %logistic3A_37 = arith.addf %logistic3A_36, %logistic3A_34 : vector<256x256xf32>
    %logistic3A_38 = arith.divf %logistic3A_36, %logistic3A_37 : vector<256x256xf32>
    %dot_general3A_39 = arith.constant dense<0.000000e+00> : vector<256x256xf32>
    %dot_general3A_40 = tpu.matmul %get3A_10, %get3A_1, %dot_general3A_39 {dimension_numbers = #tpu.dot_dimension_numbers<[1], [0], [0], [1], [0, 0, 1, 1], [], []>, transpose_lhs_hint = false} : vector<256x256xf32>, vector<256x256xf32>, vector<256x256xf32> -> vector<256x256xf32>
    %dot_general3A_41 = arith.constant dense<0.000000e+00> : vector<256x256xf32>
    %dot_general3A_42 = tpu.matmul %get3A_13, %get3A_1, %dot_general3A_41 {dimension_numbers = #tpu.dot_dimension_numbers<[1], [0], [0], [1], [0, 0, 1, 1], [], []>, transpose_lhs_hint = false} : vector<256x256xf32>, vector<256x256xf32>, vector<256x256xf32> -> vector<256x256xf32>
    %add3A_43 = arith.addf %dot_general3A_40, %dot_general3A_42 : vector<256x256xf32>
    %add3A_44 = vector.broadcast %get3A_25 : vector<256x1xf32> to vector<256x256xf32>
    %add3A_45 = arith.addf %add3A_43, %add3A_44 : vector<256x256xf32>
    %logistic3A_46 = arith.negf %add3A_45 : vector<256x256xf32>
    %logistic3A_47 = math.exp %logistic3A_46 : vector<256x256xf32>
    %logistic3A_48 = arith.constant 1.000000e+00 : f32
    %logistic3A_49 = vector.broadcast %logistic3A_48 : f32 to vector<256x256xf32>
    %logistic3A_50 = arith.addf %logistic3A_49, %logistic3A_47 : vector<256x256xf32>
    %logistic3A_51 = arith.divf %logistic3A_49, %logistic3A_50 : vector<256x256xf32>
    %dot_general3A_52 = arith.constant dense<0.000000e+00> : vector<256x256xf32>
    %dot_general3A_53 = tpu.matmul %get3A_16, %get3A_1, %dot_general3A_52 {dimension_numbers = #tpu.dot_dimension_numbers<[1], [0], [0], [1], [0, 0, 1, 1], [], []>, transpose_lhs_hint = false} : vector<256x256xf32>, vector<256x256xf32>, vector<256x256xf32> -> vector<256x256xf32>
    %mul3A = arith.mulf %logistic3A_51, %get3A_1 : vector<256x256xf32>
    %dot_general3A_54 = arith.constant dense<0.000000e+00> : vector<256x256xf32>
    %dot_general3A_55 = tpu.matmul %get3A_19, %mul3A, %dot_general3A_54 {dimension_numbers = #tpu.dot_dimension_numbers<[1], [0], [0], [1], [0, 0, 1, 1], [], []>, transpose_lhs_hint = false} : vector<256x256xf32>, vector<256x256xf32>, vector<256x256xf32> -> vector<256x256xf32>
    %add3A_56 = arith.addf %dot_general3A_53, %dot_general3A_55 : vector<256x256xf32>
    %add3A_57 = vector.broadcast %get3A_28 : vector<256x1xf32> to vector<256x256xf32>
    %add3A_58 = arith.addf %add3A_56, %add3A_57 : vector<256x256xf32>
    %tanh3A = math.tanh %add3A_58 : vector<256x256xf32>
    %sub3A = arith.constant 1.000000e+00 : f32
    %sub3A_59 = vector.broadcast %sub3A : f32 to vector<256x256xf32>
    %sub3A_60 = arith.subf %sub3A_59, %logistic3A_38 : vector<256x256xf32>
    %mul3A_61 = arith.mulf %sub3A_60, %get3A_1 : vector<256x256xf32>
    %mul3A_62 = arith.mulf %logistic3A_38, %tanh3A : vector<256x256xf32>
    %add3A_63 = arith.addf %mul3A_61, %mul3A_62 : vector<256x256xf32>
    %dot_general3A_64 = arith.constant dense<0.000000e+00> : vector<256x256xf32>
    %dot_general3A_65 = tpu.matmul %get3A_4, %add3A_63, %dot_general3A_64 {dimension_numbers = #tpu.dot_dimension_numbers<[1], [0], [0], [1], [0, 0, 1, 1], [], []>, transpose_lhs_hint = false} : vector<256x256xf32>, vector<256x256xf32>, vector<256x256xf32> -> vector<256x256xf32>
    %dot_general3A_66 = arith.constant dense<0.000000e+00> : vector<256x256xf32>
    %dot_general3A_67 = tpu.matmul %get3A_7, %add3A_63, %dot_general3A_66 {dimension_numbers = #tpu.dot_dimension_numbers<[1], [0], [0], [1], [0, 0, 1, 1], [], []>, transpose_lhs_hint = false} : vector<256x256xf32>, vector<256x256xf32>, vector<256x256xf32> -> vector<256x256xf32>
    %add3A_68 = arith.addf %dot_general3A_65, %dot_general3A_67 : vector<256x256xf32>
    %add3A_69 = vector.broadcast %get3A_22 : vector<256x1xf32> to vector<256x256xf32>
    %add3A_70 = arith.addf %add3A_68, %add3A_69 : vector<256x256xf32>
    %logistic3A_71 = arith.negf %add3A_70 : vector<256x256xf32>
    %logistic3A_72 = math.exp %logistic3A_71 : vector<256x256xf32>
    %logistic3A_73 = arith.constant 1.000000e+00 : f32
    %logistic3A_74 = vector.broadcast %logistic3A_73 : f32 to vector<256x256xf32>
    %logistic3A_75 = arith.addf %logistic3A_74, %logistic3A_72 : vector<256x256xf32>
    %logistic3A_76 = arith.divf %logistic3A_74, %logistic3A_75 : vector<256x256xf32>
    %dot_general3A_77 = arith.constant dense<0.000000e+00> : vector<256x256xf32>
    %dot_general3A_78 = tpu.matmul %get3A_10, %add3A_63, %dot_general3A_77 {dimension_numbers = #tpu.dot_dimension_numbers<[1], [0], [0], [1], [0, 0, 1, 1], [], []>, transpose_lhs_hint = false} : vector<256x256xf32>, vector<256x256xf32>, vector<256x256xf32> -> vector<256x256xf32>
    %dot_general3A_79 = arith.constant dense<0.000000e+00> : vector<256x256xf32>
    %dot_general3A_80 = tpu.matmul %get3A_13, %add3A_63, %dot_general3A_79 {dimension_numbers = #tpu.dot_dimension_numbers<[1], [0], [0], [1], [0, 0, 1, 1], [], []>, transpose_lhs_hint = false} : vector<256x256xf32>, vector<256x256xf32>, vector<256x256xf32> -> vector<256x256xf32>
    %add3A_81 = arith.addf %dot_general3A_78, %dot_general3A_80 : vector<256x256xf32>
    %add3A_82 = vector.broadcast %get3A_25 : vector<256x1xf32> to vector<256x256xf32>
    %add3A_83 = arith.addf %add3A_81, %add3A_82 : vector<256x256xf32>
    %logistic3A_84 = arith.negf %add3A_83 : vector<256x256xf32>
    %logistic3A_85 = math.exp %logistic3A_84 : vector<256x256xf32>
    %logistic3A_86 = arith.constant 1.000000e+00 : f32
    %logistic3A_87 = vector.broadcast %logistic3A_86 : f32 to vector<256x256xf32>
    %logistic3A_88 = arith.addf %logistic3A_87, %logistic3A_85 : vector<256x256xf32>
    %logistic3A_89 = arith.divf %logistic3A_87, %logistic3A_88 : vector<256x256xf32>
    %dot_general3A_90 = arith.constant dense<0.000000e+00> : vector<256x256xf32>
    %dot_general3A_91 = tpu.matmul %get3A_16, %add3A_63, %dot_general3A_90 {dimension_numbers = #tpu.dot_dimension_numbers<[1], [0], [0], [1], [0, 0, 1, 1], [], []>, transpose_lhs_hint = false} : vector<256x256xf32>, vector<256x256xf32>, vector<256x256xf32> -> vector<256x256xf32>
    %mul3A_92 = arith.mulf %logistic3A_89, %add3A_63 : vector<256x256xf32>
    %dot_general3A_93 = arith.constant dense<0.000000e+00> : vector<256x256xf32>
    %dot_general3A_94 = tpu.matmul %get3A_19, %mul3A_92, %dot_general3A_93 {dimension_numbers = #tpu.dot_dimension_numbers<[1], [0], [0], [1], [0, 0, 1, 1], [], []>, transpose_lhs_hint = false} : vector<256x256xf32>, vector<256x256xf32>, vector<256x256xf32> -> vector<256x256xf32>
    %add3A_95 = arith.addf %dot_general3A_91, %dot_general3A_94 : vector<256x256xf32>
    %add3A_96 = vector.broadcast %get3A_28 : vector<256x1xf32> to vector<256x256xf32>
    %add3A_97 = arith.addf %add3A_95, %add3A_96 : vector<256x256xf32>
    %tanh3A_98 = math.tanh %add3A_97 : vector<256x256xf32>
    %sub3A_99 = arith.constant 1.000000e+00 : f32
    %sub3A_100 = vector.broadcast %sub3A_99 : f32 to vector<256x256xf32>
    %sub3A_101 = arith.subf %sub3A_100, %logistic3A_76 : vector<256x256xf32>
    %mul3A_102 = arith.mulf %sub3A_101, %add3A_63 : vector<256x256xf32>
    %mul3A_103 = arith.mulf %logistic3A_76, %tanh3A_98 : vector<256x256xf32>
    %add3A_104 = arith.addf %mul3A_102, %mul3A_103 : vector<256x256xf32>
    %dot_general3A_105 = arith.constant dense<0.000000e+00> : vector<256x256xf32>
    %dot_general3A_106 = tpu.matmul %get3A_4, %add3A_104, %dot_general3A_105 {dimension_numbers = #tpu.dot_dimension_numbers<[1], [0], [0], [1], [0, 0, 1, 1], [], []>, transpose_lhs_hint = false} : vector<256x256xf32>, vector<256x256xf32>, vector<256x256xf32> -> vector<256x256xf32>
    %dot_general3A_107 = arith.constant dense<0.000000e+00> : vector<256x256xf32>
    %dot_general3A_108 = tpu.matmul %get3A_7, %add3A_104, %dot_general3A_107 {dimension_numbers = #tpu.dot_dimension_numbers<[1], [0], [0], [1], [0, 0, 1, 1], [], []>, transpose_lhs_hint = false} : vector<256x256xf32>, vector<256x256xf32>, vector<256x256xf32> -> vector<256x256xf32>
    %add3A_109 = arith.addf %dot_general3A_106, %dot_general3A_108 : vector<256x256xf32>
    %add3A_110 = vector.broadcast %get3A_22 : vector<256x1xf32> to vector<256x256xf32>
    %add3A_111 = arith.addf %add3A_109, %add3A_110 : vector<256x256xf32>
    %logistic3A_112 = arith.negf %add3A_111 : vector<256x256xf32>
    %logistic3A_113 = math.exp %logistic3A_112 : vector<256x256xf32>
    %logistic3A_114 = arith.constant 1.000000e+00 : f32
    %logistic3A_115 = vector.broadcast %logistic3A_114 : f32 to vector<256x256xf32>
    %logistic3A_116 = arith.addf %logistic3A_115, %logistic3A_113 : vector<256x256xf32>
    %logistic3A_117 = arith.divf %logistic3A_115, %logistic3A_116 : vector<256x256xf32>
    %dot_general3A_118 = arith.constant dense<0.000000e+00> : vector<256x256xf32>
    %dot_general3A_119 = tpu.matmul %get3A_10, %add3A_104, %dot_general3A_118 {dimension_numbers = #tpu.dot_dimension_numbers<[1], [0], [0], [1], [0, 0, 1, 1], [], []>, transpose_lhs_hint = false} : vector<256x256xf32>, vector<256x256xf32>, vector<256x256xf32> -> vector<256x256xf32>
    %dot_general3A_120 = arith.constant dense<0.000000e+00> : vector<256x256xf32>
    %dot_general3A_121 = tpu.matmul %get3A_13, %add3A_104, %dot_general3A_120 {dimension_numbers = #tpu.dot_dimension_numbers<[1], [0], [0], [1], [0, 0, 1, 1], [], []>, transpose_lhs_hint = false} : vector<256x256xf32>, vector<256x256xf32>, vector<256x256xf32> -> vector<256x256xf32>
    %add3A_122 = arith.addf %dot_general3A_119, %dot_general3A_121 : vector<256x256xf32>
    %add3A_123 = vector.broadcast %get3A_25 : vector<256x1xf32> to vector<256x256xf32>
    %add3A_124 = arith.addf %add3A_122, %add3A_123 : vector<256x256xf32>
    %logistic3A_125 = arith.negf %add3A_124 : vector<256x256xf32>
    %logistic3A_126 = math.exp %logistic3A_125 : vector<256x256xf32>
    %logistic3A_127 = arith.constant 1.000000e+00 : f32
    %logistic3A_128 = vector.broadcast %logistic3A_127 : f32 to vector<256x256xf32>
    %logistic3A_129 = arith.addf %logistic3A_128, %logistic3A_126 : vector<256x256xf32>
    %logistic3A_130 = arith.divf %logistic3A_128, %logistic3A_129 : vector<256x256xf32>
    %dot_general3A_131 = arith.constant dense<0.000000e+00> : vector<256x256xf32>
    %dot_general3A_132 = tpu.matmul %get3A_16, %add3A_104, %dot_general3A_131 {dimension_numbers = #tpu.dot_dimension_numbers<[1], [0], [0], [1], [0, 0, 1, 1], [], []>, transpose_lhs_hint = false} : vector<256x256xf32>, vector<256x256xf32>, vector<256x256xf32> -> vector<256x256xf32>
    %mul3A_133 = arith.mulf %logistic3A_130, %add3A_104 : vector<256x256xf32>
    %dot_general3A_134 = arith.constant dense<0.000000e+00> : vector<256x256xf32>
    %dot_general3A_135 = tpu.matmul %get3A_19, %mul3A_133, %dot_general3A_134 {dimension_numbers = #tpu.dot_dimension_numbers<[1], [0], [0], [1], [0, 0, 1, 1], [], []>, transpose_lhs_hint = false} : vector<256x256xf32>, vector<256x256xf32>, vector<256x256xf32> -> vector<256x256xf32>
    %add3A_136 = arith.addf %dot_general3A_132, %dot_general3A_135 : vector<256x256xf32>
    %add3A_137 = vector.broadcast %get3A_28 : vector<256x1xf32> to vector<256x256xf32>
    %add3A_138 = arith.addf %add3A_136, %add3A_137 : vector<256x256xf32>
    %tanh3A_139 = math.tanh %add3A_138 : vector<256x256xf32>
    %sub3A_140 = arith.constant 1.000000e+00 : f32
    %sub3A_141 = vector.broadcast %sub3A_140 : f32 to vector<256x256xf32>
    %sub3A_142 = arith.subf %sub3A_141, %logistic3A_117 : vector<256x256xf32>
    %mul3A_143 = arith.mulf %sub3A_142, %add3A_104 : vector<256x256xf32>
    %mul3A_144 = arith.mulf %logistic3A_117, %tanh3A_139 : vector<256x256xf32>
    %add3A_145 = arith.addf %mul3A_143, %mul3A_144 : vector<256x256xf32>
    %dot_general3A_146 = arith.constant dense<0.000000e+00> : vector<256x256xf32>
    %dot_general3A_147 = tpu.matmul %get3A_4, %add3A_145, %dot_general3A_146 {dimension_numbers = #tpu.dot_dimension_numbers<[1], [0], [0], [1], [0, 0, 1, 1], [], []>, transpose_lhs_hint = false} : vector<256x256xf32>, vector<256x256xf32>, vector<256x256xf32> -> vector<256x256xf32>
    %dot_general3A_148 = arith.constant dense<0.000000e+00> : vector<256x256xf32>
    %dot_general3A_149 = tpu.matmul %get3A_7, %add3A_145, %dot_general3A_148 {dimension_numbers = #tpu.dot_dimension_numbers<[1], [0], [0], [1], [0, 0, 1, 1], [], []>, transpose_lhs_hint = false} : vector<256x256xf32>, vector<256x256xf32>, vector<256x256xf32> -> vector<256x256xf32>
    %add3A_150 = arith.addf %dot_general3A_147, %dot_general3A_149 : vector<256x256xf32>
    %add3A_151 = vector.broadcast %get3A_22 : vector<256x1xf32> to vector<256x256xf32>
    %add3A_152 = arith.addf %add3A_150, %add3A_151 : vector<256x256xf32>
    %logistic3A_153 = arith.negf %add3A_152 : vector<256x256xf32>
    %logistic3A_154 = math.exp %logistic3A_153 : vector<256x256xf32>
    %logistic3A_155 = arith.constant 1.000000e+00 : f32
    %logistic3A_156 = vector.broadcast %logistic3A_155 : f32 to vector<256x256xf32>
    %logistic3A_157 = arith.addf %logistic3A_156, %logistic3A_154 : vector<256x256xf32>
    %logistic3A_158 = arith.divf %logistic3A_156, %logistic3A_157 : vector<256x256xf32>
    %dot_general3A_159 = arith.constant dense<0.000000e+00> : vector<256x256xf32>
    %dot_general3A_160 = tpu.matmul %get3A_10, %add3A_145, %dot_general3A_159 {dimension_numbers = #tpu.dot_dimension_numbers<[1], [0], [0], [1], [0, 0, 1, 1], [], []>, transpose_lhs_hint = false} : vector<256x256xf32>, vector<256x256xf32>, vector<256x256xf32> -> vector<256x256xf32>
    %dot_general3A_161 = arith.constant dense<0.000000e+00> : vector<256x256xf32>
    %dot_general3A_162 = tpu.matmul %get3A_13, %add3A_145, %dot_general3A_161 {dimension_numbers = #tpu.dot_dimension_numbers<[1], [0], [0], [1], [0, 0, 1, 1], [], []>, transpose_lhs_hint = false} : vector<256x256xf32>, vector<256x256xf32>, vector<256x256xf32> -> vector<256x256xf32>
    %add3A_163 = arith.addf %dot_general3A_160, %dot_general3A_162 : vector<256x256xf32>
    %add3A_164 = vector.broadcast %get3A_25 : vector<256x1xf32> to vector<256x256xf32>
    %add3A_165 = arith.addf %add3A_163, %add3A_164 : vector<256x256xf32>
    %logistic3A_166 = arith.negf %add3A_165 : vector<256x256xf32>
    %logistic3A_167 = math.exp %logistic3A_166 : vector<256x256xf32>
    %logistic3A_168 = arith.constant 1.000000e+00 : f32
    %logistic3A_169 = vector.broadcast %logistic3A_168 : f32 to vector<256x256xf32>
    %logistic3A_170 = arith.addf %logistic3A_169, %logistic3A_167 : vector<256x256xf32>
    %logistic3A_171 = arith.divf %logistic3A_169, %logistic3A_170 : vector<256x256xf32>
    %dot_general3A_172 = arith.constant dense<0.000000e+00> : vector<256x256xf32>
    %dot_general3A_173 = tpu.matmul %get3A_16, %add3A_145, %dot_general3A_172 {dimension_numbers = #tpu.dot_dimension_numbers<[1], [0], [0], [1], [0, 0, 1, 1], [], []>, transpose_lhs_hint = false} : vector<256x256xf32>, vector<256x256xf32>, vector<256x256xf32> -> vector<256x256xf32>
    %mul3A_174 = arith.mulf %logistic3A_171, %add3A_145 : vector<256x256xf32>
    %dot_general3A_175 = arith.constant dense<0.000000e+00> : vector<256x256xf32>
    %dot_general3A_176 = tpu.matmul %get3A_19, %mul3A_174, %dot_general3A_175 {dimension_numbers = #tpu.dot_dimension_numbers<[1], [0], [0], [1], [0, 0, 1, 1], [], []>, transpose_lhs_hint = false} : vector<256x256xf32>, vector<256x256xf32>, vector<256x256xf32> -> vector<256x256xf32>
    %add3A_177 = arith.addf %dot_general3A_173, %dot_general3A_176 : vector<256x256xf32>
    %add3A_178 = vector.broadcast %get3A_28 : vector<256x1xf32> to vector<256x256xf32>
    %add3A_179 = arith.addf %add3A_177, %add3A_178 : vector<256x256xf32>
    %tanh3A_180 = math.tanh %add3A_179 : vector<256x256xf32>
    %sub3A_181 = arith.constant 1.000000e+00 : f32
    %sub3A_182 = vector.broadcast %sub3A_181 : f32 to vector<256x256xf32>
    %sub3A_183 = arith.subf %sub3A_182, %logistic3A_158 : vector<256x256xf32>
    %mul3A_184 = arith.mulf %sub3A_183, %add3A_145 : vector<256x256xf32>
    %mul3A_185 = arith.mulf %logistic3A_158, %tanh3A_180 : vector<256x256xf32>
    %add3A_186 = arith.addf %mul3A_184, %mul3A_185 : vector<256x256xf32>
    %dot_general3A_187 = arith.constant dense<0.000000e+00> : vector<256x256xf32>
    %dot_general3A_188 = tpu.matmul %get3A_4, %add3A_186, %dot_general3A_187 {dimension_numbers = #tpu.dot_dimension_numbers<[1], [0], [0], [1], [0, 0, 1, 1], [], []>, transpose_lhs_hint = false} : vector<256x256xf32>, vector<256x256xf32>, vector<256x256xf32> -> vector<256x256xf32>
    %dot_general3A_189 = arith.constant dense<0.000000e+00> : vector<256x256xf32>
    %dot_general3A_190 = tpu.matmul %get3A_7, %add3A_186, %dot_general3A_189 {dimension_numbers = #tpu.dot_dimension_numbers<[1], [0], [0], [1], [0, 0, 1, 1], [], []>, transpose_lhs_hint = false} : vector<256x256xf32>, vector<256x256xf32>, vector<256x256xf32> -> vector<256x256xf32>
    %add3A_191 = arith.addf %dot_general3A_188, %dot_general3A_190 : vector<256x256xf32>
    %add3A_192 = vector.broadcast %get3A_22 : vector<256x1xf32> to vector<256x256xf32>
    %add3A_193 = arith.addf %add3A_191, %add3A_192 : vector<256x256xf32>
    %logistic3A_194 = arith.negf %add3A_193 : vector<256x256xf32>
    %logistic3A_195 = math.exp %logistic3A_194 : vector<256x256xf32>
    %logistic3A_196 = arith.constant 1.000000e+00 : f32
    %logistic3A_197 = vector.broadcast %logistic3A_196 : f32 to vector<256x256xf32>
    %logistic3A_198 = arith.addf %logistic3A_197, %logistic3A_195 : vector<256x256xf32>
    %logistic3A_199 = arith.divf %logistic3A_197, %logistic3A_198 : vector<256x256xf32>
    %dot_general3A_200 = arith.constant dense<0.000000e+00> : vector<256x256xf32>
    %dot_general3A_201 = tpu.matmul %get3A_10, %add3A_186, %dot_general3A_200 {dimension_numbers = #tpu.dot_dimension_numbers<[1], [0], [0], [1], [0, 0, 1, 1], [], []>, transpose_lhs_hint = false} : vector<256x256xf32>, vector<256x256xf32>, vector<256x256xf32> -> vector<256x256xf32>
    %dot_general3A_202 = arith.constant dense<0.000000e+00> : vector<256x256xf32>
    %dot_general3A_203 = tpu.matmul %get3A_13, %add3A_186, %dot_general3A_202 {dimension_numbers = #tpu.dot_dimension_numbers<[1], [0], [0], [1], [0, 0, 1, 1], [], []>, transpose_lhs_hint = false} : vector<256x256xf32>, vector<256x256xf32>, vector<256x256xf32> -> vector<256x256xf32>
    %add3A_204 = arith.addf %dot_general3A_201, %dot_general3A_203 : vector<256x256xf32>
    %add3A_205 = vector.broadcast %get3A_25 : vector<256x1xf32> to vector<256x256xf32>
    %add3A_206 = arith.addf %add3A_204, %add3A_205 : vector<256x256xf32>
    %logistic3A_207 = arith.negf %add3A_206 : vector<256x256xf32>
    %logistic3A_208 = math.exp %logistic3A_207 : vector<256x256xf32>
    %logistic3A_209 = arith.constant 1.000000e+00 : f32
    %logistic3A_210 = vector.broadcast %logistic3A_209 : f32 to vector<256x256xf32>
    %logistic3A_211 = arith.addf %logistic3A_210, %logistic3A_208 : vector<256x256xf32>
    %logistic3A_212 = arith.divf %logistic3A_210, %logistic3A_211 : vector<256x256xf32>
    %dot_general3A_213 = arith.constant dense<0.000000e+00> : vector<256x256xf32>
    %dot_general3A_214 = tpu.matmul %get3A_16, %add3A_186, %dot_general3A_213 {dimension_numbers = #tpu.dot_dimension_numbers<[1], [0], [0], [1], [0, 0, 1, 1], [], []>, transpose_lhs_hint = false} : vector<256x256xf32>, vector<256x256xf32>, vector<256x256xf32> -> vector<256x256xf32>
    %mul3A_215 = arith.mulf %logistic3A_212, %add3A_186 : vector<256x256xf32>
    %dot_general3A_216 = arith.constant dense<0.000000e+00> : vector<256x256xf32>
    %dot_general3A_217 = tpu.matmul %get3A_19, %mul3A_215, %dot_general3A_216 {dimension_numbers = #tpu.dot_dimension_numbers<[1], [0], [0], [1], [0, 0, 1, 1], [], []>, transpose_lhs_hint = false} : vector<256x256xf32>, vector<256x256xf32>, vector<256x256xf32> -> vector<256x256xf32>
    %add3A_218 = arith.addf %dot_general3A_214, %dot_general3A_217 : vector<256x256xf32>
    %add3A_219 = vector.broadcast %get3A_28 : vector<256x1xf32> to vector<256x256xf32>
    %add3A_220 = arith.addf %add3A_218, %add3A_219 : vector<256x256xf32>
    %tanh3A_221 = math.tanh %add3A_220 : vector<256x256xf32>
    %sub3A_222 = arith.constant 1.000000e+00 : f32
    %sub3A_223 = vector.broadcast %sub3A_222 : f32 to vector<256x256xf32>
    %sub3A_224 = arith.subf %sub3A_223, %logistic3A_199 : vector<256x256xf32>
    %mul3A_225 = arith.mulf %sub3A_224, %add3A_186 : vector<256x256xf32>
    %mul3A_226 = arith.mulf %logistic3A_199, %tanh3A_221 : vector<256x256xf32>
    %add3A_227 = arith.addf %mul3A_225, %mul3A_226 : vector<256x256xf32>
    %dot_general3A_228 = arith.constant dense<0.000000e+00> : vector<256x256xf32>
    %dot_general3A_229 = tpu.matmul %get3A_4, %add3A_227, %dot_general3A_228 {dimension_numbers = #tpu.dot_dimension_numbers<[1], [0], [0], [1], [0, 0, 1, 1], [], []>, transpose_lhs_hint = false} : vector<256x256xf32>, vector<256x256xf32>, vector<256x256xf32> -> vector<256x256xf32>
    %dot_general3A_230 = arith.constant dense<0.000000e+00> : vector<256x256xf32>
    %dot_general3A_231 = tpu.matmul %get3A_7, %add3A_227, %dot_general3A_230 {dimension_numbers = #tpu.dot_dimension_numbers<[1], [0], [0], [1], [0, 0, 1, 1], [], []>, transpose_lhs_hint = false} : vector<256x256xf32>, vector<256x256xf32>, vector<256x256xf32> -> vector<256x256xf32>
    %add3A_232 = arith.addf %dot_general3A_229, %dot_general3A_231 : vector<256x256xf32>
    %add3A_233 = vector.broadcast %get3A_22 : vector<256x1xf32> to vector<256x256xf32>
    %add3A_234 = arith.addf %add3A_232, %add3A_233 : vector<256x256xf32>
    %logistic3A_235 = arith.negf %add3A_234 : vector<256x256xf32>
    %logistic3A_236 = math.exp %logistic3A_235 : vector<256x256xf32>
    %logistic3A_237 = arith.constant 1.000000e+00 : f32
    %logistic3A_238 = vector.broadcast %logistic3A_237 : f32 to vector<256x256xf32>
    %logistic3A_239 = arith.addf %logistic3A_238, %logistic3A_236 : vector<256x256xf32>
    %logistic3A_240 = arith.divf %logistic3A_238, %logistic3A_239 : vector<256x256xf32>
    %dot_general3A_241 = arith.constant dense<0.000000e+00> : vector<256x256xf32>
    %dot_general3A_242 = tpu.matmul %get3A_10, %add3A_227, %dot_general3A_241 {dimension_numbers = #tpu.dot_dimension_numbers<[1], [0], [0], [1], [0, 0, 1, 1], [], []>, transpose_lhs_hint = false} : vector<256x256xf32>, vector<256x256xf32>, vector<256x256xf32> -> vector<256x256xf32>
    %dot_general3A_243 = arith.constant dense<0.000000e+00> : vector<256x256xf32>
    %dot_general3A_244 = tpu.matmul %get3A_13, %add3A_227, %dot_general3A_243 {dimension_numbers = #tpu.dot_dimension_numbers<[1], [0], [0], [1], [0, 0, 1, 1], [], []>, transpose_lhs_hint = false} : vector<256x256xf32>, vector<256x256xf32>, vector<256x256xf32> -> vector<256x256xf32>
    %add3A_245 = arith.addf %dot_general3A_242, %dot_general3A_244 : vector<256x256xf32>
    %add3A_246 = vector.broadcast %get3A_25 : vector<256x1xf32> to vector<256x256xf32>
    %add3A_247 = arith.addf %add3A_245, %add3A_246 : vector<256x256xf32>
    %logistic3A_248 = arith.negf %add3A_247 : vector<256x256xf32>
    %logistic3A_249 = math.exp %logistic3A_248 : vector<256x256xf32>
    %logistic3A_250 = arith.constant 1.000000e+00 : f32
    %logistic3A_251 = vector.broadcast %logistic3A_250 : f32 to vector<256x256xf32>
    %logistic3A_252 = arith.addf %logistic3A_251, %logistic3A_249 : vector<256x256xf32>
    %logistic3A_253 = arith.divf %logistic3A_251, %logistic3A_252 : vector<256x256xf32>
    %dot_general3A_254 = arith.constant dense<0.000000e+00> : vector<256x256xf32>
    %dot_general3A_255 = tpu.matmul %get3A_16, %add3A_227, %dot_general3A_254 {dimension_numbers = #tpu.dot_dimension_numbers<[1], [0], [0], [1], [0, 0, 1, 1], [], []>, transpose_lhs_hint = false} : vector<256x256xf32>, vector<256x256xf32>, vector<256x256xf32> -> vector<256x256xf32>
    %mul3A_256 = arith.mulf %logistic3A_253, %add3A_227 : vector<256x256xf32>
    %dot_general3A_257 = arith.constant dense<0.000000e+00> : vector<256x256xf32>
    %dot_general3A_258 = tpu.matmul %get3A_19, %mul3A_256, %dot_general3A_257 {dimension_numbers = #tpu.dot_dimension_numbers<[1], [0], [0], [1], [0, 0, 1, 1], [], []>, transpose_lhs_hint = false} : vector<256x256xf32>, vector<256x256xf32>, vector<256x256xf32> -> vector<256x256xf32>
    %add3A_259 = arith.addf %dot_general3A_255, %dot_general3A_258 : vector<256x256xf32>
    %add3A_260 = vector.broadcast %get3A_28 : vector<256x1xf32> to vector<256x256xf32>
    %add3A_261 = arith.addf %add3A_259, %add3A_260 : vector<256x256xf32>
    %tanh3A_262 = math.tanh %add3A_261 : vector<256x256xf32>
    %sub3A_263 = arith.constant 1.000000e+00 : f32
    %sub3A_264 = vector.broadcast %sub3A_263 : f32 to vector<256x256xf32>
    %sub3A_265 = arith.subf %sub3A_264, %logistic3A_240 : vector<256x256xf32>
    %mul3A_266 = arith.mulf %sub3A_265, %add3A_227 : vector<256x256xf32>
    %mul3A_267 = arith.mulf %logistic3A_240, %tanh3A_262 : vector<256x256xf32>
    %add3A_268 = arith.addf %mul3A_266, %mul3A_267 : vector<256x256xf32>
    %dot_general3A_269 = arith.constant dense<0.000000e+00> : vector<256x256xf32>
    %dot_general3A_270 = tpu.matmul %get3A_4, %add3A_268, %dot_general3A_269 {dimension_numbers = #tpu.dot_dimension_numbers<[1], [0], [0], [1], [0, 0, 1, 1], [], []>, transpose_lhs_hint = false} : vector<256x256xf32>, vector<256x256xf32>, vector<256x256xf32> -> vector<256x256xf32>
    %dot_general3A_271 = arith.constant dense<0.000000e+00> : vector<256x256xf32>
    %dot_general3A_272 = tpu.matmul %get3A_7, %add3A_268, %dot_general3A_271 {dimension_numbers = #tpu.dot_dimension_numbers<[1], [0], [0], [1], [0, 0, 1, 1], [], []>, transpose_lhs_hint = false} : vector<256x256xf32>, vector<256x256xf32>, vector<256x256xf32> -> vector<256x256xf32>
    %add3A_273 = arith.addf %dot_general3A_270, %dot_general3A_272 : vector<256x256xf32>
    %add3A_274 = vector.broadcast %get3A_22 : vector<256x1xf32> to vector<256x256xf32>
    %add3A_275 = arith.addf %add3A_273, %add3A_274 : vector<256x256xf32>
    %logistic3A_276 = arith.negf %add3A_275 : vector<256x256xf32>
    %logistic3A_277 = math.exp %logistic3A_276 : vector<256x256xf32>
    %logistic3A_278 = arith.constant 1.000000e+00 : f32
    %logistic3A_279 = vector.broadcast %logistic3A_278 : f32 to vector<256x256xf32>
    %logistic3A_280 = arith.addf %logistic3A_279, %logistic3A_277 : vector<256x256xf32>
    %logistic3A_281 = arith.divf %logistic3A_279, %logistic3A_280 : vector<256x256xf32>
    %dot_general3A_282 = arith.constant dense<0.000000e+00> : vector<256x256xf32>
    %dot_general3A_283 = tpu.matmul %get3A_10, %add3A_268, %dot_general3A_282 {dimension_numbers = #tpu.dot_dimension_numbers<[1], [0], [0], [1], [0, 0, 1, 1], [], []>, transpose_lhs_hint = false} : vector<256x256xf32>, vector<256x256xf32>, vector<256x256xf32> -> vector<256x256xf32>
    %dot_general3A_284 = arith.constant dense<0.000000e+00> : vector<256x256xf32>
    %dot_general3A_285 = tpu.matmul %get3A_13, %add3A_268, %dot_general3A_284 {dimension_numbers = #tpu.dot_dimension_numbers<[1], [0], [0], [1], [0, 0, 1, 1], [], []>, transpose_lhs_hint = false} : vector<256x256xf32>, vector<256x256xf32>, vector<256x256xf32> -> vector<256x256xf32>
    %add3A_286 = arith.addf %dot_general3A_283, %dot_general3A_285 : vector<256x256xf32>
    %add3A_287 = vector.broadcast %get3A_25 : vector<256x1xf32> to vector<256x256xf32>
    %add3A_288 = arith.addf %add3A_286, %add3A_287 : vector<256x256xf32>
    %logistic3A_289 = arith.negf %add3A_288 : vector<256x256xf32>
    %logistic3A_290 = math.exp %logistic3A_289 : vector<256x256xf32>
    %logistic3A_291 = arith.constant 1.000000e+00 : f32
    %logistic3A_292 = vector.broadcast %logistic3A_291 : f32 to vector<256x256xf32>
    %logistic3A_293 = arith.addf %logistic3A_292, %logistic3A_290 : vector<256x256xf32>
    %logistic3A_294 = arith.divf %logistic3A_292, %logistic3A_293 : vector<256x256xf32>
    %dot_general3A_295 = arith.constant dense<0.000000e+00> : vector<256x256xf32>
    %dot_general3A_296 = tpu.matmul %get3A_16, %add3A_268, %dot_general3A_295 {dimension_numbers = #tpu.dot_dimension_numbers<[1], [0], [0], [1], [0, 0, 1, 1], [], []>, transpose_lhs_hint = false} : vector<256x256xf32>, vector<256x256xf32>, vector<256x256xf32> -> vector<256x256xf32>
    %mul3A_297 = arith.mulf %logistic3A_294, %add3A_268 : vector<256x256xf32>
    %dot_general3A_298 = arith.constant dense<0.000000e+00> : vector<256x256xf32>
    %dot_general3A_299 = tpu.matmul %get3A_19, %mul3A_297, %dot_general3A_298 {dimension_numbers = #tpu.dot_dimension_numbers<[1], [0], [0], [1], [0, 0, 1, 1], [], []>, transpose_lhs_hint = false} : vector<256x256xf32>, vector<256x256xf32>, vector<256x256xf32> -> vector<256x256xf32>
    %add3A_300 = arith.addf %dot_general3A_296, %dot_general3A_299 : vector<256x256xf32>
    %add3A_301 = vector.broadcast %get3A_28 : vector<256x1xf32> to vector<256x256xf32>
    %add3A_302 = arith.addf %add3A_300, %add3A_301 : vector<256x256xf32>
    %tanh3A_303 = math.tanh %add3A_302 : vector<256x256xf32>
    %sub3A_304 = arith.constant 1.000000e+00 : f32
    %sub3A_305 = vector.broadcast %sub3A_304 : f32 to vector<256x256xf32>
    %sub3A_306 = arith.subf %sub3A_305, %logistic3A_281 : vector<256x256xf32>
    %mul3A_307 = arith.mulf %sub3A_306, %add3A_268 : vector<256x256xf32>
    %mul3A_308 = arith.mulf %logistic3A_281, %tanh3A_303 : vector<256x256xf32>
    %add3A_309 = arith.addf %mul3A_307, %mul3A_308 : vector<256x256xf32>
    %dot_general3A_310 = arith.constant dense<0.000000e+00> : vector<256x256xf32>
    %dot_general3A_311 = tpu.matmul %get3A_4, %add3A_309, %dot_general3A_310 {dimension_numbers = #tpu.dot_dimension_numbers<[1], [0], [0], [1], [0, 0, 1, 1], [], []>, transpose_lhs_hint = false} : vector<256x256xf32>, vector<256x256xf32>, vector<256x256xf32> -> vector<256x256xf32>
    %dot_general3A_312 = arith.constant dense<0.000000e+00> : vector<256x256xf32>
    %dot_general3A_313 = tpu.matmul %get3A_7, %add3A_309, %dot_general3A_312 {dimension_numbers = #tpu.dot_dimension_numbers<[1], [0], [0], [1], [0, 0, 1, 1], [], []>, transpose_lhs_hint = false} : vector<256x256xf32>, vector<256x256xf32>, vector<256x256xf32> -> vector<256x256xf32>
    %add3A_314 = arith.addf %dot_general3A_311, %dot_general3A_313 : vector<256x256xf32>
    %add3A_315 = vector.broadcast %get3A_22 : vector<256x1xf32> to vector<256x256xf32>
    %add3A_316 = arith.addf %add3A_314, %add3A_315 : vector<256x256xf32>
    %logistic3A_317 = arith.negf %add3A_316 : vector<256x256xf32>
    %logistic3A_318 = math.exp %logistic3A_317 : vector<256x256xf32>
    %logistic3A_319 = arith.constant 1.000000e+00 : f32
    %logistic3A_320 = vector.broadcast %logistic3A_319 : f32 to vector<256x256xf32>
    %logistic3A_321 = arith.addf %logistic3A_320, %logistic3A_318 : vector<256x256xf32>
    %logistic3A_322 = arith.divf %logistic3A_320, %logistic3A_321 : vector<256x256xf32>
    %dot_general3A_323 = arith.constant dense<0.000000e+00> : vector<256x256xf32>
    %dot_general3A_324 = tpu.matmul %get3A_10, %add3A_309, %dot_general3A_323 {dimension_numbers = #tpu.dot_dimension_numbers<[1], [0], [0], [1], [0, 0, 1, 1], [], []>, transpose_lhs_hint = false} : vector<256x256xf32>, vector<256x256xf32>, vector<256x256xf32> -> vector<256x256xf32>
    %dot_general3A_325 = arith.constant dense<0.000000e+00> : vector<256x256xf32>
    %dot_general3A_326 = tpu.matmul %get3A_13, %add3A_309, %dot_general3A_325 {dimension_numbers = #tpu.dot_dimension_numbers<[1], [0], [0], [1], [0, 0, 1, 1], [], []>, transpose_lhs_hint = false} : vector<256x256xf32>, vector<256x256xf32>, vector<256x256xf32> -> vector<256x256xf32>
    %add3A_327 = arith.addf %dot_general3A_324, %dot_general3A_326 : vector<256x256xf32>
    %add3A_328 = vector.broadcast %get3A_25 : vector<256x1xf32> to vector<256x256xf32>
    %add3A_329 = arith.addf %add3A_327, %add3A_328 : vector<256x256xf32>
    %logistic3A_330 = arith.negf %add3A_329 : vector<256x256xf32>
    %logistic3A_331 = math.exp %logistic3A_330 : vector<256x256xf32>
    %logistic3A_332 = arith.constant 1.000000e+00 : f32
    %logistic3A_333 = vector.broadcast %logistic3A_332 : f32 to vector<256x256xf32>
    %logistic3A_334 = arith.addf %logistic3A_333, %logistic3A_331 : vector<256x256xf32>
    %logistic3A_335 = arith.divf %logistic3A_333, %logistic3A_334 : vector<256x256xf32>
    %dot_general3A_336 = arith.constant dense<0.000000e+00> : vector<256x256xf32>
    %dot_general3A_337 = tpu.matmul %get3A_16, %add3A_309, %dot_general3A_336 {dimension_numbers = #tpu.dot_dimension_numbers<[1], [0], [0], [1], [0, 0, 1, 1], [], []>, transpose_lhs_hint = false} : vector<256x256xf32>, vector<256x256xf32>, vector<256x256xf32> -> vector<256x256xf32>
    %mul3A_338 = arith.mulf %logistic3A_335, %add3A_309 : vector<256x256xf32>
    %dot_general3A_339 = arith.constant dense<0.000000e+00> : vector<256x256xf32>
    %dot_general3A_340 = tpu.matmul %get3A_19, %mul3A_338, %dot_general3A_339 {dimension_numbers = #tpu.dot_dimension_numbers<[1], [0], [0], [1], [0, 0, 1, 1], [], []>, transpose_lhs_hint = false} : vector<256x256xf32>, vector<256x256xf32>, vector<256x256xf32> -> vector<256x256xf32>
    %add3A_341 = arith.addf %dot_general3A_337, %dot_general3A_340 : vector<256x256xf32>
    %add3A_342 = vector.broadcast %get3A_28 : vector<256x1xf32> to vector<256x256xf32>
    %add3A_343 = arith.addf %add3A_341, %add3A_342 : vector<256x256xf32>
    %tanh3A_344 = math.tanh %add3A_343 : vector<256x256xf32>
    %sub3A_345 = arith.constant 1.000000e+00 : f32
    %sub3A_346 = vector.broadcast %sub3A_345 : f32 to vector<256x256xf32>
    %sub3A_347 = arith.subf %sub3A_346, %logistic3A_322 : vector<256x256xf32>
    %mul3A_348 = arith.mulf %sub3A_347, %add3A_309 : vector<256x256xf32>
    %mul3A_349 = arith.mulf %logistic3A_322, %tanh3A_344 : vector<256x256xf32>
    %add3A_350 = arith.addf %mul3A_348, %mul3A_349 : vector<256x256xf32>
    %swap3A = arith.constant 0 : index
    %swap3A_351 = arith.constant 0 : index
    %swap3A_352 = vector.load %arg20[%swap3A, %swap3A_351] : memref<256x256xf32, #tpu.memory_space<vmem>>, vector<256x256xf32>
    tpu.vector_store %arg20[%swap3A, %swap3A_351], %add3A_350 {strides = array<i32>} : memref<256x256xf32, #tpu.memory_space<vmem>>, vector<256x256xf32>,
    %get3A_353 = arith.constant 0 : index
    %get3A_354 = arith.constant 0 : index
    %get3A_355 = vector.load %arg10[%get3A_353, %get3A_354] : memref<256x256xf32, #tpu.memory_space<vmem>>, vector<256x256xf32>
    %get3A_356 = arith.constant 0 : index
    %get3A_357 = arith.constant 0 : index
    %get3A_358 = vector.load %arg11[%get3A_356, %get3A_357] : memref<256x256xf32, #tpu.memory_space<vmem>>, vector<256x256xf32>
    %get3A_359 = arith.constant 0 : index
    %get3A_360 = arith.constant 0 : index
    %get3A_361 = vector.load %arg12[%get3A_359, %get3A_360] : memref<256x256xf32, #tpu.memory_space<vmem>>, vector<256x256xf32>
    %get3A_362 = arith.constant 0 : index
    %get3A_363 = arith.constant 0 : index
    %get3A_364 = vector.load %arg14[%get3A_362, %get3A_363] : memref<256x256xf32, #tpu.memory_space<vmem>>, vector<256x256xf32>
    %get3A_365 = arith.constant 0 : index
    %get3A_366 = arith.constant 0 : index
    %get3A_367 = vector.load %arg15[%get3A_365, %get3A_366] : memref<256x256xf32, #tpu.memory_space<vmem>>, vector<256x256xf32>
    %get3A_368 = arith.constant 0 : index
    %get3A_369 = arith.constant 0 : index
    %get3A_370 = vector.load %arg17[%get3A_368, %get3A_369] : memref<256x256xf32, #tpu.memory_space<vmem>>, vector<256x256xf32>
    %get3A_371 = arith.constant 0 : index
    %get3A_372 = arith.constant 0 : index
    %get3A_373 = vector.load %arg18[%get3A_371, %get3A_372] : memref<256x256xf32, #tpu.memory_space<vmem>>, vector<256x256xf32>
    %get3A_374 = arith.constant 0 : index
    %get3A_375 = arith.constant 0 : index
    %get3A_376 = vector.load %arg13[%get3A_374, %get3A_375] : memref<256x1xf32, #tpu.memory_space<vmem>>, vector<256x1xf32>
    %get3A_377 = arith.constant 0 : index
    %get3A_378 = arith.constant 0 : index
    %get3A_379 = vector.load %arg16[%get3A_377, %get3A_378] : memref<256x1xf32, #tpu.memory_space<vmem>>, vector<256x1xf32>
    %get3A_380 = arith.constant 0 : index
    %get3A_381 = arith.constant 0 : index
    %get3A_382 = vector.load %arg19[%get3A_380, %get3A_381] : memref<256x1xf32, #tpu.memory_space<vmem>>, vector<256x1xf32>
    %dot_general3A_383 = arith.constant dense<0.000000e+00> : vector<256x256xf32>
    %dot_general3A_384 = tpu.matmul %get3A_358, %get3A_355, %dot_general3A_383 {dimension_numbers = #tpu.dot_dimension_numbers<[1], [0], [0], [1], [0, 0, 1, 1], [], []>, transpose_lhs_hint = false} : vector<256x256xf32>, vector<256x256xf32>, vector<256x256xf32> -> vector<256x256xf32>
    %dot_general3A_385 = arith.constant dense<0.000000e+00> : vector<256x256xf32>
    %dot_general3A_386 = tpu.matmul %get3A_361, %get3A_355, %dot_general3A_385 {dimension_numbers = #tpu.dot_dimension_numbers<[1], [0], [0], [1], [0, 0, 1, 1], [], []>, transpose_lhs_hint = false} : vector<256x256xf32>, vector<256x256xf32>, vector<256x256xf32> -> vector<256x256xf32>
    %add3A_387 = arith.addf %dot_general3A_384, %dot_general3A_386 : vector<256x256xf32>
    %add3A_388 = vector.broadcast %get3A_376 : vector<256x1xf32> to vector<256x256xf32>
    %add3A_389 = arith.addf %add3A_387, %add3A_388 : vector<256x256xf32>
    %logistic3A_390 = arith.negf %add3A_389 : vector<256x256xf32>
    %logistic3A_391 = math.exp %logistic3A_390 : vector<256x256xf32>
    %logistic3A_392 = arith.constant 1.000000e+00 : f32
    %logistic3A_393 = vector.broadcast %logistic3A_392 : f32 to vector<256x256xf32>
    %logistic3A_394 = arith.addf %logistic3A_393, %logistic3A_391 : vector<256x256xf32>
    %logistic3A_395 = arith.divf %logistic3A_393, %logistic3A_394 : vector<256x256xf32>
    %dot_general3A_396 = arith.constant dense<0.000000e+00> : vector<256x256xf32>
    %dot_general3A_397 = tpu.matmul %get3A_364, %get3A_355, %dot_general3A_396 {dimension_numbers = #tpu.dot_dimension_numbers<[1], [0], [0], [1], [0, 0, 1, 1], [], []>, transpose_lhs_hint = false} : vector<256x256xf32>, vector<256x256xf32>, vector<256x256xf32> -> vector<256x256xf32>
    %dot_general3A_398 = arith.constant dense<0.000000e+00> : vector<256x256xf32>
    %dot_general3A_399 = tpu.matmul %get3A_367, %get3A_355, %dot_general3A_398 {dimension_numbers = #tpu.dot_dimension_numbers<[1], [0], [0], [1], [0, 0, 1, 1], [], []>, transpose_lhs_hint = false} : vector<256x256xf32>, vector<256x256xf32>, vector<256x256xf32> -> vector<256x256xf32>
    %add3A_400 = arith.addf %dot_general3A_397, %dot_general3A_399 : vector<256x256xf32>
    %add3A_401 = vector.broadcast %get3A_379 : vector<256x1xf32> to vector<256x256xf32>
    %add3A_402 = arith.addf %add3A_400, %add3A_401 : vector<256x256xf32>
    %logistic3A_403 = arith.negf %add3A_402 : vector<256x256xf32>
    %logistic3A_404 = math.exp %logistic3A_403 : vector<256x256xf32>
    %logistic3A_405 = arith.constant 1.000000e+00 : f32
    %logistic3A_406 = vector.broadcast %logistic3A_405 : f32 to vector<256x256xf32>
    %logistic3A_407 = arith.addf %logistic3A_406, %logistic3A_404 : vector<256x256xf32>
    %logistic3A_408 = arith.divf %logistic3A_406, %logistic3A_407 : vector<256x256xf32>
    %dot_general3A_409 = arith.constant dense<0.000000e+00> : vector<256x256xf32>
    %dot_general3A_410 = tpu.matmul %get3A_370, %get3A_355, %dot_general3A_409 {dimension_numbers = #tpu.dot_dimension_numbers<[1], [0], [0], [1], [0, 0, 1, 1], [], []>, transpose_lhs_hint = false} : vector<256x256xf32>, vector<256x256xf32>, vector<256x256xf32> -> vector<256x256xf32>
    %mul3A_411 = arith.mulf %logistic3A_408, %get3A_355 : vector<256x256xf32>
    %dot_general3A_412 = arith.constant dense<0.000000e+00> : vector<256x256xf32>
    %dot_general3A_413 = tpu.matmul %get3A_373, %mul3A_411, %dot_general3A_412 {dimension_numbers = #tpu.dot_dimension_numbers<[1], [0], [0], [1], [0, 0, 1, 1], [], []>, transpose_lhs_hint = false} : vector<256x256xf32>, vector<256x256xf32>, vector<256x256xf32> -> vector<256x256xf32>
    %add3A_414 = arith.addf %dot_general3A_410, %dot_general3A_413 : vector<256x256xf32>
    %add3A_415 = vector.broadcast %get3A_382 : vector<256x1xf32> to vector<256x256xf32>
    %add3A_416 = arith.addf %add3A_414, %add3A_415 : vector<256x256xf32>
    %tanh3A_417 = math.tanh %add3A_416 : vector<256x256xf32>
    %sub3A_418 = arith.constant 1.000000e+00 : f32
    %sub3A_419 = vector.broadcast %sub3A_418 : f32 to vector<256x256xf32>
    %sub3A_420 = arith.subf %sub3A_419, %logistic3A_395 : vector<256x256xf32>
    %mul3A_421 = arith.mulf %sub3A_420, %get3A_355 : vector<256x256xf32>
    %mul3A_422 = arith.mulf %logistic3A_395, %tanh3A_417 : vector<256x256xf32>
    %add3A_423 = arith.addf %mul3A_421, %mul3A_422 : vector<256x256xf32>
    %dot_general3A_424 = arith.constant dense<0.000000e+00> : vector<256x256xf32>
    %dot_general3A_425 = tpu.matmul %get3A_358, %add3A_423, %dot_general3A_424 {dimension_numbers = #tpu.dot_dimension_numbers<[1], [0], [0], [1], [0, 0, 1, 1], [], []>, transpose_lhs_hint = false} : vector<256x256xf32>, vector<256x256xf32>, vector<256x256xf32> -> vector<256x256xf32>
    %dot_general3A_426 = arith.constant dense<0.000000e+00> : vector<256x256xf32>
    %dot_general3A_427 = tpu.matmul %get3A_361, %add3A_423, %dot_general3A_426 {dimension_numbers = #tpu.dot_dimension_numbers<[1], [0], [0], [1], [0, 0, 1, 1], [], []>, transpose_lhs_hint = false} : vector<256x256xf32>, vector<256x256xf32>, vector<256x256xf32> -> vector<256x256xf32>
    %add3A_428 = arith.addf %dot_general3A_425, %dot_general3A_427 : vector<256x256xf32>
    %add3A_429 = vector.broadcast %get3A_376 : vector<256x1xf32> to vector<256x256xf32>
    %add3A_430 = arith.addf %add3A_428, %add3A_429 : vector<256x256xf32>
    %logistic3A_431 = arith.negf %add3A_430 : vector<256x256xf32>
    %logistic3A_432 = math.exp %logistic3A_431 : vector<256x256xf32>
    %logistic3A_433 = arith.constant 1.000000e+00 : f32
    %logistic3A_434 = vector.broadcast %logistic3A_433 : f32 to vector<256x256xf32>
    %logistic3A_435 = arith.addf %logistic3A_434, %logistic3A_432 : vector<256x256xf32>
    %logistic3A_436 = arith.divf %logistic3A_434, %logistic3A_435 : vector<256x256xf32>
    %dot_general3A_437 = arith.constant dense<0.000000e+00> : vector<256x256xf32>
    %dot_general3A_438 = tpu.matmul %get3A_364, %add3A_423, %dot_general3A_437 {dimension_numbers = #tpu.dot_dimension_numbers<[1], [0], [0], [1], [0, 0, 1, 1], [], []>, transpose_lhs_hint = false} : vector<256x256xf32>, vector<256x256xf32>, vector<256x256xf32> -> vector<256x256xf32>
    %dot_general3A_439 = arith.constant dense<0.000000e+00> : vector<256x256xf32>
    %dot_general3A_440 = tpu.matmul %get3A_367, %add3A_423, %dot_general3A_439 {dimension_numbers = #tpu.dot_dimension_numbers<[1], [0], [0], [1], [0, 0, 1, 1], [], []>, transpose_lhs_hint = false} : vector<256x256xf32>, vector<256x256xf32>, vector<256x256xf32> -> vector<256x256xf32>
    %add3A_441 = arith.addf %dot_general3A_438, %dot_general3A_440 : vector<256x256xf32>
    %add3A_442 = vector.broadcast %get3A_379 : vector<256x1xf32> to vector<256x256xf32>
    %add3A_443 = arith.addf %add3A_441, %add3A_442 : vector<256x256xf32>
    %logistic3A_444 = arith.negf %add3A_443 : vector<256x256xf32>
    %logistic3A_445 = math.exp %logistic3A_444 : vector<256x256xf32>
    %logistic3A_446 = arith.constant 1.000000e+00 : f32
    %logistic3A_447 = vector.broadcast %logistic3A_446 : f32 to vector<256x256xf32>
    %logistic3A_448 = arith.addf %logistic3A_447, %logistic3A_445 : vector<256x256xf32>
    %logistic3A_449 = arith.divf %logistic3A_447, %logistic3A_448 : vector<256x256xf32>
    %dot_general3A_450 = arith.constant dense<0.000000e+00> : vector<256x256xf32>
    %dot_general3A_451 = tpu.matmul %get3A_370, %add3A_423, %dot_general3A_450 {dimension_numbers = #tpu.dot_dimension_numbers<[1], [0], [0], [1], [0, 0, 1, 1], [], []>, transpose_lhs_hint = false} : vector<256x256xf32>, vector<256x256xf32>, vector<256x256xf32> -> vector<256x256xf32>
    %mul3A_452 = arith.mulf %logistic3A_449, %add3A_423 : vector<256x256xf32>
    %dot_general3A_453 = arith.constant dense<0.000000e+00> : vector<256x256xf32>
    %dot_general3A_454 = tpu.matmul %get3A_373, %mul3A_452, %dot_general3A_453 {dimension_numbers = #tpu.dot_dimension_numbers<[1], [0], [0], [1], [0, 0, 1, 1], [], []>, transpose_lhs_hint = false} : vector<256x256xf32>, vector<256x256xf32>, vector<256x256xf32> -> vector<256x256xf32>
    %add3A_455 = arith.addf %dot_general3A_451, %dot_general3A_454 : vector<256x256xf32>
    %add3A_456 = vector.broadcast %get3A_382 : vector<256x1xf32> to vector<256x256xf32>
    %add3A_457 = arith.addf %add3A_455, %add3A_456 : vector<256x256xf32>
    %tanh3A_458 = math.tanh %add3A_457 : vector<256x256xf32>
    %sub3A_459 = arith.constant 1.000000e+00 : f32
    %sub3A_460 = vector.broadcast %sub3A_459 : f32 to vector<256x256xf32>
    %sub3A_461 = arith.subf %sub3A_460, %logistic3A_436 : vector<256x256xf32>
    %mul3A_462 = arith.mulf %sub3A_461, %add3A_423 : vector<256x256xf32>
    %mul3A_463 = arith.mulf %logistic3A_436, %tanh3A_458 : vector<256x256xf32>
    %add3A_464 = arith.addf %mul3A_462, %mul3A_463 : vector<256x256xf32>
    %dot_general3A_465 = arith.constant dense<0.000000e+00> : vector<256x256xf32>
    %dot_general3A_466 = tpu.matmul %get3A_358, %add3A_464, %dot_general3A_465 {dimension_numbers = #tpu.dot_dimension_numbers<[1], [0], [0], [1], [0, 0, 1, 1], [], []>, transpose_lhs_hint = false} : vector<256x256xf32>, vector<256x256xf32>, vector<256x256xf32> -> vector<256x256xf32>
    %dot_general3A_467 = arith.constant dense<0.000000e+00> : vector<256x256xf32>
    %dot_general3A_468 = tpu.matmul %get3A_361, %add3A_464, %dot_general3A_467 {dimension_numbers = #tpu.dot_dimension_numbers<[1], [0], [0], [1], [0, 0, 1, 1], [], []>, transpose_lhs_hint = false} : vector<256x256xf32>, vector<256x256xf32>, vector<256x256xf32> -> vector<256x256xf32>
    %add3A_469 = arith.addf %dot_general3A_466, %dot_general3A_468 : vector<256x256xf32>
    %add3A_470 = vector.broadcast %get3A_376 : vector<256x1xf32> to vector<256x256xf32>
    %add3A_471 = arith.addf %add3A_469, %add3A_470 : vector<256x256xf32>
    %logistic3A_472 = arith.negf %add3A_471 : vector<256x256xf32>
    %logistic3A_473 = math.exp %logistic3A_472 : vector<256x256xf32>
    %logistic3A_474 = arith.constant 1.000000e+00 : f32
    %logistic3A_475 = vector.broadcast %logistic3A_474 : f32 to vector<256x256xf32>
    %logistic3A_476 = arith.addf %logistic3A_475, %logistic3A_473 : vector<256x256xf32>
    %logistic3A_477 = arith.divf %logistic3A_475, %logistic3A_476 : vector<256x256xf32>
    %dot_general3A_478 = arith.constant dense<0.000000e+00> : vector<256x256xf32>
    %dot_general3A_479 = tpu.matmul %get3A_364, %add3A_464, %dot_general3A_478 {dimension_numbers = #tpu.dot_dimension_numbers<[1], [0], [0], [1], [0, 0, 1, 1], [], []>, transpose_lhs_hint = false} : vector<256x256xf32>, vector<256x256xf32>, vector<256x256xf32> -> vector<256x256xf32>
    %dot_general3A_480 = arith.constant dense<0.000000e+00> : vector<256x256xf32>
    %dot_general3A_481 = tpu.matmul %get3A_367, %add3A_464, %dot_general3A_480 {dimension_numbers = #tpu.dot_dimension_numbers<[1], [0], [0], [1], [0, 0, 1, 1], [], []>, transpose_lhs_hint = false} : vector<256x256xf32>, vector<256x256xf32>, vector<256x256xf32> -> vector<256x256xf32>
    %add3A_482 = arith.addf %dot_general3A_479, %dot_general3A_481 : vector<256x256xf32>
    %add3A_483 = vector.broadcast %get3A_379 : vector<256x1xf32> to vector<256x256xf32>
    %add3A_484 = arith.addf %add3A_482, %add3A_483 : vector<256x256xf32>
    %logistic3A_485 = arith.negf %add3A_484 : vector<256x256xf32>
    %logistic3A_486 = math.exp %logistic3A_485 : vector<256x256xf32>
    %logistic3A_487 = arith.constant 1.000000e+00 : f32
    %logistic3A_488 = vector.broadcast %logistic3A_487 : f32 to vector<256x256xf32>
    %logistic3A_489 = arith.addf %logistic3A_488, %logistic3A_486 : vector<256x256xf32>
    %logistic3A_490 = arith.divf %logistic3A_488, %logistic3A_489 : vector<256x256xf32>
    %dot_general3A_491 = arith.constant dense<0.000000e+00> : vector<256x256xf32>
    %dot_general3A_492 = tpu.matmul %get3A_370, %add3A_464, %dot_general3A_491 {dimension_numbers = #tpu.dot_dimension_numbers<[1], [0], [0], [1], [0, 0, 1, 1], [], []>, transpose_lhs_hint = false} : vector<256x256xf32>, vector<256x256xf32>, vector<256x256xf32> -> vector<256x256xf32>
    %mul3A_493 = arith.mulf %logistic3A_490, %add3A_464 : vector<256x256xf32>
    %dot_general3A_494 = arith.constant dense<0.000000e+00> : vector<256x256xf32>
    %dot_general3A_495 = tpu.matmul %get3A_373, %mul3A_493, %dot_general3A_494 {dimension_numbers = #tpu.dot_dimension_numbers<[1], [0], [0], [1], [0, 0, 1, 1], [], []>, transpose_lhs_hint = false} : vector<256x256xf32>, vector<256x256xf32>, vector<256x256xf32> -> vector<256x256xf32>
    %add3A_496 = arith.addf %dot_general3A_492, %dot_general3A_495 : vector<256x256xf32>
    %add3A_497 = vector.broadcast %get3A_382 : vector<256x1xf32> to vector<256x256xf32>
    %add3A_498 = arith.addf %add3A_496, %add3A_497 : vector<256x256xf32>
    %tanh3A_499 = math.tanh %add3A_498 : vector<256x256xf32>
    %sub3A_500 = arith.constant 1.000000e+00 : f32
    %sub3A_501 = vector.broadcast %sub3A_500 : f32 to vector<256x256xf32>
    %sub3A_502 = arith.subf %sub3A_501, %logistic3A_477 : vector<256x256xf32>
    %mul3A_503 = arith.mulf %sub3A_502, %add3A_464 : vector<256x256xf32>
    %mul3A_504 = arith.mulf %logistic3A_477, %tanh3A_499 : vector<256x256xf32>
    %add3A_505 = arith.addf %mul3A_503, %mul3A_504 : vector<256x256xf32>
    %dot_general3A_506 = arith.constant dense<0.000000e+00> : vector<256x256xf32>
    %dot_general3A_507 = tpu.matmul %get3A_358, %add3A_505, %dot_general3A_506 {dimension_numbers = #tpu.dot_dimension_numbers<[1], [0], [0], [1], [0, 0, 1, 1], [], []>, transpose_lhs_hint = false} : vector<256x256xf32>, vector<256x256xf32>, vector<256x256xf32> -> vector<256x256xf32>
    %dot_general3A_508 = arith.constant dense<0.000000e+00> : vector<256x256xf32>
    %dot_general3A_509 = tpu.matmul %get3A_361, %add3A_505, %dot_general3A_508 {dimension_numbers = #tpu.dot_dimension_numbers<[1], [0], [0], [1], [0, 0, 1, 1], [], []>, transpose_lhs_hint = false} : vector<256x256xf32>, vector<256x256xf32>, vector<256x256xf32> -> vector<256x256xf32>
    %add3A_510 = arith.addf %dot_general3A_507, %dot_general3A_509 : vector<256x256xf32>
    %add3A_511 = vector.broadcast %get3A_376 : vector<256x1xf32> to vector<256x256xf32>
    %add3A_512 = arith.addf %add3A_510, %add3A_511 : vector<256x256xf32>
    %logistic3A_513 = arith.negf %add3A_512 : vector<256x256xf32>
    %logistic3A_514 = math.exp %logistic3A_513 : vector<256x256xf32>
    %logistic3A_515 = arith.constant 1.000000e+00 : f32
    %logistic3A_516 = vector.broadcast %logistic3A_515 : f32 to vector<256x256xf32>
    %logistic3A_517 = arith.addf %logistic3A_516, %logistic3A_514 : vector<256x256xf32>
    %logistic3A_518 = arith.divf %logistic3A_516, %logistic3A_517 : vector<256x256xf32>
    %dot_general3A_519 = arith.constant dense<0.000000e+00> : vector<256x256xf32>
    %dot_general3A_520 = tpu.matmul %get3A_364, %add3A_505, %dot_general3A_519 {dimension_numbers = #tpu.dot_dimension_numbers<[1], [0], [0], [1], [0, 0, 1, 1], [], []>, transpose_lhs_hint = false} : vector<256x256xf32>, vector<256x256xf32>, vector<256x256xf32> -> vector<256x256xf32>
    %dot_general3A_521 = arith.constant dense<0.000000e+00> : vector<256x256xf32>
    %dot_general3A_522 = tpu.matmul %get3A_367, %add3A_505, %dot_general3A_521 {dimension_numbers = #tpu.dot_dimension_numbers<[1], [0], [0], [1], [0, 0, 1, 1], [], []>, transpose_lhs_hint = false} : vector<256x256xf32>, vector<256x256xf32>, vector<256x256xf32> -> vector<256x256xf32>
    %add3A_523 = arith.addf %dot_general3A_520, %dot_general3A_522 : vector<256x256xf32>
    %add3A_524 = vector.broadcast %get3A_379 : vector<256x1xf32> to vector<256x256xf32>
    %add3A_525 = arith.addf %add3A_523, %add3A_524 : vector<256x256xf32>
    %logistic3A_526 = arith.negf %add3A_525 : vector<256x256xf32>
    %logistic3A_527 = math.exp %logistic3A_526 : vector<256x256xf32>
    %logistic3A_528 = arith.constant 1.000000e+00 : f32
    %logistic3A_529 = vector.broadcast %logistic3A_528 : f32 to vector<256x256xf32>
    %logistic3A_530 = arith.addf %logistic3A_529, %logistic3A_527 : vector<256x256xf32>
    %logistic3A_531 = arith.divf %logistic3A_529, %logistic3A_530 : vector<256x256xf32>
    %dot_general3A_532 = arith.constant dense<0.000000e+00> : vector<256x256xf32>
    %dot_general3A_533 = tpu.matmul %get3A_370, %add3A_505, %dot_general3A_532 {dimension_numbers = #tpu.dot_dimension_numbers<[1], [0], [0], [1], [0, 0, 1, 1], [], []>, transpose_lhs_hint = false} : vector<256x256xf32>, vector<256x256xf32>, vector<256x256xf32> -> vector<256x256xf32>
    %mul3A_534 = arith.mulf %logistic3A_531, %add3A_505 : vector<256x256xf32>
    %dot_general3A_535 = arith.constant dense<0.000000e+00> : vector<256x256xf32>
    %dot_general3A_536 = tpu.matmul %get3A_373, %mul3A_534, %dot_general3A_535 {dimension_numbers = #tpu.dot_dimension_numbers<[1], [0], [0], [1], [0, 0, 1, 1], [], []>, transpose_lhs_hint = false} : vector<256x256xf32>, vector<256x256xf32>, vector<256x256xf32> -> vector<256x256xf32>
    %add3A_537 = arith.addf %dot_general3A_533, %dot_general3A_536 : vector<256x256xf32>
    %add3A_538 = vector.broadcast %get3A_382 : vector<256x1xf32> to vector<256x256xf32>
    %add3A_539 = arith.addf %add3A_537, %add3A_538 : vector<256x256xf32>
    %tanh3A_540 = math.tanh %add3A_539 : vector<256x256xf32>
    %sub3A_541 = arith.constant 1.000000e+00 : f32
    %sub3A_542 = vector.broadcast %sub3A_541 : f32 to vector<256x256xf32>
    %sub3A_543 = arith.subf %sub3A_542, %logistic3A_518 : vector<256x256xf32>
    %mul3A_544 = arith.mulf %sub3A_543, %add3A_505 : vector<256x256xf32>
    %mul3A_545 = arith.mulf %logistic3A_518, %tanh3A_540 : vector<256x256xf32>
    %add3A_546 = arith.addf %mul3A_544, %mul3A_545 : vector<256x256xf32>
    %dot_general3A_547 = arith.constant dense<0.000000e+00> : vector<256x256xf32>
    %dot_general3A_548 = tpu.matmul %get3A_358, %add3A_546, %dot_general3A_547 {dimension_numbers = #tpu.dot_dimension_numbers<[1], [0], [0], [1], [0, 0, 1, 1], [], []>, transpose_lhs_hint = false} : vector<256x256xf32>, vector<256x256xf32>, vector<256x256xf32> -> vector<256x256xf32>
    %dot_general3A_549 = arith.constant dense<0.000000e+00> : vector<256x256xf32>
    %dot_general3A_550 = tpu.matmul %get3A_361, %add3A_546, %dot_general3A_549 {dimension_numbers = #tpu.dot_dimension_numbers<[1], [0], [0], [1], [0, 0, 1, 1], [], []>, transpose_lhs_hint = false} : vector<256x256xf32>, vector<256x256xf32>, vector<256x256xf32> -> vector<256x256xf32>
    %add3A_551 = arith.addf %dot_general3A_548, %dot_general3A_550 : vector<256x256xf32>
    %add3A_552 = vector.broadcast %get3A_376 : vector<256x1xf32> to vector<256x256xf32>
    %add3A_553 = arith.addf %add3A_551, %add3A_552 : vector<256x256xf32>
    %logistic3A_554 = arith.negf %add3A_553 : vector<256x256xf32>
    %logistic3A_555 = math.exp %logistic3A_554 : vector<256x256xf32>
    %logistic3A_556 = arith.constant 1.000000e+00 : f32
    %logistic3A_557 = vector.broadcast %logistic3A_556 : f32 to vector<256x256xf32>
    %logistic3A_558 = arith.addf %logistic3A_557, %logistic3A_555 : vector<256x256xf32>
    %logistic3A_559 = arith.divf %logistic3A_557, %logistic3A_558 : vector<256x256xf32>
    %dot_general3A_560 = arith.constant dense<0.000000e+00> : vector<256x256xf32>
    %dot_general3A_561 = tpu.matmul %get3A_364, %add3A_546, %dot_general3A_560 {dimension_numbers = #tpu.dot_dimension_numbers<[1], [0], [0], [1], [0, 0, 1, 1], [], []>, transpose_lhs_hint = false} : vector<256x256xf32>, vector<256x256xf32>, vector<256x256xf32> -> vector<256x256xf32>
    %dot_general3A_562 = arith.constant dense<0.000000e+00> : vector<256x256xf32>
    %dot_general3A_563 = tpu.matmul %get3A_367, %add3A_546, %dot_general3A_562 {dimension_numbers = #tpu.dot_dimension_numbers<[1], [0], [0], [1], [0, 0, 1, 1], [], []>, transpose_lhs_hint = false} : vector<256x256xf32>, vector<256x256xf32>, vector<256x256xf32> -> vector<256x256xf32>
    %add3A_564 = arith.addf %dot_general3A_561, %dot_general3A_563 : vector<256x256xf32>
    %add3A_565 = vector.broadcast %get3A_379 : vector<256x1xf32> to vector<256x256xf32>
    %add3A_566 = arith.addf %add3A_564, %add3A_565 : vector<256x256xf32>
    %logistic3A_567 = arith.negf %add3A_566 : vector<256x256xf32>
    %logistic3A_568 = math.exp %logistic3A_567 : vector<256x256xf32>
    %logistic3A_569 = arith.constant 1.000000e+00 : f32
    %logistic3A_570 = vector.broadcast %logistic3A_569 : f32 to vector<256x256xf32>
    %logistic3A_571 = arith.addf %logistic3A_570, %logistic3A_568 : vector<256x256xf32>
    %logistic3A_572 = arith.divf %logistic3A_570, %logistic3A_571 : vector<256x256xf32>
    %dot_general3A_573 = arith.constant dense<0.000000e+00> : vector<256x256xf32>
    %dot_general3A_574 = tpu.matmul %get3A_370, %add3A_546, %dot_general3A_573 {dimension_numbers = #tpu.dot_dimension_numbers<[1], [0], [0], [1], [0, 0, 1, 1], [], []>, transpose_lhs_hint = false} : vector<256x256xf32>, vector<256x256xf32>, vector<256x256xf32> -> vector<256x256xf32>
    %mul3A_575 = arith.mulf %logistic3A_572, %add3A_546 : vector<256x256xf32>
    %dot_general3A_576 = arith.constant dense<0.000000e+00> : vector<256x256xf32>
    %dot_general3A_577 = tpu.matmul %get3A_373, %mul3A_575, %dot_general3A_576 {dimension_numbers = #tpu.dot_dimension_numbers<[1], [0], [0], [1], [0, 0, 1, 1], [], []>, transpose_lhs_hint = false} : vector<256x256xf32>, vector<256x256xf32>, vector<256x256xf32> -> vector<256x256xf32>
    %add3A_578 = arith.addf %dot_general3A_574, %dot_general3A_577 : vector<256x256xf32>
    %add3A_579 = vector.broadcast %get3A_382 : vector<256x1xf32> to vector<256x256xf32>
    %add3A_580 = arith.addf %add3A_578, %add3A_579 : vector<256x256xf32>
    %tanh3A_581 = math.tanh %add3A_580 : vector<256x256xf32>
    %sub3A_582 = arith.constant 1.000000e+00 : f32
    %sub3A_583 = vector.broadcast %sub3A_582 : f32 to vector<256x256xf32>
    %sub3A_584 = arith.subf %sub3A_583, %logistic3A_559 : vector<256x256xf32>
    %mul3A_585 = arith.mulf %sub3A_584, %add3A_546 : vector<256x256xf32>
    %mul3A_586 = arith.mulf %logistic3A_559, %tanh3A_581 : vector<256x256xf32>
    %add3A_587 = arith.addf %mul3A_585, %mul3A_586 : vector<256x256xf32>
    %dot_general3A_588 = arith.constant dense<0.000000e+00> : vector<256x256xf32>
    %dot_general3A_589 = tpu.matmul %get3A_358, %add3A_587, %dot_general3A_588 {dimension_numbers = #tpu.dot_dimension_numbers<[1], [0], [0], [1], [0, 0, 1, 1], [], []>, transpose_lhs_hint = false} : vector<256x256xf32>, vector<256x256xf32>, vector<256x256xf32> -> vector<256x256xf32>
    %dot_general3A_590 = arith.constant dense<0.000000e+00> : vector<256x256xf32>
    %dot_general3A_591 = tpu.matmul %get3A_361, %add3A_587, %dot_general3A_590 {dimension_numbers = #tpu.dot_dimension_numbers<[1], [0], [0], [1], [0, 0, 1, 1], [], []>, transpose_lhs_hint = false} : vector<256x256xf32>, vector<256x256xf32>, vector<256x256xf32> -> vector<256x256xf32>
    %add3A_592 = arith.addf %dot_general3A_589, %dot_general3A_591 : vector<256x256xf32>
    %add3A_593 = vector.broadcast %get3A_376 : vector<256x1xf32> to vector<256x256xf32>
    %add3A_594 = arith.addf %add3A_592, %add3A_593 : vector<256x256xf32>
    %logistic3A_595 = arith.negf %add3A_594 : vector<256x256xf32>
    %logistic3A_596 = math.exp %logistic3A_595 : vector<256x256xf32>
    %logistic3A_597 = arith.constant 1.000000e+00 : f32
    %logistic3A_598 = vector.broadcast %logistic3A_597 : f32 to vector<256x256xf32>
    %logistic3A_599 = arith.addf %logistic3A_598, %logistic3A_596 : vector<256x256xf32>
    %logistic3A_600 = arith.divf %logistic3A_598, %logistic3A_599 : vector<256x256xf32>
    %dot_general3A_601 = arith.constant dense<0.000000e+00> : vector<256x256xf32>
    %dot_general3A_602 = tpu.matmul %get3A_364, %add3A_587, %dot_general3A_601 {dimension_numbers = #tpu.dot_dimension_numbers<[1], [0], [0], [1], [0, 0, 1, 1], [], []>, transpose_lhs_hint = false} : vector<256x256xf32>, vector<256x256xf32>, vector<256x256xf32> -> vector<256x256xf32>
    %dot_general3A_603 = arith.constant dense<0.000000e+00> : vector<256x256xf32>
    %dot_general3A_604 = tpu.matmul %get3A_367, %add3A_587, %dot_general3A_603 {dimension_numbers = #tpu.dot_dimension_numbers<[1], [0], [0], [1], [0, 0, 1, 1], [], []>, transpose_lhs_hint = false} : vector<256x256xf32>, vector<256x256xf32>, vector<256x256xf32> -> vector<256x256xf32>
    %add3A_605 = arith.addf %dot_general3A_602, %dot_general3A_604 : vector<256x256xf32>
    %add3A_606 = vector.broadcast %get3A_379 : vector<256x1xf32> to vector<256x256xf32>
    %add3A_607 = arith.addf %add3A_605, %add3A_606 : vector<256x256xf32>
    %logistic3A_608 = arith.negf %add3A_607 : vector<256x256xf32>
    %logistic3A_609 = math.exp %logistic3A_608 : vector<256x256xf32>
    %logistic3A_610 = arith.constant 1.000000e+00 : f32
    %logistic3A_611 = vector.broadcast %logistic3A_610 : f32 to vector<256x256xf32>
    %logistic3A_612 = arith.addf %logistic3A_611, %logistic3A_609 : vector<256x256xf32>
    %logistic3A_613 = arith.divf %logistic3A_611, %logistic3A_612 : vector<256x256xf32>
    %dot_general3A_614 = arith.constant dense<0.000000e+00> : vector<256x256xf32>
    %dot_general3A_615 = tpu.matmul %get3A_370, %add3A_587, %dot_general3A_614 {dimension_numbers = #tpu.dot_dimension_numbers<[1], [0], [0], [1], [0, 0, 1, 1], [], []>, transpose_lhs_hint = false} : vector<256x256xf32>, vector<256x256xf32>, vector<256x256xf32> -> vector<256x256xf32>
    %mul3A_616 = arith.mulf %logistic3A_613, %add3A_587 : vector<256x256xf32>
    %dot_general3A_617 = arith.constant dense<0.000000e+00> : vector<256x256xf32>
    %dot_general3A_618 = tpu.matmul %get3A_373, %mul3A_616, %dot_general3A_617 {dimension_numbers = #tpu.dot_dimension_numbers<[1], [0], [0], [1], [0, 0, 1, 1], [], []>, transpose_lhs_hint = false} : vector<256x256xf32>, vector<256x256xf32>, vector<256x256xf32> -> vector<256x256xf32>
    %add3A_619 = arith.addf %dot_general3A_615, %dot_general3A_618 : vector<256x256xf32>
    %add3A_620 = vector.broadcast %get3A_382 : vector<256x1xf32> to vector<256x256xf32>
    %add3A_621 = arith.addf %add3A_619, %add3A_620 : vector<256x256xf32>
    %tanh3A_622 = math.tanh %add3A_621 : vector<256x256xf32>
    %sub3A_623 = arith.constant 1.000000e+00 : f32
    %sub3A_624 = vector.broadcast %sub3A_623 : f32 to vector<256x256xf32>
    %sub3A_625 = arith.subf %sub3A_624, %logistic3A_600 : vector<256x256xf32>
    %mul3A_626 = arith.mulf %sub3A_625, %add3A_587 : vector<256x256xf32>
    %mul3A_627 = arith.mulf %logistic3A_600, %tanh3A_622 : vector<256x256xf32>
    %add3A_628 = arith.addf %mul3A_626, %mul3A_627 : vector<256x256xf32>
    %dot_general3A_629 = arith.constant dense<0.000000e+00> : vector<256x256xf32>
    %dot_general3A_630 = tpu.matmul %get3A_358, %add3A_628, %dot_general3A_629 {dimension_numbers = #tpu.dot_dimension_numbers<[1], [0], [0], [1], [0, 0, 1, 1], [], []>, transpose_lhs_hint = false} : vector<256x256xf32>, vector<256x256xf32>, vector<256x256xf32> -> vector<256x256xf32>
    %dot_general3A_631 = arith.constant dense<0.000000e+00> : vector<256x256xf32>
    %dot_general3A_632 = tpu.matmul %get3A_361, %add3A_628, %dot_general3A_631 {dimension_numbers = #tpu.dot_dimension_numbers<[1], [0], [0], [1], [0, 0, 1, 1], [], []>, transpose_lhs_hint = false} : vector<256x256xf32>, vector<256x256xf32>, vector<256x256xf32> -> vector<256x256xf32>
    %add3A_633 = arith.addf %dot_general3A_630, %dot_general3A_632 : vector<256x256xf32>
    %add3A_634 = vector.broadcast %get3A_376 : vector<256x1xf32> to vector<256x256xf32>
    %add3A_635 = arith.addf %add3A_633, %add3A_634 : vector<256x256xf32>
    %logistic3A_636 = arith.negf %add3A_635 : vector<256x256xf32>
    %logistic3A_637 = math.exp %logistic3A_636 : vector<256x256xf32>
    %logistic3A_638 = arith.constant 1.000000e+00 : f32
    %logistic3A_639 = vector.broadcast %logistic3A_638 : f32 to vector<256x256xf32>
    %logistic3A_640 = arith.addf %logistic3A_639, %logistic3A_637 : vector<256x256xf32>
    %logistic3A_641 = arith.divf %logistic3A_639, %logistic3A_640 : vector<256x256xf32>
    %dot_general3A_642 = arith.constant dense<0.000000e+00> : vector<256x256xf32>
    %dot_general3A_643 = tpu.matmul %get3A_364, %add3A_628, %dot_general3A_642 {dimension_numbers = #tpu.dot_dimension_numbers<[1], [0], [0], [1], [0, 0, 1, 1], [], []>, transpose_lhs_hint = false} : vector<256x256xf32>, vector<256x256xf32>, vector<256x256xf32> -> vector<256x256xf32>
    %dot_general3A_644 = arith.constant dense<0.000000e+00> : vector<256x256xf32>
    %dot_general3A_645 = tpu.matmul %get3A_367, %add3A_628, %dot_general3A_644 {dimension_numbers = #tpu.dot_dimension_numbers<[1], [0], [0], [1], [0, 0, 1, 1], [], []>, transpose_lhs_hint = false} : vector<256x256xf32>, vector<256x256xf32>, vector<256x256xf32> -> vector<256x256xf32>
    %add3A_646 = arith.addf %dot_general3A_643, %dot_general3A_645 : vector<256x256xf32>
    %add3A_647 = vector.broadcast %get3A_379 : vector<256x1xf32> to vector<256x256xf32>
    %add3A_648 = arith.addf %add3A_646, %add3A_647 : vector<256x256xf32>
    %logistic3A_649 = arith.negf %add3A_648 : vector<256x256xf32>
    %logistic3A_650 = math.exp %logistic3A_649 : vector<256x256xf32>
    %logistic3A_651 = arith.constant 1.000000e+00 : f32
    %logistic3A_652 = vector.broadcast %logistic3A_651 : f32 to vector<256x256xf32>
    %logistic3A_653 = arith.addf %logistic3A_652, %logistic3A_650 : vector<256x256xf32>
    %logistic3A_654 = arith.divf %logistic3A_652, %logistic3A_653 : vector<256x256xf32>
    %dot_general3A_655 = arith.constant dense<0.000000e+00> : vector<256x256xf32>
    %dot_general3A_656 = tpu.matmul %get3A_370, %add3A_628, %dot_general3A_655 {dimension_numbers = #tpu.dot_dimension_numbers<[1], [0], [0], [1], [0, 0, 1, 1], [], []>, transpose_lhs_hint = false} : vector<256x256xf32>, vector<256x256xf32>, vector<256x256xf32> -> vector<256x256xf32>
    %mul3A_657 = arith.mulf %logistic3A_654, %add3A_628 : vector<256x256xf32>
    %dot_general3A_658 = arith.constant dense<0.000000e+00> : vector<256x256xf32>
    %dot_general3A_659 = tpu.matmul %get3A_373, %mul3A_657, %dot_general3A_658 {dimension_numbers = #tpu.dot_dimension_numbers<[1], [0], [0], [1], [0, 0, 1, 1], [], []>, transpose_lhs_hint = false} : vector<256x256xf32>, vector<256x256xf32>, vector<256x256xf32> -> vector<256x256xf32>
    %add3A_660 = arith.addf %dot_general3A_656, %dot_general3A_659 : vector<256x256xf32>
    %add3A_661 = vector.broadcast %get3A_382 : vector<256x1xf32> to vector<256x256xf32>
    %add3A_662 = arith.addf %add3A_660, %add3A_661 : vector<256x256xf32>
    %tanh3A_663 = math.tanh %add3A_662 : vector<256x256xf32>
    %sub3A_664 = arith.constant 1.000000e+00 : f32
    %sub3A_665 = vector.broadcast %sub3A_664 : f32 to vector<256x256xf32>
    %sub3A_666 = arith.subf %sub3A_665, %logistic3A_641 : vector<256x256xf32>
    %mul3A_667 = arith.mulf %sub3A_666, %add3A_628 : vector<256x256xf32>
    %mul3A_668 = arith.mulf %logistic3A_641, %tanh3A_663 : vector<256x256xf32>
    %add3A_669 = arith.addf %mul3A_667, %mul3A_668 : vector<256x256xf32>
    %dot_general3A_670 = arith.constant dense<0.000000e+00> : vector<256x256xf32>
    %dot_general3A_671 = tpu.matmul %get3A_358, %add3A_669, %dot_general3A_670 {dimension_numbers = #tpu.dot_dimension_numbers<[1], [0], [0], [1], [0, 0, 1, 1], [], []>, transpose_lhs_hint = false} : vector<256x256xf32>, vector<256x256xf32>, vector<256x256xf32> -> vector<256x256xf32>
    %dot_general3A_672 = arith.constant dense<0.000000e+00> : vector<256x256xf32>
    %dot_general3A_673 = tpu.matmul %get3A_361, %add3A_669, %dot_general3A_672 {dimension_numbers = #tpu.dot_dimension_numbers<[1], [0], [0], [1], [0, 0, 1, 1], [], []>, transpose_lhs_hint = false} : vector<256x256xf32>, vector<256x256xf32>, vector<256x256xf32> -> vector<256x256xf32>
    %add3A_674 = arith.addf %dot_general3A_671, %dot_general3A_673 : vector<256x256xf32>
    %add3A_675 = vector.broadcast %get3A_376 : vector<256x1xf32> to vector<256x256xf32>
    %add3A_676 = arith.addf %add3A_674, %add3A_675 : vector<256x256xf32>
    %logistic3A_677 = arith.negf %add3A_676 : vector<256x256xf32>
    %logistic3A_678 = math.exp %logistic3A_677 : vector<256x256xf32>
    %logistic3A_679 = arith.constant 1.000000e+00 : f32
    %logistic3A_680 = vector.broadcast %logistic3A_679 : f32 to vector<256x256xf32>
    %logistic3A_681 = arith.addf %logistic3A_680, %logistic3A_678 : vector<256x256xf32>
    %logistic3A_682 = arith.divf %logistic3A_680, %logistic3A_681 : vector<256x256xf32>
    %dot_general3A_683 = arith.constant dense<0.000000e+00> : vector<256x256xf32>
    %dot_general3A_684 = tpu.matmul %get3A_364, %add3A_669, %dot_general3A_683 {dimension_numbers = #tpu.dot_dimension_numbers<[1], [0], [0], [1], [0, 0, 1, 1], [], []>, transpose_lhs_hint = false} : vector<256x256xf32>, vector<256x256xf32>, vector<256x256xf32> -> vector<256x256xf32>
    %dot_general3A_685 = arith.constant dense<0.000000e+00> : vector<256x256xf32>
    %dot_general3A_686 = tpu.matmul %get3A_367, %add3A_669, %dot_general3A_685 {dimension_numbers = #tpu.dot_dimension_numbers<[1], [0], [0], [1], [0, 0, 1, 1], [], []>, transpose_lhs_hint = false} : vector<256x256xf32>, vector<256x256xf32>, vector<256x256xf32> -> vector<256x256xf32>
    %add3A_687 = arith.addf %dot_general3A_684, %dot_general3A_686 : vector<256x256xf32>
    %add3A_688 = vector.broadcast %get3A_379 : vector<256x1xf32> to vector<256x256xf32>
    %add3A_689 = arith.addf %add3A_687, %add3A_688 : vector<256x256xf32>
    %logistic3A_690 = arith.negf %add3A_689 : vector<256x256xf32>
    %logistic3A_691 = math.exp %logistic3A_690 : vector<256x256xf32>
    %logistic3A_692 = arith.constant 1.000000e+00 : f32
    %logistic3A_693 = vector.broadcast %logistic3A_692 : f32 to vector<256x256xf32>
    %logistic3A_694 = arith.addf %logistic3A_693, %logistic3A_691 : vector<256x256xf32>
    %logistic3A_695 = arith.divf %logistic3A_693, %logistic3A_694 : vector<256x256xf32>
    %dot_general3A_696 = arith.constant dense<0.000000e+00> : vector<256x256xf32>
    %dot_general3A_697 = tpu.matmul %get3A_370, %add3A_669, %dot_general3A_696 {dimension_numbers = #tpu.dot_dimension_numbers<[1], [0], [0], [1], [0, 0, 1, 1], [], []>, transpose_lhs_hint = false} : vector<256x256xf32>, vector<256x256xf32>, vector<256x256xf32> -> vector<256x256xf32>
    %mul3A_698 = arith.mulf %logistic3A_695, %add3A_669 : vector<256x256xf32>
    %dot_general3A_699 = arith.constant dense<0.000000e+00> : vector<256x256xf32>
    %dot_general3A_700 = tpu.matmul %get3A_373, %mul3A_698, %dot_general3A_699 {dimension_numbers = #tpu.dot_dimension_numbers<[1], [0], [0], [1], [0, 0, 1, 1], [], []>, transpose_lhs_hint = false} : vector<256x256xf32>, vector<256x256xf32>, vector<256x256xf32> -> vector<256x256xf32>
    %add3A_701 = arith.addf %dot_general3A_697, %dot_general3A_700 : vector<256x256xf32>
    %add3A_702 = vector.broadcast %get3A_382 : vector<256x1xf32> to vector<256x256xf32>
    %add3A_703 = arith.addf %add3A_701, %add3A_702 : vector<256x256xf32>
    %tanh3A_704 = math.tanh %add3A_703 : vector<256x256xf32>
    %sub3A_705 = arith.constant 1.000000e+00 : f32
    %sub3A_706 = vector.broadcast %sub3A_705 : f32 to vector<256x256xf32>
    %sub3A_707 = arith.subf %sub3A_706, %logistic3A_682 : vector<256x256xf32>
    %mul3A_708 = arith.mulf %sub3A_707, %add3A_669 : vector<256x256xf32>
    %mul3A_709 = arith.mulf %logistic3A_682, %tanh3A_704 : vector<256x256xf32>
    %add3A_710 = arith.addf %mul3A_708, %mul3A_709 : vector<256x256xf32>
    %swap3A_711 = arith.constant 0 : index
    %swap3A_712 = arith.constant 0 : index
    %swap3A_713 = vector.load %arg21[%swap3A_711, %swap3A_712] : memref<256x256xf32, #tpu.memory_space<vmem>>, vector<256x256xf32>
    tpu.vector_store %arg21[%swap3A_711, %swap3A_712], %add3A_710 {strides = array<i32>} : memref<256x256xf32, #tpu.memory_space<vmem>>, vector<256x256xf32>,
    return
  }
}

module attributes {stable_mosaic.version = 14 : i64} {
  func.func @_stage_b_body(%arg0: i32, %arg1: i32, %arg2: memref<2x1000x128xf32, #tpu.memory_space<vmem>>, %arg3: memref<2x1000x128xf32, #tpu.memory_space<vmem>>, %arg4: memref<256x128xf32, #tpu.memory_space<vmem>>, %arg5: memref<2x1000x1xf32, #tpu.memory_space<vmem>>, %arg6: memref<1x1000x128xf32, #tpu.memory_space<vmem>>) attributes {dimension_semantics = [#tpu.dimension_semantics<arbitrary>, #tpu.dimension_semantics<arbitrary>], iteration_bounds = array<i64: 10, 2>, scalar_prefetch = 0 : i64, scratch_operands = 0 : i64, tpu.core_type = #tpu.core_type<tc>, window_params = [{transform_indices = @transform_0, window_bounds = array<i64: 2, 1000, 128>}, {transform_indices = @transform_1, window_bounds = array<i64: 2, 1000, 128>}, {transform_indices = @transform_2, window_bounds = array<i64: 256, 128>}, {transform_indices = @transform_3, window_bounds = array<i64: 2, 1000, 1>}, {transform_indices = @transform_4, window_bounds = array<i64: 1, 1000, 128>}]} {
    %get3A = arith.constant 0 : index
    %get3A_0 = arith.constant 0 : index
    %get3A_1 = arith.constant 0 : index
    %get3A_2 = vector.load %arg5[%get3A, %get3A_0, %get3A_1] : memref<2x1000x1xf32, #tpu.memory_space<vmem>>, vector<1x1000x1xf32>
    %get3A_3 = vector.shape_cast %get3A_2 : vector<1x1000x1xf32> to vector<1000x1xf32>
    %get3A_4 = arith.constant 1 : index
    %get3A_5 = arith.constant 0 : index
    %get3A_6 = arith.constant 0 : index
    %get3A_7 = vector.load %arg5[%get3A_4, %get3A_5, %get3A_6] : memref<2x1000x1xf32, #tpu.memory_space<vmem>>, vector<1x1000x1xf32>
    %get3A_8 = vector.shape_cast %get3A_7 : vector<1x1000x1xf32> to vector<1000x1xf32>
    %add3A = arith.addf %get3A_3, %get3A_8 : vector<1000x1xf32>
    %add3A_9 = arith.constant 1.000000e+00 : f32
    %add3A_10 = vector.broadcast %add3A_9 : f32 to vector<1000x1xf32>
    %add3A_11 = arith.addf %add3A, %add3A_10 : vector<1000x1xf32>
    %max3A = arith.constant 1.000000e+00 : f32
    %max3A_12 = vector.broadcast %max3A : f32 to vector<1000x1xf32>
    %max3A_13 = arith.maximumf %add3A_11, %max3A_12 : vector<1000x1xf32>
    %rsqrt3A = math.rsqrt %max3A_13 : vector<1000x1xf32>
    %get3A_14 = arith.constant 0 : index
    %get3A_15 = arith.constant 0 : index
    %get3A_16 = arith.constant 0 : index
    %get3A_17 = vector.load %arg2[%get3A_14, %get3A_15, %get3A_16] : memref<2x1000x128xf32, #tpu.memory_space<vmem>>, vector<1x1000x128xf32>
    %get3A_18 = vector.shape_cast %get3A_17 : vector<1x1000x128xf32> to vector<1000x128xf32>
    %get3A_19 = arith.constant 0 : index
    %get3A_20 = arith.constant 0 : index
    %get3A_21 = arith.constant 0 : index
    %get3A_22 = vector.load %arg3[%get3A_19, %get3A_20, %get3A_21] : memref<2x1000x128xf32, #tpu.memory_space<vmem>>, vector<1x1000x128xf32>
    %get3A_23 = vector.shape_cast %get3A_22 : vector<1x1000x128xf32> to vector<1000x128xf32>
    %add3A_24 = arith.addf %get3A_18, %get3A_23 : vector<1000x128xf32>
    %mul3A = vector.broadcast %rsqrt3A : vector<1000x1xf32> to vector<1000x128xf32>
    %mul3A_25 = arith.mulf %mul3A, %add3A_24 : vector<1000x128xf32>
    %max3A_26 = arith.constant 0.000000e+00 : f32
    %max3A_27 = vector.broadcast %max3A_26 : f32 to vector<1000x128xf32>
    %max3A_28 = arith.maximumf %mul3A_25, %max3A_27 : vector<1000x128xf32>
    %get3A_29 = arith.constant 1 : index
    %get3A_30 = arith.constant 0 : index
    %get3A_31 = arith.constant 0 : index
    %get3A_32 = vector.load %arg2[%get3A_29, %get3A_30, %get3A_31] : memref<2x1000x128xf32, #tpu.memory_space<vmem>>, vector<1x1000x128xf32>
    %get3A_33 = vector.shape_cast %get3A_32 : vector<1x1000x128xf32> to vector<1000x128xf32>
    %get3A_34 = arith.constant 1 : index
    %get3A_35 = arith.constant 0 : index
    %get3A_36 = arith.constant 0 : index
    %get3A_37 = vector.load %arg3[%get3A_34, %get3A_35, %get3A_36] : memref<2x1000x128xf32, #tpu.memory_space<vmem>>, vector<1x1000x128xf32>
    %get3A_38 = vector.shape_cast %get3A_37 : vector<1x1000x128xf32> to vector<1000x128xf32>
    %add3A_39 = arith.addf %get3A_33, %get3A_38 : vector<1000x128xf32>
    %mul3A_40 = vector.broadcast %rsqrt3A : vector<1000x1xf32> to vector<1000x128xf32>
    %mul3A_41 = arith.mulf %mul3A_40, %add3A_39 : vector<1000x128xf32>
    %max3A_42 = arith.constant 0.000000e+00 : f32
    %max3A_43 = vector.broadcast %max3A_42 : f32 to vector<1000x128xf32>
    %max3A_44 = arith.maximumf %mul3A_41, %max3A_43 : vector<1000x128xf32>
    %get3A_45 = arith.constant 0 : index
    %get3A_46 = arith.constant 0 : index
    %get3A_47 = vector.load %arg4[%get3A_45, %get3A_46] : memref<256x128xf32, #tpu.memory_space<vmem>>, vector<128x128xf32>
    %dot_general3A = arith.constant dense<0.000000e+00> : vector<1000x128xf32>
    %dot_general3A_48 = tpu.matmul %max3A_28, %get3A_47, %dot_general3A {dimension_numbers = #tpu.dot_dimension_numbers<[1], [0], [0], [1], [0, 0, 1, 1], [], []>, transpose_lhs_hint = false} : vector<1000x128xf32>, vector<128x128xf32>, vector<1000x128xf32> -> vector<1000x128xf32>
    %get3A_49 = arith.constant 128 : index
    %get3A_50 = arith.constant 0 : index
    %get3A_51 = vector.load %arg4[%get3A_49, %get3A_50] : memref<256x128xf32, #tpu.memory_space<vmem>>, vector<128x128xf32>
    %dot_general3A_52 = arith.constant dense<0.000000e+00> : vector<1000x128xf32>
    %dot_general3A_53 = tpu.matmul %max3A_44, %get3A_51, %dot_general3A_52 {dimension_numbers = #tpu.dot_dimension_numbers<[1], [0], [0], [1], [0, 0, 1, 1], [], []>, transpose_lhs_hint = false} : vector<1000x128xf32>, vector<128x128xf32>, vector<1000x128xf32> -> vector<1000x128xf32>
    %add3A_54 = arith.addf %dot_general3A_48, %dot_general3A_53 : vector<1000x128xf32>
    %mul3A_55 = vector.broadcast %rsqrt3A : vector<1000x1xf32> to vector<1000x128xf32>
    %mul3A_56 = arith.mulf %add3A_54, %mul3A_55 : vector<1000x128xf32>
    %swap3A = arith.constant 0 : index
    %swap3A_57 = arith.constant 0 : index
    %swap3A_58 = arith.constant 0 : index
    %swap3A_59 = vector.load %arg6[%swap3A, %swap3A_57, %swap3A_58] : memref<1x1000x128xf32, #tpu.memory_space<vmem>>, vector<1x1000x128xf32>
    %swap3A_60 = vector.shape_cast %swap3A_59 : vector<1x1000x128xf32> to vector<1000x128xf32>
    %swap3A_61 = vector.shape_cast %mul3A_56 : vector<1000x128xf32> to vector<1x1000x128xf32>
    tpu.vector_store %arg6[%swap3A, %swap3A_57, %swap3A_58], %swap3A_61 {strides = array<i32>} : memref<1x1000x128xf32, #tpu.memory_space<vmem>>, vector<1x1000x128xf32>,
    return
  }
  func.func @transform_0(%arg0: i32, %arg1: i32) -> (i32, i32, i32) {
    %c0_i32 = arith.constant 0 : i32
    %c0_i32_0 = arith.constant 0 : i32
    %c0_i32_1 = arith.constant 0 : i32
    return %c0_i32, %arg0, %c0_i32_0 : i32, i32, i32
  }
  func.func @transform_1(%arg0: i32, %arg1: i32) -> (i32, i32, i32) {
    %c0_i32 = arith.constant 0 : i32
    %c0_i32_0 = arith.constant 0 : i32
    %c0_i32_1 = arith.constant 0 : i32
    return %c0_i32, %arg0, %c0_i32_0 : i32, i32, i32
  }
  func.func @transform_2(%arg0: i32, %arg1: i32) -> (i32, i32) {
    %c0_i32 = arith.constant 0 : i32
    %c0_i32_0 = arith.constant 0 : i32
    return %c0_i32, %arg1 : i32, i32
  }
  func.func @transform_3(%arg0: i32, %arg1: i32) -> (i32, i32, i32) {
    %c0_i32 = arith.constant 0 : i32
    %c0_i32_0 = arith.constant 0 : i32
    %c0_i32_1 = arith.constant 0 : i32
    return %c0_i32, %arg0, %c0_i32_0 : i32, i32, i32
  }
  func.func @transform_4(%arg0: i32, %arg1: i32) -> (i32, i32, i32) {
    %c0_i32 = arith.constant 0 : i32
    %c0_i32_0 = arith.constant 0 : i32
    return %arg1, %arg0, %c0_i32 : i32, i32, i32
  }
}

module attributes {stable_mosaic.version = 14 : i64} {
  func.func @_stage_c_body(%arg0: i32, %arg1: i32, %arg2: memref<1x1000x128xf32, #tpu.memory_space<vmem>>, %arg3: memref<1x1000x128xf32, #tpu.memory_space<vmem>>, %arg4: memref<2x1000x1xf32, #tpu.memory_space<vmem>>, %arg5: memref<1000x128xf32, #tpu.memory_space<vmem>>) attributes {dimension_semantics = [#tpu.dimension_semantics<arbitrary>, #tpu.dimension_semantics<arbitrary>], iteration_bounds = array<i64: 10, 2>, scalar_prefetch = 0 : i64, scratch_operands = 0 : i64, tpu.core_type = #tpu.core_type<tc>, window_params = [{transform_indices = @transform_0, window_bounds = array<i64: 1, 1000, 128>}, {transform_indices = @transform_1, window_bounds = array<i64: 1, 1000, 128>}, {transform_indices = @transform_2, window_bounds = array<i64: 2, 1000, 1>}, {transform_indices = @transform_3, window_bounds = array<i64: 1000, 128>}]} {
    %get3A = arith.constant 0 : index
    %get3A_0 = arith.constant 0 : index
    %get3A_1 = arith.constant 0 : index
    %get3A_2 = vector.load %arg4[%get3A, %get3A_0, %get3A_1] : memref<2x1000x1xf32, #tpu.memory_space<vmem>>, vector<1x1000x1xf32>
    %get3A_3 = vector.shape_cast %get3A_2 : vector<1x1000x1xf32> to vector<1000x1xf32>
    %get3A_4 = arith.constant 1 : index
    %get3A_5 = arith.constant 0 : index
    %get3A_6 = arith.constant 0 : index
    %get3A_7 = vector.load %arg4[%get3A_4, %get3A_5, %get3A_6] : memref<2x1000x1xf32, #tpu.memory_space<vmem>>, vector<1x1000x1xf32>
    %get3A_8 = vector.shape_cast %get3A_7 : vector<1x1000x1xf32> to vector<1000x1xf32>
    %add3A = arith.addf %get3A_3, %get3A_8 : vector<1000x1xf32>
    %add3A_9 = arith.constant 1.000000e+00 : f32
    %add3A_10 = vector.broadcast %add3A_9 : f32 to vector<1000x1xf32>
    %add3A_11 = arith.addf %add3A, %add3A_10 : vector<1000x1xf32>
    %max3A = arith.constant 1.000000e+00 : f32
    %max3A_12 = vector.broadcast %max3A : f32 to vector<1000x1xf32>
    %max3A_13 = arith.maximumf %add3A_11, %max3A_12 : vector<1000x1xf32>
    %rsqrt3A = math.rsqrt %max3A_13 : vector<1000x1xf32>
    %get3A_14 = arith.constant 0 : index
    %get3A_15 = arith.constant 0 : index
    %get3A_16 = arith.constant 0 : index
    %get3A_17 = vector.load %arg2[%get3A_14, %get3A_15, %get3A_16] : memref<1x1000x128xf32, #tpu.memory_space<vmem>>, vector<1x1000x128xf32>
    %get3A_18 = vector.shape_cast %get3A_17 : vector<1x1000x128xf32> to vector<1000x128xf32>
    %get3A_19 = arith.constant 0 : index
    %get3A_20 = arith.constant 0 : index
    %get3A_21 = arith.constant 0 : index
    %get3A_22 = vector.load %arg3[%get3A_19, %get3A_20, %get3A_21] : memref<1x1000x128xf32, #tpu.memory_space<vmem>>, vector<1x1000x128xf32>
    %get3A_23 = vector.shape_cast %get3A_22 : vector<1x1000x128xf32> to vector<1000x128xf32>
    %add3A_24 = arith.addf %get3A_18, %get3A_23 : vector<1000x128xf32>
    %mul3A = vector.broadcast %rsqrt3A : vector<1000x1xf32> to vector<1000x128xf32>
    %mul3A_25 = arith.mulf %mul3A, %add3A_24 : vector<1000x128xf32>
    %max3A_26 = arith.constant 0.000000e+00 : f32
    %max3A_27 = vector.broadcast %max3A_26 : f32 to vector<1000x128xf32>
    %max3A_28 = arith.maximumf %mul3A_25, %max3A_27 : vector<1000x128xf32>
    %swap3A = arith.constant 0 : index
    %swap3A_29 = arith.constant 0 : index
    %swap3A_30 = vector.load %arg5[%swap3A, %swap3A_29] : memref<1000x128xf32, #tpu.memory_space<vmem>>, vector<1000x128xf32>
    tpu.vector_store %arg5[%swap3A, %swap3A_29], %max3A_28 {strides = array<i32>} : memref<1000x128xf32, #tpu.memory_space<vmem>>, vector<1000x128xf32>,
    return
  }
  func.func @transform_0(%arg0: i32, %arg1: i32) -> (i32, i32, i32) {
    %c0_i32 = arith.constant 0 : i32
    %c0_i32_0 = arith.constant 0 : i32
    return %arg1, %arg0, %c0_i32 : i32, i32, i32
  }
  func.func @transform_1(%arg0: i32, %arg1: i32) -> (i32, i32, i32) {
    %c0_i32 = arith.constant 0 : i32
    %c0_i32_0 = arith.constant 0 : i32
    return %arg1, %arg0, %c0_i32 : i32, i32, i32
  }
  func.func @transform_2(%arg0: i32, %arg1: i32) -> (i32, i32, i32) {
    %c0_i32 = arith.constant 0 : i32
    %c0_i32_0 = arith.constant 0 : i32
    %c0_i32_1 = arith.constant 0 : i32
    return %c0_i32, %arg0, %c0_i32_0 : i32, i32, i32
  }
  func.func @transform_3(%arg0: i32, %arg1: i32) -> (i32, i32) {
    %c0_i32 = arith.constant 0 : i32
    return %arg0, %arg1 : i32, i32
  }
}

</mosaic_0001>

<sc_bundles>
// kernel: kernel.12.cloned.1.call-start
scs
__scs_entry_jumppad:
0x0: {  	(pc) =	sbr.rel $0x88, $3  }
0x1: {  	(tag) =	ssettag $0x0;
	lr =	simm.s32 $0x1  }
0x2: {  	[smem:$0x3F8B] =	sst lr;
	_ =	strace $0xD0000000  }
0x3: {  	_ = 	snop  }
0x4: {  	_ = 	snop  }
0x5: {  	_ = 	snop  }
0x6: {  	_ = 	snop  }
0x7: {  	_ = 	snop  }
__scs_overlays_trampoline_lowered:
0x8: {  	[smem:$0x3F9A] =	sst s0  }
0x9: {  	[smem:$0x3F9B] =	sst s1  }
0xa: {  	[smem:$0x3F9C] =	sst s2  }
0xb: {  	[smem:$0x3F9D] =	sst s3  }
0xc: {  	[smem:$0x3F9E] =	sst s4  }
0xd: {  	[smem:$0x3F9F] =	sst s5  }
0xe: {  	[smem:$0x3FA0] =	sst s6  }
0xf: {  	[smem:$0x3FA1] =	sst s7  }
0x10: {  	[smem:$0x3FA2] =	sst s8  }
0x11: {  	[smem:$0x3FA3] =	sst s9;
	s0 =	simm.s32 @!p0 $0x0  }
0x12: {  	s1 =	sld [smem:$0x3F89];
	s0 =	simm.s32 @p0 $0x1  }
0x13: {  	[smem:$0x3FA4] =	sst s0;
	s0 =	simm.s32 @!p1 $0x0  }
0x14: {  	s2 =	sld [smem:$0x3F88];
	s0 =	simm.s32 @p1 $0x1  }
0x15: {  	[smem:$0x3FA5] =	sst s0;
	s0 =	simm.s32 @!p2 $0x0  }
0x16: {  	s3 =	sld [smem:$0x3FDB];
	s0 =	simm.s32 @p2 $0x1  }
0x17: {  	s4 =	simm.s32 $0x1BF5;
	[smem:$0x3FA7] =	sst s0  }
0x18: {  	s0 =	sld [smem:$0x3F8A];
	_ =	swait.ge [sflag:s4], $0x0  }
0x19: {  	s7 =	sld [smem:$0x3F8B]  }
0x1a: {  	s8 =	sadd.s32 $0xFFFFE003, lr  }
0x1b: {  	s9 =	sadd.s32 $0xFFFFFEF7, lr;
	s5 =	simm.s32 $0xFFFFFFFF;
	p2 =	slt.u32 s8, $0xFFFFF086  }
0x1c: {  	p1 =	slt.u32 s9, $0xF7A;
	s5 =	simm.s32 @!p2 $0x0  }
0x1d: {  	s5 =	simm.s32 @p1 $0x1;
	p0 =	seq.s32 s7, s2  }
0x1e: {  	s7 =	smul.u32 @!p0 $0xF7A, s2;
	p2 =	seq.s32 @!p0 s5, $0x0  }
0x1f: {  	s9 =	smul.u32 $0xF7A, s1;
	s8 =	simm.s32 @!p0 $0x1BF5;
	p2 =	por !p2, p0  }
0x20: {  	[sflag:s8] =	ssyncset.s32 @!p0 $0xFFFFF086;
	s6 =	sadd.s32 @!p0 s3, s7;
	s7 =	simm.s32 @!p0 $0x108  }
0x21: {  	s3 =	sadd.s32 s3, s9;
	s6 =	sadd.s32 @!p0 $0x88, s6;
	s7 =	simm.s32 @p2 $0x1082  }
0x22: {  	[simem:s7], [sflag:s8] =	dma.local @!p0 [hbm:s6], $0xF7A  }
0x23: {  	s9 =	sor.u32 $0xD0000000, s2;
	s6 =	simm.s32 $0x108;
	_ =	swait.ge @!p0 [sflag:s8], $0x0  }
0x24: {  	s3 =	sadd.s32 $0x88, s3;
	s6 =	simm.s32 @!p1 $0x1082;
	[sflag:s4] =	ssyncset.s32 $0xFFFFF086  }
0x25: {  	[simem:s6], [sflag:s4] =	dma.local [hbm:s3], $0xF7A  }
0x26: {  	[smem:$0x3F8B] =	sst s1;
	(tag) =	ssettag s2;
	_ =	strace s9  }
0x27: {  	s1 =	sld [smem:$0x3F9B]  }
0x28: {  	s2 =	sld [smem:$0x3F9C]  }
0x29: {  	s4 =	sld [smem:$0x3F9E]  }
0x2a: {  	p0 =	seq.s32 s5, $0x0;
	s5 =	sld [smem:$0x3F9F]  }
0x2b: {  	s6 =	sld [smem:$0x3FA0]  }
0x2c: {  	s7 =	sld [smem:$0x3FA1]  }
0x2d: {  	s3 =	simm.s32 $0x108;
	s8 =	sld [smem:$0x3FA2]  }
0x2e: {  	s3 =	simm.s32 @!p0 $0x1082;
	s9 =	sld [smem:$0x3FA3]  }
0x2f: {  	lr =	sadd.s32 s0, s3;
	s0 =	sld [smem:$0x3F9A]  }
0x30: {  	s3 =	sld [smem:$0x3F9D]  }
0x31: {  	[smem:$0x3FA6] =	sst s10  }
0x32: {  	s10 =	sld [smem:$0x3FA4];
	_ =	sdelay $0x3  }
0x33: {  	p0 =	seq.s32 s10, $0x1;
	s10 =	sld [smem:$0x3FA6];
	_ =	sdelay $0x3  }
0x34: {  	[smem:$0x3FA6] =	sst s10  }
0x35: {  	s10 =	sld [smem:$0x3FA5];
	_ =	sdelay $0x3  }
0x36: {  	p1 =	seq.s32 s10, $0x1;
	s10 =	sld [smem:$0x3FA6];
	_ =	sdelay $0x3  }
0x37: {  	[smem:$0x3FA6] =	sst s10  }
0x38: {  	s10 =	sld [smem:$0x3FA7]  }
0x39: {  	_ = 	snop;
	(pc) =	sbr.ind lr, $3  }
0x3a: {  	_ = 	snop  }
0x3b: {  	_ = 	snop  }
0x3c: {  	p2 =	seq.s32 s10, $0x1;
	s10 =	sld [smem:$0x3FA6]  }
0x3d: {  	_ =	shalt  }
0x3e: {  	_ =	shalt  }
0x3f: {  	_ =	shalt  }
0x40: {  	_ =	shalt  }
0x41: {  	_ =	shalt  }
0x42: {  	_ =	shalt  }
0x43: {  	_ =	shalt  }
0x44: {  	_ =	shalt  }
0x45: {  	_ =	shalt  }
0x46: {  	_ =	shalt  }
0x47: {  	_ =	shalt  }
0x48: {  	_ =	shalt  }
0x49: {  	_ =	shalt  }
0x4a: {  	_ =	shalt  }
0x4b: {  	_ =	shalt  }
0x4c: {  	_ =	shalt  }
0x4d: {  	_ =	shalt  }
0x4e: {  	_ =	shalt  }
0x4f: {  	_ =	shalt  }
0x50: {  	_ =	shalt  }
0x51: {  	_ =	shalt  }
0x52: {  	_ =	shalt  }
0x53: {  	_ =	shalt  }
0x54: {  	_ =	shalt  }
0x55: {  	_ =	shalt  }
0x56: {  	_ =	shalt  }
0x57: {  	_ =	shalt  }
0x58: {  	_ =	shalt  }
0x59: {  	_ =	shalt  }
0x5a: {  	_ =	shalt  }
0x5b: {  	_ =	shalt  }
0x5c: {  	_ =	shalt  }
0x5d: {  	_ =	shalt  }
0x5e: {  	_ =	shalt  }
0x5f: {  	_ =	shalt  }
0x60: {  	_ =	shalt  }
0x61: {  	_ =	shalt  }
0x62: {  	_ =	shalt  }
0x63: {  	_ =	shalt  }
0x64: {  	_ =	shalt  }
0x65: {  	_ =	shalt  }
0x66: {  	_ =	shalt  }
0x67: {  	_ =	shalt  }
0x68: {  	_ =	shalt  }
0x69: {  	_ =	shalt  }
0x6a: {  	_ =	shalt  }
0x6b: {  	_ =	shalt  }
0x6c: {  	_ =	shalt  }
0x6d: {  	_ =	shalt  }
0x6e: {  	_ =	shalt  }
0x6f: {  	_ =	shalt  }
0x70: {  	_ =	shalt  }
0x71: {  	_ =	shalt  }
0x72: {  	_ =	shalt  }
0x73: {  	_ =	shalt  }
0x74: {  	_ =	shalt  }
0x75: {  	_ =	shalt  }
0x76: {  	_ =	shalt  }
0x77: {  	_ =	shalt  }
0x78: {  	_ =	shalt  }
0x79: {  	_ =	shalt  }
0x7a: {  	_ =	shalt  }
0x7b: {  	_ =	shalt  }
0x7c: {  	_ =	shalt  }
0x7d: {  	_ =	shalt  }
0x7e: {  	_ =	shalt  }
0x7f: {  	_ =	shalt  }
0x80: {  	_ =	shalt  }
0x81: {  	_ =	shalt  }
0x82: {  	_ =	shalt  }
0x83: {  	_ =	shalt  }
0x84: {  	_ =	shalt  }
0x85: {  	_ =	shalt  }
0x86: {  	_ =	shalt  }
0x87: {  	_ =	shalt  }
.Lfunc_end0:
.L_simem_size_0:
called_computation.2_lowered:
.L_overlay_start_0:
0x88: {  	s2 =	sld [smem:$0x3FD9]  }
0x89: {  	s3 =	sld [smem:$0x3FFE];
	_ =	sdelay $0x1  }
0x8a: {  	s1 =	srdreg.scid  }
0x8b: {  	s0 =	sand.u32 $0x1, s1  }
0x8c: {  	s17 =	sshll.u32 s0, $0xA;
	s2 =	sadd.s32 s3, s2  }
0x8d: {  	s2 =	sadd.s32 s2, s17  }
0x8e: {  	[smem:$0x3FB2] =	sst s2  }
0x8f: {  	_ = 	snop  }
0x90: {  	s2 =	sld [smem:$0x3FD0];
	(tm) =	ssettm $0x1  }
0x91: {  	s18 =	sld [smem:$0x3FFB];
	_ =	sdelay $0x3  }
0x92: {  	_ =	strace s18  }
0x93: {  	s3 =	sld [smem:$0x3FFC];
	_ =	sdelay $0x3  }
0x94: {  	_ =	strace s3  }
0x95: {  	s3 =	sld [smem:$0x3FFD];
	_ =	sdelay $0x3  }
0x96: {  	_ =	strace s3  }
0x97: {  	_ =	strace $0x8FFFFFFF  }
0x98: {  	s19 =	sld [smem:$0x3FDB];
	_ =	sdelay $0x1  }
0x99: {  	s4 =	simm.s32 $_scs_section_size  }
0x9a: {  	s5 =	simm.s32 $_size__tile_overlayer_lowered;
	s6 =	simm.s32 $_tile_overlayer_lowered  }
0x9b: {  	s22 =	simm.s32 $0x1BFF;
	s21 =	sshll.u32 s6, $0x1;
	s3 =	sadd.s32 s4, s19  }
0x9c: {  	s7 =	simm.s32 $0x0;
	s20 =	sshll.u32 s5, $0x1;
	s5 =	sadd.s32 s21, s3  }
0x9d: {  	[timem:s7], [sflag:s22] =	dma.local [hbm:s5], s20  }
0x9e: {  	_ =	swait.ge [sflag:s22], s20  }
0x9f: {  	s4 =	ssub.s32 $0x0, s20;
	[sflag:s22] =	ssyncset.done $0x0  }
0xa0: {  	[sflag:s22] =	ssyncadd.s32 s4;
	_ =	sdelay $0x1  }
0xa1: {  	s23 =	simm.s32 $0x1B8B  }
0xa2: {  	_ =	swait.ge [sflag:s23], $0x1  }
0xa3: {  	[sflag:s23] =	ssyncset.done $0x0  }
0xa4: {  	s25 =	simm.s32 $0x1B8E;
	s24 =	sld [smem:$0x3FFE];
	[sflag:s23] =	ssyncadd.s32 $0xFFFFFFFF  }
0xa5: {  	s26 =	simm.s32 $execute0_lowered;
	[smem:$0x3FD2] =	sst s25  }
0xa6: {  	s5 =	sshll.u32 s26, $0x1;
	_ =	strace $0x8000004C;
	[dreg:$0x1] =	wrdreg $0xFFFFFFFF  }
0xa7: {  	s28 =	simm.s32 $_size_execute0_lowered;
	s3 =	sadd.s32 s3, s5;
	[dreg:$0x0] =	wrdreg $0x0  }
0xa8: {  	s5 =	sshll.u32 s28, $0x1;
	[dreg:$0x2] =	wrdreg s3  }
0xa9: {  	[dreg:$0x3] =	wrdreg s5  }
0xaa: {  	[dreg:$0x4] =	wrdreg $0xC0  }
0xab: {  	_ =	task [dreg:s7], $0x5FFFF  }
0xac: {  	[dreg:$0x1] =	wrdreg $0xFFFFFFFF  }
0xad: {  	[dreg:$0x0] =	wrdreg $0x60  }
0xae: {  	[dreg:$0x2] =	wrdreg s2  }
0xaf: {  	[dreg:$0x3] =	wrdreg s24  }
0xb0: {  	[dreg:$0x4] =	wrdreg $0x83000  }
0xb1: {  	[dreg:$0x5] =	wrdreg $0x9  }
0xb2: {  	_ =	task.clear_ibuf [dreg:s7], $0x6FFFF;
	_ =	strace $0x9000004C  }
0xb3: {  	s29 =	simm.s32 $0x9;
	_ =	strace $0x8000004E  }
0xb4: {  	_ =	swait.ge [sflag:s29], $0x1  }
0xb5: {  	[sflag:s29] =	ssyncadd.s32 $0xFFFFFFFF  }
0xb6: {  	_ =	strace $0x9000004E  }
0xb7: {  	_ =	sfence  }
0xb8: {  	s30 =	sld [smem:$0x0];
	_ =	sdelay $0x2  }
0xb9: {  	s31 =	sshll.u32 s1, $0xD;
	s1 =	sshrl.u32 s1, $0x2  }
0xba: {  	s3 =	sand.u32 $0x4000, s31;
	s1 =	sadd.s32 s1, s30  }
0xbb: {  	s0 =	sor.u32 s3, s0;
	s1 =	sshll.u32 s1, $0x11  }
0xbc: {  	s0 =	sor.u32 s1, s0  }
0xbd: {  	s0 =	sadd.s32 $0x8F2B, s0  }
0xbe: {  	[sflag:s0] =	ssyncadd.remote.s32 $0x1  }
0xbf: {  	_ =	sfence.sel $0xFFFF  }
0xc0: {  	[dreg:$0x0] =	wrdreg $0xFFFFFFFF;
	(pc) =	sbr.abs _section_cstart, $3  }
0xc1: {  	[dreg:$0x1] =	wrdreg $0xFFFFFFFF  }
0xc2: {  	_ =	task.clear_ibuf [dreg:s7], $0x2FFFF;
	_ =	strace $0x9FFFFFFF  }
0xc3: {  	(tm) =	ssettm $0x7FFFFFFF  }
tec
execute0_lowered:
.L_overlay_start_1:
0x0: {  	(tag) =	ssettag $0x1  }
0x1: {  	s0 =	rddreg [dreg:$0x0]  }
0x2: {  	s2 =	rddreg [dreg:$0x1]  }
0x3: {  	s1 =	rddreg [dreg:$0x2];
	s3 =	simm.s32 $0x0  }
0x4: {  	s4 =	srdreg.scid;
	s17 =	stileid.u32;
	s18 =	simm.s32 $0x80  }
0x5: {  	s19 =	simm.s32 $0x100;
	s28 =	simm.s32 $0x3;
	s20 =	smul.u32 $0x2710, s17  }
0x6: {  	s29 =	simm.s32 $0x4;
	s30 =	simm.s32 $0x200;
	s10 =	smul.u32 $0x50000, s17  }
0x7: {  	s31 =	simm.s32 $0x280;
	[smem:$0x7FF] =	sst s3;
	s25 =	smul.u32 $0x4E2, s17  }
0x8: {  	s5 =	sand.u32 $0x1, s4;
	s6 =	sadd.s32 $0x5000, s2;
	s26 =	smul.u32 $0x2800, s17  }
0x9: {  	_ =	strace $0x8000004D;
	s7 =	smul.u32 $0x28000, s5;
	s8 =	ssub.s32 $0x2, s5  }
0xa: {  	s5 =	smul.u32 $0x27100, s5;
	s9 =	sshrl.u32 s8, $0x1;
	s4 =	sshrl.u32 s20, $0x3  }
0xb: {  	s23 =	sshrl.u32 s10, $0x2;
	s17 =	sadd.s32 s25, s6;
	s20 =	simm.s32 $0x180  }
0xc: {  	s25 =	simm.s32 $0x2;
	s2 =	sadd.s32 s7, s2;
	s16 =	ssub.s32 s8, s9  }
0xd: {  	s4 =	sadd.s32 s6, s4;
	s8 =	sadd.s32 s23, s1;
	s13 =	sadd.s32 s0, s5  }
0xe: {  	s23 =	simm.s32 $0x1;
	s0 =	simm.s32 $0x10;
	s21 =	sadd.s32 $0x4E20, s4  }
0xf: {  	s22 =	sadd.s32 $0x10, s4;
	s24 =	sadd.s32 $0x4E30, s4;
	s9 =	sadd.s32 $0x4000, s8  }
0x10: {  	s10 =	sadd.s32 $0x8000, s8;
	s11 =	sadd.s32 $0xC000, s8;
	s12 =	sadd.s32 $0x10000, s8  }
0x11: {  	s14 =	sadd.s32 $0x4E0, s4;
	s15 =	sadd.s32 $0x5300, s4;
	[dreg:$0x4] =	wrdreg s21  }
0x12: {  	s2 =	sadd.s32 $0xEE00, s2;
	s16 =	smax.u32 s16, $0x1;
	[dreg:$0x5] =	wrdreg s22  }
0x13: {  	[dreg:$0x6] =	wrdreg s24;
	s21 =	simm.s32 $0x300;
	s22 =	simm.s32 $0x5  }
0x14: {  	v0 =	vimm.f32 $0.0e+00;
	s24 =	sadd.s32 s26, s2;
	s26 =	simm.s32 $0x4300;
	s2 =	simm.s32 $0x0  }
.LBB2_1:
0x15: {  	[tilespmem:s3], [sflag:$0x1] =	stream.linear.gather [hbm4b:s4+s3], $0x80, $0x38;
	[tilespmem:$0x1C300] =	vst v63  }
0x16: {  	s5 =	rddreg [dreg:$0x4]  }
0x17: {  	[tilespmem:s18], [sflag:$0x1] =	stream.linear.gather [hbm4b:s5+s3], $0x80, $0x38;
	[tilespmem:$0x1C300] =	vst v63  }
0x18: {  	s6 =	rddreg [dreg:$0x5]  }
0x19: {  	[tilespmem:s19], [sflag:$0x2] =	stream.linear.gather [hbm4b:s6+s3], $0x80, $0x38;
	[tilespmem:$0x1C300] =	vst v63  }
0x1a: {  	s7 =	rddreg [dreg:$0x6];
	s5 =	simm.s32 $0x0;
	s6 =	simm.s32 $0x200  }
0x1b: {  	[tilespmem:s20], [sflag:$0x2] =	stream.linear.gather [hbm4b:s7+s3], $0x80, $0x38;
	[tilespmem:$0x1C300] =	vst v63  }
.LBB2_2:
0x1c: {  	p0 =	sne.s32 s6, $0xFE00;
	[tilespmem:s5+$0x370] =	vst v0  }
0x1d: {  	[tilespmem:s5+$0x300] =	vst v0  }
0x1e: {  	[tilespmem:s5+$0x310] =	vst v0  }
.Ltmp0:
0x1f: {  	[tilespmem:s5+$0x320] =	vst v0;
	(pc) =	sbr.rel @p0 .LBB2_2-.Ltmp0, $4  }
0x20: {  	[tilespmem:s5+$0x330] =	vst v0  }
0x21: {  	[tilespmem:s5+$0x340] =	vst v0  }
0x22: {  	[tilespmem:s5+$0x350] =	vst v0  }
0x23: {  	[tilespmem:s5+$0x360] =	vst v0;
	s5 =	sshra.s32 s6, $0x2;
	s6 =	sadd.s32 $0x200, s6  }
0x24: {  	[tilespmem:s5+$0x370] =	vst v0  }
0x25: {  	[tilespmem:s5+$0x300] =	vst v0  }
0x26: {  	[tilespmem:s5+$0x310] =	vst v0  }
0x27: {  	[tilespmem:s5+$0x320] =	vst v0  }
0x28: {  	[tilespmem:s5+$0x330] =	vst v0  }
0x29: {  	[tilespmem:s5+$0x340] =	vst v0  }
0x2a: {  	[tilespmem:s5+$0x350] =	vst v0  }
0x2b: {  	[tilespmem:s5+$0x360] =	vst v0  }
0x2c: {  	[spmem:s8] =	stream.linear.scatter [tilespmem:s21], [sflag:$0x5], $0x4000, $0x38;
	[tilespmem:$0x1C300] =	vst v63  }
0x2d: {  	_ =	swait.ge [sflag:s22], $0x4000  }
0x2e: {  	[sflag:s22] =	ssyncset.done $0x0  }
0x2f: {  	[sflag:s22] =	ssyncadd.s32 $0xFFFFC000  }
0x30: {  	[spmem:s9] =	stream.linear.scatter [tilespmem:s21], [sflag:$0x5], $0x4000, $0x38;
	[tilespmem:$0x1C300] =	vst v63  }
0x31: {  	_ =	swait.ge [sflag:s22], $0x4000  }
0x32: {  	[sflag:s22] =	ssyncset.done $0x0  }
0x33: {  	[sflag:s22] =	ssyncadd.s32 $0xFFFFC000  }
0x34: {  	[spmem:s10] =	stream.linear.scatter [tilespmem:s21], [sflag:$0x5], $0x4000, $0x38;
	[tilespmem:$0x1C300] =	vst v63  }
0x35: {  	_ =	swait.ge [sflag:s22], $0x4000  }
0x36: {  	[sflag:s22] =	ssyncset.done $0x0  }
0x37: {  	[sflag:s22] =	ssyncadd.s32 $0xFFFFC000  }
0x38: {  	[spmem:s11] =	stream.linear.scatter [tilespmem:s21], [sflag:$0x5], $0x4000, $0x38;
	[tilespmem:$0x1C300] =	vst v63  }
0x39: {  	_ =	swait.ge [sflag:s22], $0x4000  }
0x3a: {  	[sflag:s22] =	ssyncset.done $0x0  }
0x3b: {  	[sflag:s22] =	ssyncadd.s32 $0xFFFFC000  }
0x3c: {  	[spmem:s12] =	stream.linear.scatter [tilespmem:s21], [sflag:$0x5], $0x4000, $0x38;
	[tilespmem:$0x1C300] =	vst v63  }
0x3d: {  	_ =	swait.ge [sflag:s22], $0x4000  }
0x3e: {  	[sflag:s22] =	ssyncset.done $0x0  }
0x3f: {  	[sflag:s22] =	ssyncadd.s32 $0xFFFFC000  }
0x40: {  	[bflag:$0x0] =	sbarrier.arrive $0xFFFF  }
0x41: {  	_ =	swait.ge [sflag:s23], $0x80  }
0x42: {  	[sflag:s23] =	ssyncset.done $0x0  }
0x43: {  	[sflag:s23] =	ssyncadd.s32 $0xFFFFFF80  }
0x44: {  	_ =	swait.ge [sflag:s23], $0x80  }
0x45: {  	[sflag:s23] =	ssyncset.done $0x0  }
0x46: {  	[sflag:s23] =	ssyncadd.s32 $0xFFFFFF80  }
0x47: {  	[tilespmem:s21], [sflag:$0x3] =	stream.indirect.gather [hbm4b:s13+s18], $0x80, s3, s18, $0xb8;
	[tilespmem:$0x1C300] =	vst v63  }
0x48: {  	_ =	swait.ge [sflag:s25], $0x80  }
0x49: {  	[sflag:s25] =	ssyncset.done $0x0  }
0x4a: {  	[sflag:s25] =	ssyncadd.s32 $0xFFFFFF80  }
0x4b: {  	_ =	swait.ge [sflag:s25], $0x80  }
0x4c: {  	[sflag:s25] =	ssyncset.done $0x0  }
0x4d: {  	[sflag:s25] =	ssyncadd.s32 $0xFFFFFF80  }
0x4e: {  	[tilespmem:s26], [sflag:$0x4] =	stream.indirect.gather [hbm4b:s13+s18], $0x80, s19, s18, $0xb8;
	[tilespmem:$0x1C300] =	vst v63  }
0x4f: {  	_ =	swait.ge [sflag:s28], $0x4000  }
0x50: {  	[sflag:s28] =	ssyncset.done $0x0  }
0x51: {  	[sflag:s28] =	ssyncadd.s32 $0xFFFFC000  }
0x52: {  	[spmem:s1] =	stream.indirect.scatter.add.f32 [tilespmem:s21], [sflag:$0x5], $0x80, s18, s18, $0xb8;
	[tilespmem:$0x1C300] =	vst v63  }
0x53: {  	_ =	swait.ge [sflag:s22], $0x4000  }
0x54: {  	s5 =	sadd.s32 $0xFFFFFB40, s17;
	[sflag:s22] =	ssyncset.done $0x0  }
0x55: {  	s6 =	sadd.s32 $0x4E0, s5;
	[sflag:s22] =	ssyncadd.s32 $0xFFFFC000  }
0x56: {  	[tilespmem:s3], [sflag:$0x1] =	stream.linear.gather [hbm4b:s6+s3], $0x80, $0x38;
	[tilespmem:$0x1C300] =	vst v63  }
0x57: {  	s7 =	sadd.s32 $0x5300, s5  }
0x58: {  	[tilespmem:s18], [sflag:$0x1] =	stream.linear.gather [hbm4b:s7+s3], $0x80, $0x38;
	[tilespmem:$0x1C300] =	vst v63  }
0x59: {  	_ =	swait.ge [sflag:s29], $0x4000  }
0x5a: {  	[sflag:s29] =	ssyncset.done $0x0  }
0x5b: {  	[sflag:s29] =	ssyncadd.s32 $0xFFFFC000  }
0x5c: {  	[spmem:s1] =	stream.indirect.scatter.add.f32 [tilespmem:s26], [sflag:$0x5], $0x80, s20, s18, $0xb8;
	[tilespmem:$0x1C300] =	vst v63  }
0x5d: {  	_ =	swait.ge [sflag:s22], $0x4000  }
0x5e: {  	[sflag:s22] =	ssyncset.done $0x0  }
0x5f: {  	s7 =	sadd.s32 $0x4F0, s5;
	[sflag:s22] =	ssyncadd.s32 $0xFFFFC000  }
0x60: {  	[tilespmem:s19], [sflag:$0x2] =	stream.linear.gather [hbm4b:s7+s3], $0x80, $0x38;
	[tilespmem:$0x1C300] =	vst v63  }
0x61: {  	s5 =	sadd.s32 $0x5310, s5  }
0x62: {  	[tilespmem:s20], [sflag:$0x2] =	stream.linear.gather [hbm4b:s5+s3], $0x80, $0x38;
	[tilespmem:$0x1C300] =	vst v63  }
0x63: {  	_ =	swait.ge [sflag:s23], $0x80  }
0x64: {  	[sflag:s23] =	ssyncset.done $0x0  }
0x65: {  	[sflag:s23] =	ssyncadd.s32 $0xFFFFFF80  }
0x66: {  	_ =	swait.ge [sflag:s23], $0x80  }
0x67: {  	[sflag:s23] =	ssyncset.done $0x0  }
0x68: {  	[sflag:s23] =	ssyncadd.s32 $0xFFFFFF80  }
0x69: {  	[tilespmem:s21], [sflag:$0x3] =	stream.indirect.gather [hbm4b:s13+s18], $0x80, s3, s18, $0xb8;
	[tilespmem:$0x1C300] =	vst v63  }
0x6a: {  	_ =	swait.ge [sflag:s25], $0x80  }
0x6b: {  	[sflag:s25] =	ssyncset.done $0x0  }
0x6c: {  	[sflag:s25] =	ssyncadd.s32 $0xFFFFFF80  }
0x6d: {  	_ =	swait.ge [sflag:s25], $0x80  }
0x6e: {  	[sflag:s25] =	ssyncset.done $0x0  }
0x6f: {  	s5 =	simm.s32 $0xFFFFFB60;
	[sflag:s25] =	ssyncadd.s32 $0xFFFFFF80  }
.LBB2_4:
0x70: {  	[tilespmem:s26], [sflag:$0x4] =	stream.indirect.gather [hbm4b:s13+s18], $0x80, s19, s18, $0xb8;
	[tilespmem:$0x1C300] =	vst v63  }
0x71: {  	s6 =	smov.u32 s5  }
0x72: {  	p0 =	sne.s32 s5, $0xFFFFFFE0;
	s5 =	sadd.s32 $0x20, s5;
	_ =	swait.ge [sflag:s28], $0x4000  }
0x73: {  	[sflag:s28] =	ssyncset.done $0x0  }
0x74: {  	[sflag:s28] =	ssyncadd.s32 $0xFFFFC000  }
0x75: {  	[spmem:s1] =	stream.indirect.scatter.add.f32 [tilespmem:s21], [sflag:$0x5], $0x80, s18, s18, $0xb8;
	[tilespmem:$0x1C300] =	vst v63  }
0x76: {  	_ =	swait.ge [sflag:s22], $0x4000  }
0x77: {  	s6 =	sadd.s32 s6, s17;
	[sflag:s22] =	ssyncset.done $0x0  }
0x78: {  	s7 =	sadd.s32 $0x4E0, s6;
	[sflag:s22] =	ssyncadd.s32 $0xFFFFC000  }
0x79: {  	[tilespmem:s3], [sflag:$0x1] =	stream.linear.gather [hbm4b:s7+s3], $0x80, $0x38;
	[tilespmem:$0x1C300] =	vst v63  }
0x7a: {  	s7 =	sadd.s32 $0x5300, s6  }
0x7b: {  	[tilespmem:s18], [sflag:$0x1] =	stream.linear.gather [hbm4b:s7+s3], $0x80, $0x38;
	[tilespmem:$0x1C300] =	vst v63  }
0x7c: {  	_ =	swait.ge [sflag:s29], $0x4000  }
0x7d: {  	[sflag:s29] =	ssyncset.done $0x0  }
0x7e: {  	[sflag:s29] =	ssyncadd.s32 $0xFFFFC000  }
0x7f: {  	[spmem:s1] =	stream.indirect.scatter.add.f32 [tilespmem:s26], [sflag:$0x5], $0x80, s20, s18, $0xb8;
	[tilespmem:$0x1C300] =	vst v63  }
0x80: {  	_ =	swait.ge [sflag:s22], $0x4000  }
0x81: {  	[sflag:s22] =	ssyncset.done $0x0  }
0x82: {  	s7 =	sadd.s32 $0x4F0, s6;
	[sflag:s22] =	ssyncadd.s32 $0xFFFFC000  }
0x83: {  	[tilespmem:s19], [sflag:$0x2] =	stream.linear.gather [hbm4b:s7+s3], $0x80, $0x38;
	[tilespmem:$0x1C300] =	vst v63  }
0x84: {  	s6 =	sadd.s32 $0x5310, s6  }
0x85: {  	[tilespmem:s20], [sflag:$0x2] =	stream.linear.gather [hbm4b:s6+s3], $0x80, $0x38;
	[tilespmem:$0x1C300] =	vst v63  }
0x86: {  	_ =	swait.ge [sflag:s23], $0x80  }
0x87: {  	[sflag:s23] =	ssyncset.done $0x0  }
0x88: {  	[sflag:s23] =	ssyncadd.s32 $0xFFFFFF80  }
0x89: {  	_ =	swait.ge [sflag:s23], $0x80  }
0x8a: {  	[sflag:s23] =	ssyncset.done $0x0  }
0x8b: {  	[sflag:s23] =	ssyncadd.s32 $0xFFFFFF80  }
0x8c: {  	[tilespmem:s21], [sflag:$0x3] =	stream.indirect.gather [hbm4b:s13+s18], $0x80, s3, s18, $0xb8;
	[tilespmem:$0x1C300] =	vst v63  }
0x8d: {  	_ =	swait.ge [sflag:s25], $0x80  }
.Ltmp1:
0x8e: {  	[sflag:s25] =	ssyncset.done $0x0;
	(pc) =	sbr.rel @p0 .LBB2_4-.Ltmp1, $4  }
0x8f: {  	[sflag:s25] =	ssyncadd.s32 $0xFFFFFF80  }
0x90: {  	_ =	swait.ge [sflag:s25], $0x80  }
0x91: {  	[sflag:s25] =	ssyncset.done $0x0  }
0x92: {  	[sflag:s25] =	ssyncadd.s32 $0xFFFFFF80  }
0x93: {  	[tilespmem:s26], [sflag:$0x4] =	stream.indirect.gather [hbm4b:s13+s18], $0x80, s19, s18, $0xb8;
	[tilespmem:$0x1C300] =	vst v63  }
0x94: {  	_ =	swait.ge [sflag:s28], $0x4000  }
0x95: {  	[sflag:s28] =	ssyncset.done $0x0  }
0x96: {  	[sflag:s28] =	ssyncadd.s32 $0xFFFFC000  }
0x97: {  	[spmem:s1] =	stream.indirect.scatter.add.f32 [tilespmem:s21], [sflag:$0x5], $0x80, s18, s18, $0xb8;
	[tilespmem:$0x1C300] =	vst v63  }
0x98: {  	_ =	swait.ge [sflag:s22], $0x4000  }
0x99: {  	[sflag:s22] =	ssyncset.done $0x0  }
0x9a: {  	[sflag:s22] =	ssyncadd.s32 $0xFFFFC000  }
0x9b: {  	_ =	swait.ge [sflag:s29], $0x4000  }
0x9c: {  	[sflag:s29] =	ssyncset.done $0x0  }
0x9d: {  	[sflag:s29] =	ssyncadd.s32 $0xFFFFC000  }
0x9e: {  	[spmem:s1] =	stream.indirect.scatter.add.f32 [tilespmem:s26], [sflag:$0x5], $0x80, s20, s18, $0xb8;
	[tilespmem:$0x1C300] =	vst v63  }
0x9f: {  	_ =	swait.ge [sflag:s22], $0x4000  }
0xa0: {  	[sflag:s22] =	ssyncset.done $0x0  }
0xa1: {  	[sflag:s22] =	ssyncadd.s32 $0xFFFFC000  }
0xa2: {  	[tilespmem:s30], [sflag:$0x5] =	stream.linear.gather [hbm4b:s14+s3], $0x10, $0x38;
	[tilespmem:$0x1C300] =	vst v63  }
0xa3: {  	_ =	swait.ge [sflag:s22], $0x10  }
0xa4: {  	[sflag:s22] =	ssyncset.done $0x0  }
0xa5: {  	[sflag:s22] =	ssyncadd.s32 $0xFFFFFFF0  }
0xa6: {  	[tilespmem:s31], [sflag:$0x5] =	stream.linear.gather [hbm4b:s15+s3], $0x10, $0x38;
	[tilespmem:$0x1C300] =	vst v63  }
0xa7: {  	_ =	swait.ge [sflag:s22], $0x10  }
0xa8: {  	[sflag:s22] =	ssyncset.done $0x0  }
0xa9: {  	[sflag:s22] =	ssyncadd.s32 $0xFFFFFFF0  }
0xaa: {  	[tilespmem:s21], [sflag:$0x3] =	stream.indirect.gather [hbm4b:s13+s0], $0x80, s30, s0, $0xb8;
	[tilespmem:$0x1C300] =	vst v63  }
0xab: {  	_ =	swait.ge [sflag:s28], $0x800  }
0xac: {  	[sflag:s28] =	ssyncset.done $0x0  }
0xad: {  	[sflag:s28] =	ssyncadd.s32 $0xFFFFF800  }
0xae: {  	[spmem:s1] =	stream.indirect.scatter.add.f32 [tilespmem:s21], [sflag:$0x5], $0x80, s31, s0, $0xb8;
	[tilespmem:$0x1C300] =	vst v63  }
0xaf: {  	s5 =	stileid.u32;
	_ =	swait.ge [sflag:s22], $0x800  }
0xb0: {  	s6 =	sshrl.u32 s8, $0x3;
	s2 =	sadd.s32 $0x1, s2;
	[sflag:s22] =	ssyncset.done $0x0  }
0xb1: {  	s5 =	sshll.u32 s5, $0x6;
	p0 =	sne.s32 s2, s16;
	[sflag:s22] =	ssyncadd.s32 $0xFFFFF800  }
.Ltmp2:
0xb2: {  	s5 =	sor.u32 $0x1C05, s5;
	[bflag:$0x0] =	sbarrier.arrive $0xFFFF;
	(pc) =	sbr.rel @p0 .LBB2_1-.Ltmp2, $4  }
0xb3: {  	[hbm:s24], [sflag:s5] =	dma.local [spmem:s6], $0x2800  }
0xb4: {  	_ =	swait.ge [sflag:s22], $0x2800  }
0xb5: {  	[sflag:s22] =	ssyncset.done $0x0  }
0xb6: {  	[sflag:s22] =	ssyncadd.s32 $0xFFFFD800  }
0xb7: {  	_ =	sfence.sel $0x180000  }
0xb8: {  	[bflag:$0x0] =	sbarrier.arrive $0xFFFF  }
0xb9: {  	_ =	strace $0x9000004D  }
0xba: {  	s0 =	stileid.u32;
	[bflag:$0x2] =	sbarrier.arrive $0xFFFF  }
0xbb: {  	p0 =	sne.s32 s0, $0x0;
	s0 =	rddreg [dreg:$0x3]  }
0xbc: {  	s0 =	sadd.s32 @!p0 $0x100000, s0  }
0xbd: {  	[sflag:s0] =	ssyncadd.tile.s32 @!p0 $0x1;
	_ =	shalt  }
.Lfunc_end2:
_tile_overlayer_lowered:
.L_overlay_start_2:
0xbe: {  	(tag) =	ssettag $0x2  }
0xbf: {  	s0 =	rddreg [dreg:$0x0];
	s2 =	stileid.u32  }
0xc0: {  	s1 =	rddreg [dreg:$0x1];
	p0 =	sne.s32 s2, $0x0  }
0xc1: {  	s3 =	rddreg [dreg:$0x2];
	[bflag:$0x3] =	sbarrier.arrive $0xFFFF;
	s2 =	simm.s32 @!p0 $0x1C05  }
0xc2: {  	[timem:s3], [sflag:s2] =	dma.local @!p0 [hbm:s0], s1  }
0xc3: {  	s0 =	simm.s32 @!p0 $0x5  }
0xc4: {  	_ =	swait.ge @!p0 [sflag:s0], s1  }
0xc5: {  	s1 =	ssub.s32 @!p0 $0x0, s1;
	[sflag:s0] =	ssyncset.done @!p0 $0x0  }
0xc6: {  	[sflag:s0] =	ssyncadd.s32 @!p0 s1  }
0xc7: {  	[bflag:$0x3] =	sbarrier.arrive $0xFFFF  }
0xc8: {  	_ =	shalt  }

// kernel: kernel.15.cloned.1.call-start
scs
__scs_entry_jumppad:
0x0: {  	(pc) =	sbr.rel $0x88, $3  }
0x1: {  	(tag) =	ssettag $0x0;
	lr =	simm.s32 $0x1  }
0x2: {  	[smem:$0x3F8B] =	sst lr;
	_ =	strace $0xD0000000  }
0x3: {  	_ = 	snop  }
0x4: {  	_ = 	snop  }
0x5: {  	_ = 	snop  }
0x6: {  	_ = 	snop  }
0x7: {  	_ = 	snop  }
__scs_overlays_trampoline_lowered:
0x8: {  	[smem:$0x3F9A] =	sst s0  }
0x9: {  	[smem:$0x3F9B] =	sst s1  }
0xa: {  	[smem:$0x3F9C] =	sst s2  }
0xb: {  	[smem:$0x3F9D] =	sst s3  }
0xc: {  	[smem:$0x3F9E] =	sst s4  }
0xd: {  	[smem:$0x3F9F] =	sst s5  }
0xe: {  	[smem:$0x3FA0] =	sst s6  }
0xf: {  	[smem:$0x3FA1] =	sst s7  }
0x10: {  	[smem:$0x3FA2] =	sst s8  }
0x11: {  	[smem:$0x3FA3] =	sst s9;
	s0 =	simm.s32 @!p0 $0x0  }
0x12: {  	s1 =	sld [smem:$0x3F89];
	s0 =	simm.s32 @p0 $0x1  }
0x13: {  	[smem:$0x3FA4] =	sst s0;
	s0 =	simm.s32 @!p1 $0x0  }
0x14: {  	s2 =	sld [smem:$0x3F88];
	s0 =	simm.s32 @p1 $0x1  }
0x15: {  	[smem:$0x3FA5] =	sst s0;
	s0 =	simm.s32 @!p2 $0x0  }
0x16: {  	s3 =	sld [smem:$0x3FDB];
	s0 =	simm.s32 @p2 $0x1  }
0x17: {  	s4 =	simm.s32 $0x1BF5;
	[smem:$0x3FA7] =	sst s0  }
0x18: {  	s0 =	sld [smem:$0x3F8A];
	_ =	swait.ge [sflag:s4], $0x0  }
0x19: {  	s7 =	sld [smem:$0x3F8B]  }
0x1a: {  	s8 =	sadd.s32 $0xFFFFE003, lr  }
0x1b: {  	s9 =	sadd.s32 $0xFFFFFEF7, lr;
	s5 =	simm.s32 $0xFFFFFFFF;
	p2 =	slt.u32 s8, $0xFFFFF086  }
0x1c: {  	p1 =	slt.u32 s9, $0xF7A;
	s5 =	simm.s32 @!p2 $0x0  }
0x1d: {  	s5 =	simm.s32 @p1 $0x1;
	p0 =	seq.s32 s7, s2  }
0x1e: {  	s7 =	smul.u32 @!p0 $0xF7A, s2;
	p2 =	seq.s32 @!p0 s5, $0x0  }
0x1f: {  	s9 =	smul.u32 $0xF7A, s1;
	s8 =	simm.s32 @!p0 $0x1BF5;
	p2 =	por !p2, p0  }
0x20: {  	[sflag:s8] =	ssyncset.s32 @!p0 $0xFFFFF086;
	s6 =	sadd.s32 @!p0 s3, s7;
	s7 =	simm.s32 @!p0 $0x108  }
0x21: {  	s3 =	sadd.s32 s3, s9;
	s6 =	sadd.s32 @!p0 $0x88, s6;
	s7 =	simm.s32 @p2 $0x1082  }
0x22: {  	[simem:s7], [sflag:s8] =	dma.local @!p0 [hbm:s6], $0xF7A  }
0x23: {  	s9 =	sor.u32 $0xD0000000, s2;
	s6 =	simm.s32 $0x108;
	_ =	swait.ge @!p0 [sflag:s8], $0x0  }
0x24: {  	s3 =	sadd.s32 $0x88, s3;
	s6 =	simm.s32 @!p1 $0x1082;
	[sflag:s4] =	ssyncset.s32 $0xFFFFF086  }
0x25: {  	[simem:s6], [sflag:s4] =	dma.local [hbm:s3], $0xF7A  }
0x26: {  	[smem:$0x3F8B] =	sst s1;
	(tag) =	ssettag s2;
	_ =	strace s9  }
0x27: {  	s1 =	sld [smem:$0x3F9B]  }
0x28: {  	s2 =	sld [smem:$0x3F9C]  }
0x29: {  	s4 =	sld [smem:$0x3F9E]  }
0x2a: {  	p0 =	seq.s32 s5, $0x0;
	s5 =	sld [smem:$0x3F9F]  }
0x2b: {  	s6 =	sld [smem:$0x3FA0]  }
0x2c: {  	s7 =	sld [smem:$0x3FA1]  }
0x2d: {  	s3 =	simm.s32 $0x108;
	s8 =	sld [smem:$0x3FA2]  }
0x2e: {  	s3 =	simm.s32 @!p0 $0x1082;
	s9 =	sld [smem:$0x3FA3]  }
0x2f: {  	lr =	sadd.s32 s0, s3;
	s0 =	sld [smem:$0x3F9A]  }
0x30: {  	s3 =	sld [smem:$0x3F9D]  }
0x31: {  	[smem:$0x3FA6] =	sst s10  }
0x32: {  	s10 =	sld [smem:$0x3FA4];
	_ =	sdelay $0x3  }
0x33: {  	p0 =	seq.s32 s10, $0x1;
	s10 =	sld [smem:$0x3FA6];
	_ =	sdelay $0x3  }
0x34: {  	[smem:$0x3FA6] =	sst s10  }
0x35: {  	s10 =	sld [smem:$0x3FA5];
	_ =	sdelay $0x3  }
0x36: {  	p1 =	seq.s32 s10, $0x1;
	s10 =	sld [smem:$0x3FA6];
	_ =	sdelay $0x3  }
0x37: {  	[smem:$0x3FA6] =	sst s10  }
0x38: {  	s10 =	sld [smem:$0x3FA7]  }
0x39: {  	_ = 	snop;
	(pc) =	sbr.ind lr, $3  }
0x3a: {  	_ = 	snop  }
0x3b: {  	_ = 	snop  }
0x3c: {  	p2 =	seq.s32 s10, $0x1;
	s10 =	sld [smem:$0x3FA6]  }
0x3d: {  	_ =	shalt  }
0x3e: {  	_ =	shalt  }
0x3f: {  	_ =	shalt  }
0x40: {  	_ =	shalt  }
0x41: {  	_ =	shalt  }
0x42: {  	_ =	shalt  }
0x43: {  	_ =	shalt  }
0x44: {  	_ =	shalt  }
0x45: {  	_ =	shalt  }
0x46: {  	_ =	shalt  }
0x47: {  	_ =	shalt  }
0x48: {  	_ =	shalt  }
0x49: {  	_ =	shalt  }
0x4a: {  	_ =	shalt  }
0x4b: {  	_ =	shalt  }
0x4c: {  	_ =	shalt  }
0x4d: {  	_ =	shalt  }
0x4e: {  	_ =	shalt  }
0x4f: {  	_ =	shalt  }
0x50: {  	_ =	shalt  }
0x51: {  	_ =	shalt  }
0x52: {  	_ =	shalt  }
0x53: {  	_ =	shalt  }
0x54: {  	_ =	shalt  }
0x55: {  	_ =	shalt  }
0x56: {  	_ =	shalt  }
0x57: {  	_ =	shalt  }
0x58: {  	_ =	shalt  }
0x59: {  	_ =	shalt  }
0x5a: {  	_ =	shalt  }
0x5b: {  	_ =	shalt  }
0x5c: {  	_ =	shalt  }
0x5d: {  	_ =	shalt  }
0x5e: {  	_ =	shalt  }
0x5f: {  	_ =	shalt  }
0x60: {  	_ =	shalt  }
0x61: {  	_ =	shalt  }
0x62: {  	_ =	shalt  }
0x63: {  	_ =	shalt  }
0x64: {  	_ =	shalt  }
0x65: {  	_ =	shalt  }
0x66: {  	_ =	shalt  }
0x67: {  	_ =	shalt  }
0x68: {  	_ =	shalt  }
0x69: {  	_ =	shalt  }
0x6a: {  	_ =	shalt  }
0x6b: {  	_ =	shalt  }
0x6c: {  	_ =	shalt  }
0x6d: {  	_ =	shalt  }
0x6e: {  	_ =	shalt  }
0x6f: {  	_ =	shalt  }
0x70: {  	_ =	shalt  }
0x71: {  	_ =	shalt  }
0x72: {  	_ =	shalt  }
0x73: {  	_ =	shalt  }
0x74: {  	_ =	shalt  }
0x75: {  	_ =	shalt  }
0x76: {  	_ =	shalt  }
0x77: {  	_ =	shalt  }
0x78: {  	_ =	shalt  }
0x79: {  	_ =	shalt  }
0x7a: {  	_ =	shalt  }
0x7b: {  	_ =	shalt  }
0x7c: {  	_ =	shalt  }
0x7d: {  	_ =	shalt  }
0x7e: {  	_ =	shalt  }
0x7f: {  	_ =	shalt  }
0x80: {  	_ =	shalt  }
0x81: {  	_ =	shalt  }
0x82: {  	_ =	shalt  }
0x83: {  	_ =	shalt  }
0x84: {  	_ =	shalt  }
0x85: {  	_ =	shalt  }
0x86: {  	_ =	shalt  }
0x87: {  	_ =	shalt  }
.Lfunc_end0:
.L_simem_size_0:
called_computation.3_lowered:
.L_overlay_start_0:
0x88: {  	s2 =	sld [smem:$0x3FD9]  }
0x89: {  	s3 =	sld [smem:$0x3FFE];
	_ =	sdelay $0x1  }
0x8a: {  	s1 =	srdreg.scid  }
0x8b: {  	s0 =	sand.u32 $0x1, s1  }
0x8c: {  	s17 =	sshll.u32 s0, $0xA;
	s2 =	sadd.s32 s3, s2  }
0x8d: {  	s2 =	sadd.s32 s2, s17  }
0x8e: {  	[smem:$0x3FB2] =	sst s2  }
0x8f: {  	_ = 	snop  }
0x90: {  	s2 =	sld [smem:$0x3FD0];
	(tm) =	ssettm $0x1  }
0x91: {  	s18 =	sld [smem:$0x3FFB];
	_ =	sdelay $0x3  }
0x92: {  	_ =	strace s18  }
0x93: {  	s3 =	sld [smem:$0x3FFC];
	_ =	sdelay $0x3  }
0x94: {  	_ =	strace s3  }
0x95: {  	s3 =	sld [smem:$0x3FFD];
	_ =	sdelay $0x3  }
0x96: {  	_ =	strace s3  }
0x97: {  	_ =	strace $0x8FFFFFFF  }
0x98: {  	s19 =	sld [smem:$0x3FDB];
	_ =	sdelay $0x1  }
0x99: {  	s4 =	simm.s32 $_scs_section_size  }
0x9a: {  	s5 =	simm.s32 $_size__tile_overlayer_lowered;
	s6 =	simm.s32 $_tile_overlayer_lowered  }
0x9b: {  	s22 =	simm.s32 $0x1BFF;
	s21 =	sshll.u32 s6, $0x1;
	s3 =	sadd.s32 s4, s19  }
0x9c: {  	s7 =	simm.s32 $0x0;
	s20 =	sshll.u32 s5, $0x1;
	s5 =	sadd.s32 s21, s3  }
0x9d: {  	[timem:s7], [sflag:s22] =	dma.local [hbm:s5], s20  }
0x9e: {  	_ =	swait.ge [sflag:s22], s20  }
0x9f: {  	s4 =	ssub.s32 $0x0, s20;
	[sflag:s22] =	ssyncset.done $0x0  }
0xa0: {  	[sflag:s22] =	ssyncadd.s32 s4;
	_ =	sdelay $0x1  }
0xa1: {  	s23 =	simm.s32 $0x1B8B  }
0xa2: {  	_ =	swait.ge [sflag:s23], $0x1  }
0xa3: {  	[sflag:s23] =	ssyncset.done $0x0  }
0xa4: {  	s25 =	simm.s32 $0x1B8E;
	s24 =	sld [smem:$0x3FFE];
	[sflag:s23] =	ssyncadd.s32 $0xFFFFFFFF  }
0xa5: {  	s26 =	simm.s32 $execute0_lowered;
	[smem:$0x3FD2] =	sst s25  }
0xa6: {  	s5 =	sshll.u32 s26, $0x1;
	_ =	strace $0x8000004F;
	[dreg:$0x1] =	wrdreg $0xFFFFFFFF  }
0xa7: {  	s28 =	simm.s32 $_size_execute0_lowered;
	s3 =	sadd.s32 s3, s5;
	[dreg:$0x0] =	wrdreg $0x0  }
0xa8: {  	s5 =	sshll.u32 s28, $0x1;
	[dreg:$0x2] =	wrdreg s3  }
0xa9: {  	[dreg:$0x3] =	wrdreg s5  }
0xaa: {  	[dreg:$0x4] =	wrdreg $0xC0  }
0xab: {  	_ =	task [dreg:s7], $0x5FFFF  }
0xac: {  	[dreg:$0x1] =	wrdreg $0xFFFFFFFF  }
0xad: {  	[dreg:$0x0] =	wrdreg $0x60  }
0xae: {  	[dreg:$0x2] =	wrdreg s2  }
0xaf: {  	[dreg:$0x3] =	wrdreg s24  }
0xb0: {  	[dreg:$0x4] =	wrdreg $0x83000  }
0xb1: {  	[dreg:$0x5] =	wrdreg $0x9  }
0xb2: {  	_ =	task.clear_ibuf [dreg:s7], $0x6FFFF;
	_ =	strace $0x9000004F  }
0xb3: {  	s29 =	simm.s32 $0x9;
	_ =	strace $0x80000051  }
0xb4: {  	_ =	swait.ge [sflag:s29], $0x1  }
0xb5: {  	[sflag:s29] =	ssyncadd.s32 $0xFFFFFFFF  }
0xb6: {  	_ =	strace $0x90000051  }
0xb7: {  	_ =	sfence  }
0xb8: {  	s30 =	sld [smem:$0x0];
	_ =	sdelay $0x2  }
0xb9: {  	s31 =	sshll.u32 s1, $0xD;
	s1 =	sshrl.u32 s1, $0x2  }
0xba: {  	s3 =	sand.u32 $0x4000, s31;
	s1 =	sadd.s32 s1, s30  }
0xbb: {  	s0 =	sor.u32 s3, s0;
	s1 =	sshll.u32 s1, $0x11  }
0xbc: {  	s0 =	sor.u32 s1, s0  }
0xbd: {  	s0 =	sadd.s32 $0x8F2B, s0  }
0xbe: {  	[sflag:s0] =	ssyncadd.remote.s32 $0x1  }
0xbf: {  	_ =	sfence.sel $0xFFFF  }
0xc0: {  	[dreg:$0x0] =	wrdreg $0xFFFFFFFF;
	(pc) =	sbr.abs _section_cstart, $3  }
0xc1: {  	[dreg:$0x1] =	wrdreg $0xFFFFFFFF  }
0xc2: {  	_ =	task.clear_ibuf [dreg:s7], $0x2FFFF;
	_ =	strace $0x9FFFFFFF  }
0xc3: {  	(tm) =	ssettm $0x7FFFFFFF  }
tec
execute0_lowered:
.L_overlay_start_1:
0x0: {  	(tag) =	ssettag $0x1  }
0x1: {  	s0 =	rddreg [dreg:$0x0]  }
0x2: {  	s2 =	rddreg [dreg:$0x1]  }
0x3: {  	s1 =	rddreg [dreg:$0x2];
	s3 =	simm.s32 $0x0  }
0x4: {  	s4 =	srdreg.scid;
	s17 =	stileid.u32;
	s18 =	simm.s32 $0x80  }
0x5: {  	s19 =	simm.s32 $0x100;
	s28 =	simm.s32 $0x3;
	s20 =	smul.u32 $0x2710, s17  }
0x6: {  	s29 =	simm.s32 $0x4;
	s30 =	simm.s32 $0x200;
	s10 =	smul.u32 $0x50000, s17  }
0x7: {  	s31 =	simm.s32 $0x280;
	[smem:$0x7FF] =	sst s3;
	s25 =	smul.u32 $0x4E2, s17  }
0x8: {  	s5 =	sand.u32 $0x1, s4;
	s6 =	sadd.s32 $0x5000, s2;
	s26 =	smul.u32 $0x2800, s17  }
0x9: {  	_ =	strace $0x80000050;
	s7 =	smul.u32 $0x28000, s5;
	s8 =	ssub.s32 $0x2, s5  }
0xa: {  	s5 =	smul.u32 $0x27100, s5;
	s9 =	sshrl.u32 s8, $0x1;
	s4 =	sshrl.u32 s20, $0x3  }
0xb: {  	s23 =	sshrl.u32 s10, $0x2;
	s17 =	sadd.s32 s25, s6;
	s20 =	simm.s32 $0x180  }
0xc: {  	s25 =	simm.s32 $0x2;
	s2 =	sadd.s32 s7, s2;
	s16 =	ssub.s32 s8, s9  }
0xd: {  	s4 =	sadd.s32 s6, s4;
	s8 =	sadd.s32 s23, s1;
	s13 =	sadd.s32 s0, s5  }
0xe: {  	s23 =	simm.s32 $0x1;
	s0 =	simm.s32 $0x10;
	s21 =	sadd.s32 $0x4E20, s4  }
0xf: {  	s22 =	sadd.s32 $0x10, s4;
	s24 =	sadd.s32 $0x4E30, s4;
	s9 =	sadd.s32 $0x4000, s8  }
0x10: {  	s10 =	sadd.s32 $0x8000, s8;
	s11 =	sadd.s32 $0xC000, s8;
	s12 =	sadd.s32 $0x10000, s8  }
0x11: {  	s14 =	sadd.s32 $0x4E0, s4;
	s15 =	sadd.s32 $0x5300, s4;
	[dreg:$0x4] =	wrdreg s21  }
0x12: {  	s2 =	sadd.s32 $0xEE00, s2;
	s16 =	smax.u32 s16, $0x1;
	[dreg:$0x5] =	wrdreg s22  }
0x13: {  	[dreg:$0x6] =	wrdreg s24;
	s21 =	simm.s32 $0x300;
	s22 =	simm.s32 $0x5  }
0x14: {  	v0 =	vimm.f32 $0.0e+00;
	s24 =	sadd.s32 s26, s2;
	s26 =	simm.s32 $0x4300;
	s2 =	simm.s32 $0x0  }
.LBB2_1:
0x15: {  	[tilespmem:s3], [sflag:$0x1] =	stream.linear.gather [hbm4b:s4+s3], $0x80, $0x38;
	[tilespmem:$0x1C300] =	vst v63  }
0x16: {  	s5 =	rddreg [dreg:$0x4]  }
0x17: {  	[tilespmem:s18], [sflag:$0x1] =	stream.linear.gather [hbm4b:s5+s3], $0x80, $0x38;
	[tilespmem:$0x1C300] =	vst v63  }
0x18: {  	s6 =	rddreg [dreg:$0x5]  }
0x19: {  	[tilespmem:s19], [sflag:$0x2] =	stream.linear.gather [hbm4b:s6+s3], $0x80, $0x38;
	[tilespmem:$0x1C300] =	vst v63  }
0x1a: {  	s7 =	rddreg [dreg:$0x6];
	s5 =	simm.s32 $0x0;
	s6 =	simm.s32 $0x200  }
0x1b: {  	[tilespmem:s20], [sflag:$0x2] =	stream.linear.gather [hbm4b:s7+s3], $0x80, $0x38;
	[tilespmem:$0x1C300] =	vst v63  }
.LBB2_2:
0x1c: {  	p0 =	sne.s32 s6, $0xFE00;
	[tilespmem:s5+$0x370] =	vst v0  }
0x1d: {  	[tilespmem:s5+$0x300] =	vst v0  }
0x1e: {  	[tilespmem:s5+$0x310] =	vst v0  }
.Ltmp0:
0x1f: {  	[tilespmem:s5+$0x320] =	vst v0;
	(pc) =	sbr.rel @p0 .LBB2_2-.Ltmp0, $4  }
0x20: {  	[tilespmem:s5+$0x330] =	vst v0  }
0x21: {  	[tilespmem:s5+$0x340] =	vst v0  }
0x22: {  	[tilespmem:s5+$0x350] =	vst v0  }
0x23: {  	[tilespmem:s5+$0x360] =	vst v0;
	s5 =	sshra.s32 s6, $0x2;
	s6 =	sadd.s32 $0x200, s6  }
0x24: {  	[tilespmem:s5+$0x370] =	vst v0  }
0x25: {  	[tilespmem:s5+$0x300] =	vst v0  }
0x26: {  	[tilespmem:s5+$0x310] =	vst v0  }
0x27: {  	[tilespmem:s5+$0x320] =	vst v0  }
0x28: {  	[tilespmem:s5+$0x330] =	vst v0  }
0x29: {  	[tilespmem:s5+$0x340] =	vst v0  }
0x2a: {  	[tilespmem:s5+$0x350] =	vst v0  }
0x2b: {  	[tilespmem:s5+$0x360] =	vst v0  }
0x2c: {  	[spmem:s8] =	stream.linear.scatter [tilespmem:s21], [sflag:$0x5], $0x4000, $0x38;
	[tilespmem:$0x1C300] =	vst v63  }
0x2d: {  	_ =	swait.ge [sflag:s22], $0x4000  }
0x2e: {  	[sflag:s22] =	ssyncset.done $0x0  }
0x2f: {  	[sflag:s22] =	ssyncadd.s32 $0xFFFFC000  }
0x30: {  	[spmem:s9] =	stream.linear.scatter [tilespmem:s21], [sflag:$0x5], $0x4000, $0x38;
	[tilespmem:$0x1C300] =	vst v63  }
0x31: {  	_ =	swait.ge [sflag:s22], $0x4000  }
0x32: {  	[sflag:s22] =	ssyncset.done $0x0  }
0x33: {  	[sflag:s22] =	ssyncadd.s32 $0xFFFFC000  }
0x34: {  	[spmem:s10] =	stream.linear.scatter [tilespmem:s21], [sflag:$0x5], $0x4000, $0x38;
	[tilespmem:$0x1C300] =	vst v63  }
0x35: {  	_ =	swait.ge [sflag:s22], $0x4000  }
0x36: {  	[sflag:s22] =	ssyncset.done $0x0  }
0x37: {  	[sflag:s22] =	ssyncadd.s32 $0xFFFFC000  }
0x38: {  	[spmem:s11] =	stream.linear.scatter [tilespmem:s21], [sflag:$0x5], $0x4000, $0x38;
	[tilespmem:$0x1C300] =	vst v63  }
0x39: {  	_ =	swait.ge [sflag:s22], $0x4000  }
0x3a: {  	[sflag:s22] =	ssyncset.done $0x0  }
0x3b: {  	[sflag:s22] =	ssyncadd.s32 $0xFFFFC000  }
0x3c: {  	[spmem:s12] =	stream.linear.scatter [tilespmem:s21], [sflag:$0x5], $0x4000, $0x38;
	[tilespmem:$0x1C300] =	vst v63  }
0x3d: {  	_ =	swait.ge [sflag:s22], $0x4000  }
0x3e: {  	[sflag:s22] =	ssyncset.done $0x0  }
0x3f: {  	[sflag:s22] =	ssyncadd.s32 $0xFFFFC000  }
0x40: {  	[bflag:$0x0] =	sbarrier.arrive $0xFFFF  }
0x41: {  	_ =	swait.ge [sflag:s23], $0x80  }
0x42: {  	[sflag:s23] =	ssyncset.done $0x0  }
0x43: {  	[sflag:s23] =	ssyncadd.s32 $0xFFFFFF80  }
0x44: {  	_ =	swait.ge [sflag:s23], $0x80  }
0x45: {  	[sflag:s23] =	ssyncset.done $0x0  }
0x46: {  	[sflag:s23] =	ssyncadd.s32 $0xFFFFFF80  }
0x47: {  	[tilespmem:s21], [sflag:$0x3] =	stream.indirect.gather [hbm4b:s13+s18], $0x80, s3, s18, $0xb8;
	[tilespmem:$0x1C300] =	vst v63  }
0x48: {  	_ =	swait.ge [sflag:s25], $0x80  }
0x49: {  	[sflag:s25] =	ssyncset.done $0x0  }
0x4a: {  	[sflag:s25] =	ssyncadd.s32 $0xFFFFFF80  }
0x4b: {  	_ =	swait.ge [sflag:s25], $0x80  }
0x4c: {  	[sflag:s25] =	ssyncset.done $0x0  }
0x4d: {  	[sflag:s25] =	ssyncadd.s32 $0xFFFFFF80  }
0x4e: {  	[tilespmem:s26], [sflag:$0x4] =	stream.indirect.gather [hbm4b:s13+s18], $0x80, s19, s18, $0xb8;
	[tilespmem:$0x1C300] =	vst v63  }
0x4f: {  	_ =	swait.ge [sflag:s28], $0x4000  }
0x50: {  	[sflag:s28] =	ssyncset.done $0x0  }
0x51: {  	[sflag:s28] =	ssyncadd.s32 $0xFFFFC000  }
0x52: {  	[spmem:s1] =	stream.indirect.scatter.add.f32 [tilespmem:s21], [sflag:$0x5], $0x80, s18, s18, $0xb8;
	[tilespmem:$0x1C300] =	vst v63  }
0x53: {  	_ =	swait.ge [sflag:s22], $0x4000  }
0x54: {  	s5 =	sadd.s32 $0xFFFFFB40, s17;
	[sflag:s22] =	ssyncset.done $0x0  }
0x55: {  	s6 =	sadd.s32 $0x4E0, s5;
	[sflag:s22] =	ssyncadd.s32 $0xFFFFC000  }
0x56: {  	[tilespmem:s3], [sflag:$0x1] =	stream.linear.gather [hbm4b:s6+s3], $0x80, $0x38;
	[tilespmem:$0x1C300] =	vst v63  }
0x57: {  	s7 =	sadd.s32 $0x5300, s5  }
0x58: {  	[tilespmem:s18], [sflag:$0x1] =	stream.linear.gather [hbm4b:s7+s3], $0x80, $0x38;
	[tilespmem:$0x1C300] =	vst v63  }
0x59: {  	_ =	swait.ge [sflag:s29], $0x4000  }
0x5a: {  	[sflag:s29] =	ssyncset.done $0x0  }
0x5b: {  	[sflag:s29] =	ssyncadd.s32 $0xFFFFC000  }
0x5c: {  	[spmem:s1] =	stream.indirect.scatter.add.f32 [tilespmem:s26], [sflag:$0x5], $0x80, s20, s18, $0xb8;
	[tilespmem:$0x1C300] =	vst v63  }
0x5d: {  	_ =	swait.ge [sflag:s22], $0x4000  }
0x5e: {  	[sflag:s22] =	ssyncset.done $0x0  }
0x5f: {  	s7 =	sadd.s32 $0x4F0, s5;
	[sflag:s22] =	ssyncadd.s32 $0xFFFFC000  }
0x60: {  	[tilespmem:s19], [sflag:$0x2] =	stream.linear.gather [hbm4b:s7+s3], $0x80, $0x38;
	[tilespmem:$0x1C300] =	vst v63  }
0x61: {  	s5 =	sadd.s32 $0x5310, s5  }
0x62: {  	[tilespmem:s20], [sflag:$0x2] =	stream.linear.gather [hbm4b:s5+s3], $0x80, $0x38;
	[tilespmem:$0x1C300] =	vst v63  }
0x63: {  	_ =	swait.ge [sflag:s23], $0x80  }
0x64: {  	[sflag:s23] =	ssyncset.done $0x0  }
0x65: {  	[sflag:s23] =	ssyncadd.s32 $0xFFFFFF80  }
0x66: {  	_ =	swait.ge [sflag:s23], $0x80  }
0x67: {  	[sflag:s23] =	ssyncset.done $0x0  }
0x68: {  	[sflag:s23] =	ssyncadd.s32 $0xFFFFFF80  }
0x69: {  	[tilespmem:s21], [sflag:$0x3] =	stream.indirect.gather [hbm4b:s13+s18], $0x80, s3, s18, $0xb8;
	[tilespmem:$0x1C300] =	vst v63  }
0x6a: {  	_ =	swait.ge [sflag:s25], $0x80  }
0x6b: {  	[sflag:s25] =	ssyncset.done $0x0  }
0x6c: {  	[sflag:s25] =	ssyncadd.s32 $0xFFFFFF80  }
0x6d: {  	_ =	swait.ge [sflag:s25], $0x80  }
0x6e: {  	[sflag:s25] =	ssyncset.done $0x0  }
0x6f: {  	s5 =	simm.s32 $0xFFFFFB60;
	[sflag:s25] =	ssyncadd.s32 $0xFFFFFF80  }
.LBB2_4:
0x70: {  	[tilespmem:s26], [sflag:$0x4] =	stream.indirect.gather [hbm4b:s13+s18], $0x80, s19, s18, $0xb8;
	[tilespmem:$0x1C300] =	vst v63  }
0x71: {  	s6 =	smov.u32 s5  }
0x72: {  	p0 =	sne.s32 s5, $0xFFFFFFE0;
	s5 =	sadd.s32 $0x20, s5;
	_ =	swait.ge [sflag:s28], $0x4000  }
0x73: {  	[sflag:s28] =	ssyncset.done $0x0  }
0x74: {  	[sflag:s28] =	ssyncadd.s32 $0xFFFFC000  }
0x75: {  	[spmem:s1] =	stream.indirect.scatter.add.f32 [tilespmem:s21], [sflag:$0x5], $0x80, s18, s18, $0xb8;
	[tilespmem:$0x1C300] =	vst v63  }
0x76: {  	_ =	swait.ge [sflag:s22], $0x4000  }
0x77: {  	s6 =	sadd.s32 s6, s17;
	[sflag:s22] =	ssyncset.done $0x0  }
0x78: {  	s7 =	sadd.s32 $0x4E0, s6;
	[sflag:s22] =	ssyncadd.s32 $0xFFFFC000  }
0x79: {  	[tilespmem:s3], [sflag:$0x1] =	stream.linear.gather [hbm4b:s7+s3], $0x80, $0x38;
	[tilespmem:$0x1C300] =	vst v63  }
0x7a: {  	s7 =	sadd.s32 $0x5300, s6  }
0x7b: {  	[tilespmem:s18], [sflag:$0x1] =	stream.linear.gather [hbm4b:s7+s3], $0x80, $0x38;
	[tilespmem:$0x1C300] =	vst v63  }
0x7c: {  	_ =	swait.ge [sflag:s29], $0x4000  }
0x7d: {  	[sflag:s29] =	ssyncset.done $0x0  }
0x7e: {  	[sflag:s29] =	ssyncadd.s32 $0xFFFFC000  }
0x7f: {  	[spmem:s1] =	stream.indirect.scatter.add.f32 [tilespmem:s26], [sflag:$0x5], $0x80, s20, s18, $0xb8;
	[tilespmem:$0x1C300] =	vst v63  }
0x80: {  	_ =	swait.ge [sflag:s22], $0x4000  }
0x81: {  	[sflag:s22] =	ssyncset.done $0x0  }
0x82: {  	s7 =	sadd.s32 $0x4F0, s6;
	[sflag:s22] =	ssyncadd.s32 $0xFFFFC000  }
0x83: {  	[tilespmem:s19], [sflag:$0x2] =	stream.linear.gather [hbm4b:s7+s3], $0x80, $0x38;
	[tilespmem:$0x1C300] =	vst v63  }
0x84: {  	s6 =	sadd.s32 $0x5310, s6  }
0x85: {  	[tilespmem:s20], [sflag:$0x2] =	stream.linear.gather [hbm4b:s6+s3], $0x80, $0x38;
	[tilespmem:$0x1C300] =	vst v63  }
0x86: {  	_ =	swait.ge [sflag:s23], $0x80  }
0x87: {  	[sflag:s23] =	ssyncset.done $0x0  }
0x88: {  	[sflag:s23] =	ssyncadd.s32 $0xFFFFFF80  }
0x89: {  	_ =	swait.ge [sflag:s23], $0x80  }
0x8a: {  	[sflag:s23] =	ssyncset.done $0x0  }
0x8b: {  	[sflag:s23] =	ssyncadd.s32 $0xFFFFFF80  }
0x8c: {  	[tilespmem:s21], [sflag:$0x3] =	stream.indirect.gather [hbm4b:s13+s18], $0x80, s3, s18, $0xb8;
	[tilespmem:$0x1C300] =	vst v63  }
0x8d: {  	_ =	swait.ge [sflag:s25], $0x80  }
.Ltmp1:
0x8e: {  	[sflag:s25] =	ssyncset.done $0x0;
	(pc) =	sbr.rel @p0 .LBB2_4-.Ltmp1, $4  }
0x8f: {  	[sflag:s25] =	ssyncadd.s32 $0xFFFFFF80  }
0x90: {  	_ =	swait.ge [sflag:s25], $0x80  }
0x91: {  	[sflag:s25] =	ssyncset.done $0x0  }
0x92: {  	[sflag:s25] =	ssyncadd.s32 $0xFFFFFF80  }
0x93: {  	[tilespmem:s26], [sflag:$0x4] =	stream.indirect.gather [hbm4b:s13+s18], $0x80, s19, s18, $0xb8;
	[tilespmem:$0x1C300] =	vst v63  }
0x94: {  	_ =	swait.ge [sflag:s28], $0x4000  }
0x95: {  	[sflag:s28] =	ssyncset.done $0x0  }
0x96: {  	[sflag:s28] =	ssyncadd.s32 $0xFFFFC000  }
0x97: {  	[spmem:s1] =	stream.indirect.scatter.add.f32 [tilespmem:s21], [sflag:$0x5], $0x80, s18, s18, $0xb8;
	[tilespmem:$0x1C300] =	vst v63  }
0x98: {  	_ =	swait.ge [sflag:s22], $0x4000  }
0x99: {  	[sflag:s22] =	ssyncset.done $0x0  }
0x9a: {  	[sflag:s22] =	ssyncadd.s32 $0xFFFFC000  }
0x9b: {  	_ =	swait.ge [sflag:s29], $0x4000  }
0x9c: {  	[sflag:s29] =	ssyncset.done $0x0  }
0x9d: {  	[sflag:s29] =	ssyncadd.s32 $0xFFFFC000  }
0x9e: {  	[spmem:s1] =	stream.indirect.scatter.add.f32 [tilespmem:s26], [sflag:$0x5], $0x80, s20, s18, $0xb8;
	[tilespmem:$0x1C300] =	vst v63  }
0x9f: {  	_ =	swait.ge [sflag:s22], $0x4000  }
0xa0: {  	[sflag:s22] =	ssyncset.done $0x0  }
0xa1: {  	[sflag:s22] =	ssyncadd.s32 $0xFFFFC000  }
0xa2: {  	[tilespmem:s30], [sflag:$0x5] =	stream.linear.gather [hbm4b:s14+s3], $0x10, $0x38;
	[tilespmem:$0x1C300] =	vst v63  }
0xa3: {  	_ =	swait.ge [sflag:s22], $0x10  }
0xa4: {  	[sflag:s22] =	ssyncset.done $0x0  }
0xa5: {  	[sflag:s22] =	ssyncadd.s32 $0xFFFFFFF0  }
0xa6: {  	[tilespmem:s31], [sflag:$0x5] =	stream.linear.gather [hbm4b:s15+s3], $0x10, $0x38;
	[tilespmem:$0x1C300] =	vst v63  }
0xa7: {  	_ =	swait.ge [sflag:s22], $0x10  }
0xa8: {  	[sflag:s22] =	ssyncset.done $0x0  }
0xa9: {  	[sflag:s22] =	ssyncadd.s32 $0xFFFFFFF0  }
0xaa: {  	[tilespmem:s21], [sflag:$0x3] =	stream.indirect.gather [hbm4b:s13+s0], $0x80, s30, s0, $0xb8;
	[tilespmem:$0x1C300] =	vst v63  }
0xab: {  	_ =	swait.ge [sflag:s28], $0x800  }
0xac: {  	[sflag:s28] =	ssyncset.done $0x0  }
0xad: {  	[sflag:s28] =	ssyncadd.s32 $0xFFFFF800  }
0xae: {  	[spmem:s1] =	stream.indirect.scatter.add.f32 [tilespmem:s21], [sflag:$0x5], $0x80, s31, s0, $0xb8;
	[tilespmem:$0x1C300] =	vst v63  }
0xaf: {  	s5 =	stileid.u32;
	_ =	swait.ge [sflag:s22], $0x800  }
0xb0: {  	s6 =	sshrl.u32 s8, $0x3;
	s2 =	sadd.s32 $0x1, s2;
	[sflag:s22] =	ssyncset.done $0x0  }
0xb1: {  	s5 =	sshll.u32 s5, $0x6;
	p0 =	sne.s32 s2, s16;
	[sflag:s22] =	ssyncadd.s32 $0xFFFFF800  }
.Ltmp2:
0xb2: {  	s5 =	sor.u32 $0x1C05, s5;
	[bflag:$0x0] =	sbarrier.arrive $0xFFFF;
	(pc) =	sbr.rel @p0 .LBB2_1-.Ltmp2, $4  }
0xb3: {  	[hbm:s24], [sflag:s5] =	dma.local [spmem:s6], $0x2800  }
0xb4: {  	_ =	swait.ge [sflag:s22], $0x2800  }
0xb5: {  	[sflag:s22] =	ssyncset.done $0x0  }
0xb6: {  	[sflag:s22] =	ssyncadd.s32 $0xFFFFD800  }
0xb7: {  	_ =	sfence.sel $0x180000  }
0xb8: {  	[bflag:$0x0] =	sbarrier.arrive $0xFFFF  }
0xb9: {  	_ =	strace $0x90000050  }
0xba: {  	s0 =	stileid.u32;
	[bflag:$0x2] =	sbarrier.arrive $0xFFFF  }
0xbb: {  	p0 =	sne.s32 s0, $0x0;
	s0 =	rddreg [dreg:$0x3]  }
0xbc: {  	s0 =	sadd.s32 @!p0 $0x100000, s0  }
0xbd: {  	[sflag:s0] =	ssyncadd.tile.s32 @!p0 $0x1;
	_ =	shalt  }
.Lfunc_end2:
_tile_overlayer_lowered:
.L_overlay_start_2:
0xbe: {  	(tag) =	ssettag $0x2  }
0xbf: {  	s0 =	rddreg [dreg:$0x0];
	s2 =	stileid.u32  }
0xc0: {  	s1 =	rddreg [dreg:$0x1];
	p0 =	sne.s32 s2, $0x0  }
0xc1: {  	s3 =	rddreg [dreg:$0x2];
	[bflag:$0x3] =	sbarrier.arrive $0xFFFF;
	s2 =	simm.s32 @!p0 $0x1C05  }
0xc2: {  	[timem:s3], [sflag:s2] =	dma.local @!p0 [hbm:s0], s1  }
0xc3: {  	s0 =	simm.s32 @!p0 $0x5  }
0xc4: {  	_ =	swait.ge @!p0 [sflag:s0], s1  }
0xc5: {  	s1 =	ssub.s32 @!p0 $0x0, s1;
	[sflag:s0] =	ssyncset.done @!p0 $0x0  }
0xc6: {  	[sflag:s0] =	ssyncadd.s32 @!p0 s1  }
0xc7: {  	[bflag:$0x3] =	sbarrier.arrive $0xFFFF  }
0xc8: {  	_ =	shalt  }

// kernel: kernel.9.cloned.1.call-start
scs
__scs_entry_jumppad:
0x0: {  	(pc) =	sbr.rel $0x88, $3  }
0x1: {  	(tag) =	ssettag $0x0;
	lr =	simm.s32 $0x1  }
0x2: {  	[smem:$0x3F8B] =	sst lr;
	_ =	strace $0xD0000000  }
0x3: {  	_ = 	snop  }
0x4: {  	_ = 	snop  }
0x5: {  	_ = 	snop  }
0x6: {  	_ = 	snop  }
0x7: {  	_ = 	snop  }
__scs_overlays_trampoline_lowered:
0x8: {  	[smem:$0x3F9A] =	sst s0  }
0x9: {  	[smem:$0x3F9B] =	sst s1  }
0xa: {  	[smem:$0x3F9C] =	sst s2  }
0xb: {  	[smem:$0x3F9D] =	sst s3  }
0xc: {  	[smem:$0x3F9E] =	sst s4  }
0xd: {  	[smem:$0x3F9F] =	sst s5  }
0xe: {  	[smem:$0x3FA0] =	sst s6  }
0xf: {  	[smem:$0x3FA1] =	sst s7  }
0x10: {  	[smem:$0x3FA2] =	sst s8  }
0x11: {  	[smem:$0x3FA3] =	sst s9;
	s0 =	simm.s32 @!p0 $0x0  }
0x12: {  	s1 =	sld [smem:$0x3F89];
	s0 =	simm.s32 @p0 $0x1  }
0x13: {  	[smem:$0x3FA4] =	sst s0;
	s0 =	simm.s32 @!p1 $0x0  }
0x14: {  	s2 =	sld [smem:$0x3F88];
	s0 =	simm.s32 @p1 $0x1  }
0x15: {  	[smem:$0x3FA5] =	sst s0;
	s0 =	simm.s32 @!p2 $0x0  }
0x16: {  	s3 =	sld [smem:$0x3FDB];
	s0 =	simm.s32 @p2 $0x1  }
0x17: {  	s4 =	simm.s32 $0x1BF5;
	[smem:$0x3FA7] =	sst s0  }
0x18: {  	s0 =	sld [smem:$0x3F8A];
	_ =	swait.ge [sflag:s4], $0x0  }
0x19: {  	s7 =	sld [smem:$0x3F8B]  }
0x1a: {  	s8 =	sadd.s32 $0xFFFFE003, lr  }
0x1b: {  	s9 =	sadd.s32 $0xFFFFFEF7, lr;
	s5 =	simm.s32 $0xFFFFFFFF;
	p2 =	slt.u32 s8, $0xFFFFF086  }
0x1c: {  	p1 =	slt.u32 s9, $0xF7A;
	s5 =	simm.s32 @!p2 $0x0  }
0x1d: {  	s5 =	simm.s32 @p1 $0x1;
	p0 =	seq.s32 s7, s2  }
0x1e: {  	s7 =	smul.u32 @!p0 $0xF7A, s2;
	p2 =	seq.s32 @!p0 s5, $0x0  }
0x1f: {  	s9 =	smul.u32 $0xF7A, s1;
	s8 =	simm.s32 @!p0 $0x1BF5;
	p2 =	por !p2, p0  }
0x20: {  	[sflag:s8] =	ssyncset.s32 @!p0 $0xFFFFF086;
	s6 =	sadd.s32 @!p0 s3, s7;
	s7 =	simm.s32 @!p0 $0x108  }
0x21: {  	s3 =	sadd.s32 s3, s9;
	s6 =	sadd.s32 @!p0 $0x88, s6;
	s7 =	simm.s32 @p2 $0x1082  }
0x22: {  	[simem:s7], [sflag:s8] =	dma.local @!p0 [hbm:s6], $0xF7A  }
0x23: {  	s9 =	sor.u32 $0xD0000000, s2;
	s6 =	simm.s32 $0x108;
	_ =	swait.ge @!p0 [sflag:s8], $0x0  }
0x24: {  	s3 =	sadd.s32 $0x88, s3;
	s6 =	simm.s32 @!p1 $0x1082;
	[sflag:s4] =	ssyncset.s32 $0xFFFFF086  }
0x25: {  	[simem:s6], [sflag:s4] =	dma.local [hbm:s3], $0xF7A  }
0x26: {  	[smem:$0x3F8B] =	sst s1;
	(tag) =	ssettag s2;
	_ =	strace s9  }
0x27: {  	s1 =	sld [smem:$0x3F9B]  }
0x28: {  	s2 =	sld [smem:$0x3F9C]  }
0x29: {  	s4 =	sld [smem:$0x3F9E]  }
0x2a: {  	p0 =	seq.s32 s5, $0x0;
	s5 =	sld [smem:$0x3F9F]  }
0x2b: {  	s6 =	sld [smem:$0x3FA0]  }
0x2c: {  	s7 =	sld [smem:$0x3FA1]  }
0x2d: {  	s3 =	simm.s32 $0x108;
	s8 =	sld [smem:$0x3FA2]  }
0x2e: {  	s3 =	simm.s32 @!p0 $0x1082;
	s9 =	sld [smem:$0x3FA3]  }
0x2f: {  	lr =	sadd.s32 s0, s3;
	s0 =	sld [smem:$0x3F9A]  }
0x30: {  	s3 =	sld [smem:$0x3F9D]  }
0x31: {  	[smem:$0x3FA6] =	sst s10  }
0x32: {  	s10 =	sld [smem:$0x3FA4];
	_ =	sdelay $0x3  }
0x33: {  	p0 =	seq.s32 s10, $0x1;
	s10 =	sld [smem:$0x3FA6];
	_ =	sdelay $0x3  }
0x34: {  	[smem:$0x3FA6] =	sst s10  }
0x35: {  	s10 =	sld [smem:$0x3FA5];
	_ =	sdelay $0x3  }
0x36: {  	p1 =	seq.s32 s10, $0x1;
	s10 =	sld [smem:$0x3FA6];
	_ =	sdelay $0x3  }
0x37: {  	[smem:$0x3FA6] =	sst s10  }
0x38: {  	s10 =	sld [smem:$0x3FA7]  }
0x39: {  	_ = 	snop;
	(pc) =	sbr.ind lr, $3  }
0x3a: {  	_ = 	snop  }
0x3b: {  	_ = 	snop  }
0x3c: {  	p2 =	seq.s32 s10, $0x1;
	s10 =	sld [smem:$0x3FA6]  }
0x3d: {  	_ =	shalt  }
0x3e: {  	_ =	shalt  }
0x3f: {  	_ =	shalt  }
0x40: {  	_ =	shalt  }
0x41: {  	_ =	shalt  }
0x42: {  	_ =	shalt  }
0x43: {  	_ =	shalt  }
0x44: {  	_ =	shalt  }
0x45: {  	_ =	shalt  }
0x46: {  	_ =	shalt  }
0x47: {  	_ =	shalt  }
0x48: {  	_ =	shalt  }
0x49: {  	_ =	shalt  }
0x4a: {  	_ =	shalt  }
0x4b: {  	_ =	shalt  }
0x4c: {  	_ =	shalt  }
0x4d: {  	_ =	shalt  }
0x4e: {  	_ =	shalt  }
0x4f: {  	_ =	shalt  }
0x50: {  	_ =	shalt  }
0x51: {  	_ =	shalt  }
0x52: {  	_ =	shalt  }
0x53: {  	_ =	shalt  }
0x54: {  	_ =	shalt  }
0x55: {  	_ =	shalt  }
0x56: {  	_ =	shalt  }
0x57: {  	_ =	shalt  }
0x58: {  	_ =	shalt  }
0x59: {  	_ =	shalt  }
0x5a: {  	_ =	shalt  }
0x5b: {  	_ =	shalt  }
0x5c: {  	_ =	shalt  }
0x5d: {  	_ =	shalt  }
0x5e: {  	_ =	shalt  }
0x5f: {  	_ =	shalt  }
0x60: {  	_ =	shalt  }
0x61: {  	_ =	shalt  }
0x62: {  	_ =	shalt  }
0x63: {  	_ =	shalt  }
0x64: {  	_ =	shalt  }
0x65: {  	_ =	shalt  }
0x66: {  	_ =	shalt  }
0x67: {  	_ =	shalt  }
0x68: {  	_ =	shalt  }
0x69: {  	_ =	shalt  }
0x6a: {  	_ =	shalt  }
0x6b: {  	_ =	shalt  }
0x6c: {  	_ =	shalt  }
0x6d: {  	_ =	shalt  }
0x6e: {  	_ =	shalt  }
0x6f: {  	_ =	shalt  }
0x70: {  	_ =	shalt  }
0x71: {  	_ =	shalt  }
0x72: {  	_ =	shalt  }
0x73: {  	_ =	shalt  }
0x74: {  	_ =	shalt  }
0x75: {  	_ =	shalt  }
0x76: {  	_ =	shalt  }
0x77: {  	_ =	shalt  }
0x78: {  	_ =	shalt  }
0x79: {  	_ =	shalt  }
0x7a: {  	_ =	shalt  }
0x7b: {  	_ =	shalt  }
0x7c: {  	_ =	shalt  }
0x7d: {  	_ =	shalt  }
0x7e: {  	_ =	shalt  }
0x7f: {  	_ =	shalt  }
0x80: {  	_ =	shalt  }
0x81: {  	_ =	shalt  }
0x82: {  	_ =	shalt  }
0x83: {  	_ =	shalt  }
0x84: {  	_ =	shalt  }
0x85: {  	_ =	shalt  }
0x86: {  	_ =	shalt  }
0x87: {  	_ =	shalt  }
.Lfunc_end0:
.L_simem_size_0:
called_computation.1_lowered:
.L_overlay_start_0:
0x88: {  	s2 =	sld [smem:$0x3FD9]  }
0x89: {  	s3 =	sld [smem:$0x3FFE];
	_ =	sdelay $0x1  }
0x8a: {  	s1 =	srdreg.scid  }
0x8b: {  	s0 =	sand.u32 $0x1, s1  }
0x8c: {  	s17 =	sshll.u32 s0, $0xA;
	s2 =	sadd.s32 s3, s2  }
0x8d: {  	s2 =	sadd.s32 s2, s17  }
0x8e: {  	[smem:$0x3FB2] =	sst s2  }
0x8f: {  	_ = 	snop  }
0x90: {  	s2 =	sld [smem:$0x3FD0];
	(tm) =	ssettm $0x1  }
0x91: {  	s18 =	sld [smem:$0x3FFB];
	_ =	sdelay $0x3  }
0x92: {  	_ =	strace s18  }
0x93: {  	s3 =	sld [smem:$0x3FFC];
	_ =	sdelay $0x3  }
0x94: {  	_ =	strace s3  }
0x95: {  	s3 =	sld [smem:$0x3FFD];
	_ =	sdelay $0x3  }
0x96: {  	_ =	strace s3  }
0x97: {  	_ =	strace $0x8FFFFFFF  }
0x98: {  	s19 =	sld [smem:$0x3FDB];
	_ =	sdelay $0x1  }
0x99: {  	s4 =	simm.s32 $_scs_section_size  }
0x9a: {  	s5 =	simm.s32 $_size__tile_overlayer_lowered;
	s6 =	simm.s32 $_tile_overlayer_lowered  }
0x9b: {  	s22 =	simm.s32 $0x1BFF;
	s21 =	sshll.u32 s6, $0x1;
	s3 =	sadd.s32 s4, s19  }
0x9c: {  	s7 =	simm.s32 $0x0;
	s20 =	sshll.u32 s5, $0x1;
	s5 =	sadd.s32 s21, s3  }
0x9d: {  	[timem:s7], [sflag:s22] =	dma.local [hbm:s5], s20  }
0x9e: {  	_ =	swait.ge [sflag:s22], s20  }
0x9f: {  	s4 =	ssub.s32 $0x0, s20;
	[sflag:s22] =	ssyncset.done $0x0  }
0xa0: {  	[sflag:s22] =	ssyncadd.s32 s4;
	_ =	sdelay $0x1  }
0xa1: {  	s23 =	simm.s32 $0x1B8B  }
0xa2: {  	_ =	swait.ge [sflag:s23], $0x1  }
0xa3: {  	[sflag:s23] =	ssyncset.done $0x0  }
0xa4: {  	s25 =	simm.s32 $0x1B8E;
	s24 =	sld [smem:$0x3FFE];
	[sflag:s23] =	ssyncadd.s32 $0xFFFFFFFF  }
0xa5: {  	s26 =	simm.s32 $execute0_lowered;
	[smem:$0x3FD2] =	sst s25  }
0xa6: {  	s5 =	sshll.u32 s26, $0x1;
	_ =	strace $0x80000046;
	[dreg:$0x1] =	wrdreg $0xFFFFFFFF  }
0xa7: {  	s28 =	simm.s32 $_size_execute0_lowered;
	s3 =	sadd.s32 s3, s5;
	[dreg:$0x0] =	wrdreg $0x0  }
0xa8: {  	s5 =	sshll.u32 s28, $0x1;
	[dreg:$0x2] =	wrdreg s3  }
0xa9: {  	[dreg:$0x3] =	wrdreg s5  }
0xaa: {  	[dreg:$0x4] =	wrdreg $0xC0  }
0xab: {  	_ =	task [dreg:s7], $0x5FFFF  }
0xac: {  	[dreg:$0x1] =	wrdreg $0xFFFFFFFF  }
0xad: {  	[dreg:$0x0] =	wrdreg $0x60  }
0xae: {  	[dreg:$0x2] =	wrdreg s24  }
0xaf: {  	[dreg:$0x3] =	wrdreg s2  }
0xb0: {  	[dreg:$0x4] =	wrdreg $0x4000  }
0xb1: {  	[dreg:$0x5] =	wrdreg $0xA  }
0xb2: {  	_ =	task.clear_ibuf [dreg:s7], $0x6FFFF;
	_ =	strace $0x90000046  }
0xb3: {  	s29 =	simm.s32 $0xA;
	_ =	strace $0x80000048  }
0xb4: {  	_ =	swait.ge [sflag:s29], $0x1  }
0xb5: {  	[sflag:s29] =	ssyncadd.s32 $0xFFFFFFFF  }
0xb6: {  	_ =	strace $0x90000048  }
0xb7: {  	_ =	sfence  }
0xb8: {  	s30 =	sld [smem:$0x0];
	_ =	sdelay $0x2  }
0xb9: {  	s31 =	sshll.u32 s1, $0xD;
	s1 =	sshrl.u32 s1, $0x2  }
0xba: {  	s3 =	sand.u32 $0x4000, s31;
	s1 =	sadd.s32 s1, s30  }
0xbb: {  	s0 =	sor.u32 s3, s0;
	s1 =	sshll.u32 s1, $0x11  }
0xbc: {  	s0 =	sor.u32 s1, s0  }
0xbd: {  	s0 =	sadd.s32 $0x8F2B, s0  }
0xbe: {  	[sflag:s0] =	ssyncadd.remote.s32 $0x1  }
0xbf: {  	_ =	sfence.sel $0xFFFF  }
0xc0: {  	[dreg:$0x0] =	wrdreg $0xFFFFFFFF;
	(pc) =	sbr.abs _section_cstart, $3  }
0xc1: {  	[dreg:$0x1] =	wrdreg $0xFFFFFFFF  }
0xc2: {  	_ =	task.clear_ibuf [dreg:s7], $0x2FFFF;
	_ =	strace $0x9FFFFFFF  }
0xc3: {  	(tm) =	ssettm $0x7FFFFFFF  }
tec
execute0_lowered:
.L_overlay_start_1:
0x0: {  	(tag) =	ssettag $0x1  }
0x1: {  	s4 =	rddreg [dreg:$0x0]  }
0x2: {  	s6 =	rddreg [dreg:$0x1]  }
0x3: {  	s2 =	rddreg [dreg:$0x2]  }
0x4: {  	s0 =	rddreg [dreg:$0x3]  }
0x5: {  	s5 =	srdreg.scid;
	s1 =	stileid.u32  }
0x6: {  	s3 =	simm.s32 $0x0;
	s16 =	simm.s32 $0x10;
	s26 =	smul.u32 $0x2710, s1  }
0x7: {  	s17 =	simm.s32 $0x0;
	s12 =	sand.u32 $0x1, s5;
	s8 =	smul.u32 $0xA00, s1  }
0x8: {  	[smem:$0x7FF] =	sst s3;
	s11 =	sadd.s32 $0x5000, s4;
	s14 =	smul.u32 $0xA0, s1  }
0x9: {  	s15 =	sshll.u32 s1, $0x6;
	s7 =	ssub.s32 $0x2, s12;
	_ =	strace $0x80000047  }
0xa: {  	s10 =	smul.u32 $0x1380, s12;
	s30 =	sshll.u32 s12, $0x4;
	p0 =	seq.s32 s12, $0x0  }
0xb: {  	s9 =	sshrl.u32 s7, $0x1;
	s28 =	sshrl.u32 s8, $0x2;
	s29 =	sshrl.u32 s26, $0x3  }
0xc: {  	s13 =	sadd.s32 s6, s30;
	s7 =	ssub.s32 s7, s9;
	s4 =	sadd.s32 s28, s2  }
0xd: {  	s5 =	sadd.s32 s10, s26;
	s8 =	sadd.s32 s11, s29;
	s9 =	simm.s32 $0x1  }
0xe: {  	s12 =	sadd.s32 s14, s13;
	s13 =	sor.u32 $0x1C01, s15;
	s15 =	simm.s32 $0x20  }
0xf: {  	s10 =	sadd.s32 $0x27100, s5;
	s5 =	sadd.s32 $0x5300, s8;
	s6 =	smax.u32 s7, $0x1  }
0x10: {  	s8 =	simm.s32 $0x180;
	s14 =	sshrl.u32 s4, $0x3;
	s31 =	sshrl.u32 s10, $0x3  }
0x11: {  	v0 =	vimm.f32 $1.000000000e+00;
	v1 =	vimm.f32 $0.0e+00;
	s10 =	simm.s32 $0x80;
	s7 =	sadd.s32 s31, s11;
	s11 =	simm.s32 $0x100  }
.LBB2_1:
0x12: {  	[tilespmem:$0x100] =	vst v0  }
0x13: {  	[tilespmem:$0x110] =	vst v0  }
0x14: {  	[tilespmem:$0x120] =	vst v0  }
0x15: {  	[tilespmem:$0x130] =	vst v0  }
0x16: {  	[tilespmem:$0x140] =	vst v0  }
0x17: {  	[tilespmem:$0x150] =	vst v0  }
0x18: {  	[tilespmem:$0x160] =	vst v0  }
0x19: {  	[tilespmem:$0x170] =	vst v0  }
0x1a: {  	[tilespmem:$0x180] =	vst v1  }
0x1b: {  	[tilespmem:$0x190] =	vst v1  }
0x1c: {  	[tilespmem:$0x1A0] =	vst v1  }
0x1d: {  	[tilespmem:$0x1B0] =	vst v1  }
0x1e: {  	[tilespmem:$0x1C0] =	vst v1  }
0x1f: {  	[tilespmem:$0x1D0] =	vst v1  }
0x20: {  	[tilespmem:$0x1E0] =	vst v1  }
0x21: {  	[tilespmem:$0x1F0] =	vst v1  }
0x22: {  	[tilespmem:$0x200] =	vst v1  }
0x23: {  	[tilespmem:$0x210] =	vst v1  }
0x24: {  	[tilespmem:$0x220] =	vst v1  }
0x25: {  	[tilespmem:$0x230] =	vst v1  }
0x26: {  	[tilespmem:$0x240] =	vst v1  }
0x27: {  	[tilespmem:$0x250] =	vst v1  }
0x28: {  	[tilespmem:$0x260] =	vst v1  }
0x29: {  	[tilespmem:$0x270] =	vst v1  }
0x2a: {  	[tilespmem:$0x280] =	vst v1  }
0x2b: {  	[tilespmem:$0x290] =	vst v1  }
0x2c: {  	[tilespmem:$0x2A0] =	vst v1  }
0x2d: {  	[tilespmem:$0x2B0] =	vst v1  }
0x2e: {  	[tilespmem:$0x2C0] =	vst v1  }
0x2f: {  	[tilespmem:$0x2D0] =	vst v1  }
0x30: {  	[tilespmem:$0x2E0] =	vst v1  }
0x31: {  	[tilespmem:$0x2F0] =	vst v1  }
0x32: {  	[tilespmem:$0x300] =	vst v1  }
0x33: {  	[tilespmem:$0x310] =	vst v1  }
0x34: {  	[tilespmem:$0x320] =	vst v1  }
0x35: {  	[tilespmem:$0x330] =	vst v1  }
0x36: {  	[tilespmem:$0x340] =	vst v1  }
0x37: {  	[tilespmem:$0x350] =	vst v1  }
0x38: {  	[tilespmem:$0x360] =	vst v1  }
0x39: {  	[tilespmem:$0x370] =	vst v1  }
0x3a: {  	[tilespmem:$0x380] =	vst v1  }
0x3b: {  	[tilespmem:$0x390] =	vst v1  }
0x3c: {  	[tilespmem:$0x3A0] =	vst v1  }
0x3d: {  	[tilespmem:$0x3B0] =	vst v1  }
0x3e: {  	[tilespmem:$0x3C0] =	vst v1  }
0x3f: {  	[tilespmem:$0x3D0] =	vst v1  }
0x40: {  	[tilespmem:$0x3E0] =	vst v1  }
0x41: {  	[tilespmem:$0x3F0] =	vst v1  }
0x42: {  	[spmem:s4] =	stream.linear.scatter [tilespmem:s8], [sflag:$0x1], $0x280, $0x38;
	[tilespmem:$0x680] =	vst v63  }
0x43: {  	_ =	swait.ge [sflag:s9], $0x280  }
0x44: {  	[sflag:s9] =	ssyncset.done $0x0  }
0x45: {  	[sflag:s9] =	ssyncadd.s32 $0xFFFFFD80  }
0x46: {  	s18 =	sadd.s32 $0x0, s7;
	[bflag:$0x0] =	sbarrier.arrive $0xFFFF  }
0x47: {  	[tilespmem:s3], [sflag:$0x1] =	stream.linear.gather [hbm4b:s18+s3], $0x80, $0x38;
	[tilespmem:$0x680] =	vst v63  }
0x48: {  	_ =	swait.ge [sflag:s9], $0x80  }
0x49: {  	[sflag:s9] =	ssyncset.done $0x0  }
0x4a: {  	[sflag:s9] =	ssyncadd.s32 $0xFFFFFF80  }
0x4b: {  	[spmem:s2] =	stream.indirect.scatter.add.f32 [tilespmem:s11], [sflag:$0x1], $0x1, s3, s10, $0xb8;
	[tilespmem:$0x680] =	vst v63  }
0x4c: {  	_ =	swait.ge [sflag:s9], $0x80  }
0x4d: {  	s19 =	simm.s32 $0x20;
	s18 =	simm.s32 $0x10;
	[sflag:s9] =	ssyncset.done $0x0  }
.LBB2_2:
0x4e: {  	s20 =	sadd.s32 s18, s7  }
0x4f: {  	[sflag:s9] =	ssyncadd.s32 $0xFFFFFF80;
	s18 =	smov.u32 s19;
	s21 =	sadd.s32 $0x10, s19  }
0x50: {  	[tilespmem:s3], [sflag:$0x1] =	stream.linear.gather [hbm4b:s20+s3], $0x80, $0x38;
	[tilespmem:$0x680] =	vst v63  }
0x51: {  	p1 =	sne.s32 s19, $0x260;
	_ =	swait.ge [sflag:s9], $0x80  }
.Ltmp0:
0x52: {  	[sflag:s9] =	ssyncset.done $0x0;
	(pc) =	sbr.rel @p1 .LBB2_2-.Ltmp0, $4  }
0x53: {  	[sflag:s9] =	ssyncadd.s32 $0xFFFFFF80  }
0x54: {  	[spmem:s2] =	stream.indirect.scatter.add.f32 [tilespmem:s11], [sflag:$0x1], $0x1, s3, s10, $0xb8;
	[tilespmem:$0x680] =	vst v63  }
0x55: {  	_ =	swait.ge [sflag:s9], $0x80  }
0x56: {  	s19 =	smov.u32 s21;
	[sflag:s9] =	ssyncset.done $0x0  }
0x57: {  	s18 =	sadd.s32 s18, s7;
	[sflag:s9] =	ssyncadd.s32 $0xFFFFFF80  }
0x58: {  	[tilespmem:s3], [sflag:$0x1] =	stream.linear.gather [hbm4b:s18+s3], $0x80, $0x38;
	[tilespmem:$0x680] =	vst v63  }
0x59: {  	_ =	swait.ge [sflag:s9], $0x80  }
0x5a: {  	[sflag:s9] =	ssyncset.done $0x0  }
0x5b: {  	[sflag:s9] =	ssyncadd.s32 $0xFFFFFF80  }
0x5c: {  	[spmem:s2] =	stream.indirect.scatter.add.f32 [tilespmem:s11], [sflag:$0x1], $0x1, s3, s10, $0xb8;
	[tilespmem:$0x680] =	vst v63  }
0x5d: {  	_ =	swait.ge [sflag:s9], $0x80  }
0x5e: {  	[sflag:s9] =	ssyncset.done $0x0  }
0x5f: {  	s19 =	simm.s32 @!p0 $0x80;
	s18 =	simm.s32 @!p0 $0x0;
	[sflag:s9] =	ssyncadd.s32 $0xFFFFFF80  }
0x60: {  	[tilespmem:s19], [sflag:$0x1] =	stream.linear.gather @!p0 [hbm4b:s5+s18], $0x10, $0x38;
	[tilespmem:$0x680] =	vst v63  }
0x61: {  	s18 =	simm.s32 @!p0 $0x1  }
0x62: {  	_ =	swait.ge @!p0 [sflag:s18], $0x10  }
0x63: {  	[sflag:s18] =	ssyncset.done @!p0 $0x0  }
0x64: {  	s20 =	simm.s32 @!p0 $0x10;
	s21 =	simm.s32 @!p0 $0x100;
	[sflag:s18] =	ssyncadd.s32 @!p0 $0xFFFFFFF0  }
0x65: {  	[spmem:s2] =	stream.indirect.scatter.add.f32 @!p0 [tilespmem:s21], [sflag:$0x1], $0x1, s19, s20, $0xb8;
	[tilespmem:$0x680] =	vst v63  }
0x66: {  	_ =	swait.ge @!p0 [sflag:s18], $0x10  }
0x67: {  	s17 =	sadd.s32 $0x1, s17;
	[sflag:s18] =	ssyncset.done @!p0 $0x0  }
0x68: {  	p1 =	sne.s32 s17, s6;
	[sflag:s18] =	ssyncadd.s32 @!p0 $0xFFFFFFF0  }
.Ltmp1:
0x69: {  	[bflag:$0x0] =	sbarrier.arrive $0xFFFF;
	(pc) =	sbr.rel @p1 .LBB2_1-.Ltmp1, $4  }
0x6a: {  	[hbm:s12@s15], [sflag:s13] =	dma.strided [spmem:s14@s16], $0x50, s9, $0x10   }
0x6b: {  	_ =	swait.ge [sflag:s9], $0x50  }
0x6c: {  	[sflag:s9] =	ssyncset.done $0x0  }
0x6d: {  	[sflag:s9] =	ssyncadd.s32 $0xFFFFFFB0  }
0x6e: {  	_ =	sfence.sel $0x180000  }
0x6f: {  	[bflag:$0x0] =	sbarrier.arrive $0xFFFF  }
0x70: {  	p0 =	sne.s32 s1, $0x0;
	_ =	strace $0x90000047  }
0x71: {  	s0 =	sadd.s32 @!p0 $0x100000, s0;
	[bflag:$0x2] =	sbarrier.arrive $0xFFFF  }
0x72: {  	[sflag:s0] =	ssyncadd.tile.s32 @!p0 $0x1;
	_ =	shalt  }
.Lfunc_end2:
_tile_overlayer_lowered:
.L_overlay_start_2:
0x73: {  	(tag) =	ssettag $0x2  }
0x74: {  	s0 =	rddreg [dreg:$0x0];
	s2 =	stileid.u32  }
0x75: {  	s1 =	rddreg [dreg:$0x1];
	p0 =	sne.s32 s2, $0x0  }
0x76: {  	s3 =	rddreg [dreg:$0x2];
	[bflag:$0x3] =	sbarrier.arrive $0xFFFF;
	s2 =	simm.s32 @!p0 $0x1C01  }
0x77: {  	[timem:s3], [sflag:s2] =	dma.local @!p0 [hbm:s0], s1  }
0x78: {  	s0 =	simm.s32 @!p0 $0x1  }
0x79: {  	_ =	swait.ge @!p0 [sflag:s0], s1  }
0x7a: {  	s1 =	ssub.s32 @!p0 $0x0, s1;
	[sflag:s0] =	ssyncset.done @!p0 $0x0  }
0x7b: {  	[sflag:s0] =	ssyncadd.s32 @!p0 s1  }
0x7c: {  	[bflag:$0x3] =	sbarrier.arrive $0xFFFF  }
0x7d: {  	_ =	shalt  }

// kernel: sparse-core-data-format-call.cloned.1.call-start
scs
called_computation_lowered:
.L_overlay_start_0:
0x0: {  	s2 =	sld [smem:$0x3FD9]  }
0x1: {  	s3 =	sld [smem:$0x3FFE];
	_ =	sdelay $0x1  }
0x2: {  	s1 =	srdreg.scid  }
0x3: {  	s0 =	sand.u32 $0x1, s1  }
0x4: {  	s18 =	sshll.u32 s0, $0xA;
	s2 =	sadd.s32 s3, s2  }
0x5: {  	s2 =	sadd.s32 s2, s18  }
0x6: {  	[smem:$0x3FB2] =	sst s2  }
0x7: {  	_ = 	snop  }
0x8: {  	s19 =	sld [smem:$0x3FC9];
	(tm) =	ssettm $0x1  }
0x9: {  	s20 =	sld [smem:$0x3FFB];
	_ =	sdelay $0x3  }
0xa: {  	_ =	strace s20  }
0xb: {  	s2 =	sld [smem:$0x3FFC];
	_ =	sdelay $0x3  }
0xc: {  	_ =	strace s2  }
0xd: {  	s2 =	sld [smem:$0x3FFD];
	_ =	sdelay $0x3  }
0xe: {  	_ =	strace s2  }
0xf: {  	_ =	strace $0x8FFFFFFF  }
0x10: {  	s21 =	sld [smem:$0x3FDB];
	_ =	sdelay $0x1  }
0x11: {  	s4 =	simm.s32 $_scs_section_size  }
0x12: {  	s5 =	simm.s32 $_size__tile_overlayer_lowered;
	s6 =	simm.s32 $_tile_overlayer_lowered  }
0x13: {  	s7 =	simm.s32 $0x1BFF;
	s22 =	sshll.u32 s6, $0x1;
	s4 =	sadd.s32 s4, s21  }
0x14: {  	s23 =	simm.s32 $0x0;
	s5 =	sshll.u32 s5, $0x1;
	s6 =	sadd.s32 s22, s4  }
0x15: {  	[timem:s23], [sflag:s7] =	dma.local [hbm:s6], s5  }
0x16: {  	_ =	swait.ge [sflag:s7], s5  }
0x17: {  	s5 =	ssub.s32 $0x0, s5;
	[sflag:s7] =	ssyncset.done $0x0  }
0x18: {  	[sflag:s7] =	ssyncadd.s32 s5;
	_ =	sdelay $0x1  }
0x19: {  	s24 =	simm.s32 $0x1B8B  }
0x1a: {  	_ =	swait.ge [sflag:s24], $0x1  }
0x1b: {  	[sflag:s24] =	ssyncset.done $0x0  }
0x1c: {  	[sflag:s24] =	ssyncadd.s32 $0xFFFFFFFF  }
0x1d: {  	s5 =	sld [smem:$0x0]  }
0x1e: {  	s6 =	sand.u32 $0xFFFFFFFE, s1  }
0x1f: {  	p0 =	sne.s32 s1, s6  }
0x20: {  	s6 =	sshll.u32 @p0 s6, $0xE  }
0x21: {  	s6 =	sadd.s32 @p0 $0x11B8D, s6;
	s7 =	sshll.u32 @p0 s5, $0x11  }
0x22: {  	s6 =	sor.u32 @p0 s7, s6  }
0x23: {  	[sflag:s6] =	ssyncadd.remote.s32 @p0 $0x1;
	_ =	sdelay $0x1  }
0x24: {  	s6 =	simm.s32 @p0 $0x1B8D  }
0x25: {  	_ =	swait.eq @p0 [sflag:s6], $0x1  }
0x26: {  	[sflag:s6] =	ssyncadd.s32 @p0 $0xFFFFFFFF  }
0x27: {  	s7 =	sshll.u32 @!p0 s1, $0xE  }
0x28: {  	s7 =	sor.u32 @!p0 $0x4000, s7;
	s6 =	simm.s32 @!p0 $0x1B8D  }
0x29: {  	s5 =	sshll.u32 @!p0 s5, $0x11;
	s7 =	sadd.s32 @!p0 $0x11B8D, s7;
	_ =	swait.eq @!p0 [sflag:s6], $0x1  }
0x2a: {  	s5 =	sor.u32 @!p0 s5, s7;
	[sflag:s6] =	ssyncadd.s32 @!p0 $0xFFFFFFFF  }
0x2b: {  	s26 =	simm.s32 $0x1B8E;
	s25 =	sld [smem:$0x3FFE];
	[sflag:s5] =	ssyncadd.remote.s32 @!p0 $0x1  }
0x2c: {  	s27 =	simm.s32 $execute0_lowered;
	[smem:$0x3FD2] =	sst s26  }
0x2d: {  	s6 =	sshll.u32 s27, $0x1;
	_ =	strace $0x80000049;
	[dreg:$0x1] =	wrdreg $0xFFFFFFFF  }
0x2e: {  	s28 =	simm.s32 $_size_execute0_lowered;
	s4 =	sadd.s32 s4, s6;
	[dreg:$0x0] =	wrdreg $0x0  }
0x2f: {  	s6 =	sshll.u32 s28, $0x1;
	[dreg:$0x2] =	wrdreg s4  }
0x30: {  	[dreg:$0x3] =	wrdreg s6  }
0x31: {  	[dreg:$0x4] =	wrdreg $0xC0  }
0x32: {  	_ =	task [dreg:s23], $0x5FFFF  }
0x33: {  	[dreg:$0x1] =	wrdreg $0xFFFFFFFF  }
0x34: {  	[dreg:$0x0] =	wrdreg $0x60  }
0x35: {  	[dreg:$0x2] =	wrdreg s19  }
0x36: {  	[dreg:$0x3] =	wrdreg s25  }
0x37: {  	[dreg:$0x4] =	wrdreg $0x9  }
0x38: {  	_ =	task.clear_ibuf [dreg:s23], $0x5FFFF;
	_ =	strace $0x90000049  }
0x39: {  	s29 =	simm.s32 $0x9;
	_ =	strace $0x8000004B  }
0x3a: {  	_ =	swait.ge [sflag:s29], $0x1  }
0x3b: {  	[sflag:s29] =	ssyncadd.s32 $0xFFFFFFFF  }
0x3c: {  	_ =	strace $0x9000004B  }
0x3d: {  	_ =	sfence  }
0x3e: {  	s30 =	sld [smem:$0x0];
	_ =	sdelay $0x2  }
0x3f: {  	s31 =	sshll.u32 s1, $0xD;
	s1 =	sshrl.u32 s1, $0x2  }
0x40: {  	s4 =	sand.u32 $0x4000, s31;
	s1 =	sadd.s32 s1, s30  }
0x41: {  	s0 =	sor.u32 s4, s0;
	s1 =	sshll.u32 s1, $0x11  }
0x42: {  	s0 =	sor.u32 s1, s0  }
0x43: {  	s0 =	sadd.s32 $0x8F2B, s0  }
0x44: {  	[sflag:s0] =	ssyncadd.remote.s32 $0x1  }
0x45: {  	_ =	sfence.sel $0xFFFF  }
0x46: {  	[dreg:$0x0] =	wrdreg $0xFFFFFFFF;
	(pc) =	sbr.abs _section_cstart, $3  }
0x47: {  	[dreg:$0x1] =	wrdreg $0xFFFFFFFF  }
0x48: {  	_ =	task.clear_ibuf [dreg:s23], $0x2FFFF;
	_ =	strace $0x9FFFFFFF  }
0x49: {  	(tm) =	ssettm $0x7FFFFFFF  }
tec
execute0_lowered:
.L_overlay_start_1:
0x0: {  	(tag) =	ssettag $0x1  }
0x1: {  	s2 =	rddreg [dreg:$0x0]  }
0x2: {  	s0 =	srdreg.scid;
	s4 =	rddreg [dreg:$0x1]  }
0x3: {  	s1 =	stileid.u32;
	s5 =	simm.s32 $0x1;
	s7 =	simm.s32 $0x2  }
0x4: {  	s8 =	simm.s32 $0x0;
	s9 =	simm.s32 $0x0;
	s3 =	sshll.u32 s0, $0x4  }
.Ltmp0:
0x5: {  	s12 =	simm.s32 $0x0;
	s3 =	sand.u32 $0x10, s3;
	(pc) =	sbr.rel .LBB1_1-.Ltmp0, $4  }
0x6: {  	s11 =	simm.s32 $0x0;
	s18 =	simm.s32 $0x0;
	s3 =	sor.u32 s1, s3  }
0x7: {  	s0 =	rddreg [dreg:$0x2];
	_ =	strace $0x8000004A;
	s6 =	ssub.s32 $0x501, s3  }
0x8: {  	s4 =	sadd.s32 $0xEE00, s4;
	[sflag:s5] =	ssyncpa.u1 $0x0;
	s6 =	sshrl.u32 s6, $0x5  }
0x9: {  	[sflag:s7] =	ssyncpa.u1 $0x0;
	s10 =	smov.u32 s3;
	s7 =	sadd.s32 $0x1, s6  }
.LBB1_7:
0xa: {  	s14 =	sadd.s32 $0x20, s10  }
0xb: {  	p1 =	sgt.s32 s14, $0x4E1  }
0xc: {  	s14 =	smov.u32 @p1 s3;
	p1 =	sne.s32 s11, s7  }
.Ltmp1:
0xd: {  	p0 =	slt.u32 s11, $0x2;
	(pc) =	sbr.rel @!p1 .LBB1_8-.Ltmp1, $4  }
0xe: {  	s13 =	simm.s32 @!p0 $0x2  }
0xf: {  	s15 =	sadd.s32 $0x1, s11;
	_ =	swait.ge @!p0 [sflag:s13], $0x4000  }
0x10: {  	s12 =	smov.u32 s10;
	s9 =	sadd.s32 $0x4000, s9;
	[sflag:s13] =	ssyncset.done @!p0 $0x0  }
0x11: {  	s11 =	smov.u32 s15;
	s10 =	smov.u32 s14;
	[sflag:s13] =	ssyncadd.s32 @!p0 $0xFFFFC000  }
.LBB1_1:
0x12: {  	p0 =	sge.u32 s11, s6  }
0x13: {  	s13 =	sxor.u32 @!p0 $0xFFFFFFFF, s11  }
0x14: {  	s31 =	sadd.s32 $0xFFFFFFFF, s11;
	s14 =	sshll.u32 @!p0 s10, $0xB;
	s13 =	sshll.u32 @!p0 s13, $0xE  }
0x15: {  	s15 =	simm.s32 @!p0 $0x0;
	s14 =	sadd.s32 @!p0 s2, s14;
	s13 =	sand.u32 @!p0 $0x4000, s13  }
0x16: {  	[tilespmem:s13], [sflag:$0x1] =	stream.linear.gather @!p0 [hbm4b:s14+s15], $0x4000, $0x38;
	[tilespmem:$0x10000] =	vst v63  }
0x17: {  	p0 =	sge.u32 s31, s6  }
.Ltmp2:
0x18: {  	_ = 	snop;
	(pc) =	sbr.rel @p0 .LBB1_7-.Ltmp2, $1  }
0x19: {  	_ =	sdelay $0x3  }
0x1a: {  	s13 =	sshll.u32 s9, $0x2;
	_ =	swait.ge [sflag:s5], $0x4000;
	s14 =	sshll.u32 s11, $0xE  }
0x1b: {  	p0 =	por $0x0, $0x0;
	s19 =	simm.s32 $0x0;
	s20 =	simm.s32 $0x0  }
0x1c: {  	s13 =	sand.u32 $0x10000, s13;
	[sflag:s5] =	ssyncset.done $0x0;
	s16 =	sand.u32 $0x4000, s14  }
0x1d: {  	s17 =	sshrl.u32 s13, $0x2;
	[sflag:s5] =	ssyncadd.s32 $0xFFFFC000;
	s14 =	sor.u32 $0x8000, s16  }
0x1e: {  	s13 =	sor.u32 $0x40, s17;
	s15 =	sor.u32 $0x8410, s17;
	s17 =	sadd.s32 $0x8400, s17  }
.LBB1_3:
0x1f: {  	v1 =	vld [tilespmem:s13+$0xFFFFFFD0]  }
0x20: {  	v2 =	vld [tilespmem:s13+$0x430]  }
0x21: {  	s21 =	sshll.u32 s20, $0xB;
	v4 =	vld [tilespmem:s13+$0xFFFFFFE0]  }
0x22: {  	v7 =	vld [tilespmem:s13+$0xFFFFFFF0];
	v0 =	vmov s21  }
0x23: {  	v8 =	vld [tilespmem:s13+$0x0]  }
0x24: {  	s30 =	sand.u32 $0x300, s18;
	v9 =	vld [tilespmem:s13+$0x10]  }
0x25: {  	s22 =	sand.u32 $0x80, s18;
	v10 =	vld [tilespmem:s13+$0x20];
	s21 =	sadd.s32 s30, s16  }
0x26: {  	v11 =	vld [tilespmem:s13+$0x30];
	s21 =	sadd.s32 s22, s21;
	s22 =	simm.s32 $0x1;
	[tilespmem:s15+$0x60] =	vst v2  }
0x27: {  	s31 =	sshll.u32 s19, $0x2;
	s22 =	simm.s32 @!p0 $0x0;
	[tilespmem:s15+$0xFFFFFC00] =	vst v1;
	v3 =	vld.idx.msk [tilespmem:v0+s21+$0x400 ss:$0x1], $0xffff  }
0x28: {  	v6 =	vld [tilespmem:s13+$0x3D0];
	s22 =	sshll.u32 s22, $0x9;
	[tilespmem:s15+$0xFFFFFC10] =	vst v4;
	s21 =	sand.u32 $0xFFFFFC00, s31  }
0x29: {  	v5 =	vld [tilespmem:s13+$0x3E0];
	[tilespmem:s15+$0xFFFFFC20] =	vst v7;
	s21 =	sor.u32 s22, s21  }
0x2a: {  	[tilespmem:s15+$0xFFFFFC30] =	vst v8;
	v4 =	vld [tilespmem:s13+$0x400];
	s21 =	sshrl.u32 s21, $0x2  }
0x2b: {  	[tilespmem:s15+$0xFFFFFC40] =	vst v9;
	v1 =	vld [tilespmem:s13+$0x410];
	s21 =	sadd.s32 s21, s17  }
0x2c: {  	[tilespmem:s21+$0x0] =	vst v3;
	v3 =	vld [tilespmem:s13+$0x3F0]  }
0x2d: {  	s25 =	simm.s32 $0x80;
	s24 =	simm.s32 $0x100;
	[tilespmem:s15+$0xFFFFFC50] =	vst v10;
	v2 =	vld [tilespmem:s13+$0x420]  }
0x2e: {  	s23 =	smov.u32 s15;
	s26 =	sand.u32 $0x300, s25;
	v7 =	vld [tilespmem:s13+$0xFFFFFFC0];
	[tilespmem:s15+$0xFFFFFC60] =	vst v11;
	s22 =	sadd.s32 $0x80, s13  }
.LBB1_4:
0x2f: {  	p1 =	sne.s32 s24, $0x380;
	v8 =	vld [tilespmem:s22+$0xFFFFFFD0];
	s25 =	sand.u32 $0x80, s25;
	s26 =	sadd.s32 s26, s16;
	[tilespmem:s23+$0x0] =	vst v6  }
0x30: {  	s26 =	sadd.s32 s25, s26;
	v6 =	vld [tilespmem:s22+$0x430];
	[tilespmem:s23+$0x10] =	vst v5;
	s25 =	smov.u32 s24  }
0x31: {  	v5 =	vld.idx.msk [tilespmem:v0+s26+$0x400 ss:$0x1], $0xffff;
	[tilespmem:s23+$0x20] =	vst v3  }
0x32: {  	v3 =	vld [tilespmem:s22+$0xFFFFFFE0];
	[tilespmem:s23+$0x30] =	vst v4  }
0x33: {  	v4 =	vld [tilespmem:s22+$0xFFFFFFF0];
	[tilespmem:s23+$0xFFFFFBF0] =	vst v7  }
0x34: {  	v7 =	vld [tilespmem:s22+$0x0];
	[tilespmem:s23+$0x40] =	vst v1  }
0x35: {  	v1 =	vld [tilespmem:s22+$0x10];
	[tilespmem:s23+$0x50] =	vst v2;
	s23 =	sadd.s32 $0x800, s23  }
0x36: {  	s21 =	sadd.s32 $0x800, s21;
	v2 =	vld [tilespmem:s22+$0x20];
	[tilespmem:s23+$0x60] =	vst v6  }
0x37: {  	v9 =	vld [tilespmem:s22+$0x30];
	[tilespmem:s21+$0x0] =	vst v5  }
0x38: {  	[tilespmem:s23+$0xFFFFFC00] =	vst v8;
	v6 =	vld [tilespmem:s22+$0x3D0]  }
0x39: {  	[tilespmem:s23+$0xFFFFFC10] =	vst v3;
	v5 =	vld [tilespmem:s22+$0x3E0]  }
.Ltmp3:
0x3a: {  	[tilespmem:s23+$0xFFFFFC20] =	vst v4;
	v3 =	vld [tilespmem:s22+$0x3F0];
	(pc) =	sbr.rel @p1 .LBB1_4-.Ltmp3, $4  }
0x3b: {  	[tilespmem:s23+$0xFFFFFC30] =	vst v7;
	v4 =	vld [tilespmem:s22+$0x400]  }
0x3c: {  	[tilespmem:s23+$0xFFFFFC40] =	vst v1;
	v1 =	vld [tilespmem:s22+$0x410]  }
0x3d: {  	[tilespmem:s23+$0xFFFFFC50] =	vst v2;
	v2 =	vld [tilespmem:s22+$0x420]  }
0x3e: {  	s24 =	sadd.s32 $0x80, s24;
	s26 =	sand.u32 $0x300, s25;
	v7 =	vld [tilespmem:s22+$0xFFFFFFC0];
	[tilespmem:s23+$0xFFFFFC60] =	vst v9;
	s22 =	sadd.s32 $0x80, s22  }
0x3f: {  	[tilespmem:s23+$0x0] =	vst v6  }
0x40: {  	[tilespmem:s23+$0x10] =	vst v5  }
0x41: {  	v49 =	vld [tilespmem:s22+$0x430];
	[tilespmem:s23+$0x20] =	vst v3  }
0x42: {  	v50 =	vld [tilespmem:s22+$0xFFFFFFD0];
	[tilespmem:s23+$0x30] =	vst v4  }
0x43: {  	v51 =	vld [tilespmem:s22+$0xFFFFFFE0];
	[tilespmem:s23+$0x40] =	vst v1  }
0x44: {  	v52 =	vld [tilespmem:s22+$0xFFFFFFF0];
	[tilespmem:s23+$0x50] =	vst v2  }
0x45: {  	s31 =	sadd.s32 $0x800, s23;
	v53 =	vld [tilespmem:s22+$0x0];
	[tilespmem:s23+$0xFFFFFBF0] =	vst v7  }
0x46: {  	v54 =	vld [tilespmem:s22+$0x10];
	[tilespmem:s31+$0x60] =	vst v49  }
0x47: {  	v55 =	vld [tilespmem:s22+$0x20];
	[tilespmem:s31+$0xFFFFFC00] =	vst v50  }
0x48: {  	v56 =	vld [tilespmem:s22+$0x30];
	[tilespmem:s31+$0xFFFFFC10] =	vst v51  }
0x49: {  	v57 =	vld [tilespmem:s22+$0x3D0];
	[tilespmem:s31+$0xFFFFFC20] =	vst v52  }
0x4a: {  	v58 =	vld [tilespmem:s22+$0x3E0];
	[tilespmem:s31+$0xFFFFFC30] =	vst v53  }
0x4b: {  	v59 =	vld [tilespmem:s22+$0x3F0];
	[tilespmem:s31+$0xFFFFFC40] =	vst v54  }
0x4c: {  	v60 =	vld [tilespmem:s22+$0x400];
	[tilespmem:s31+$0xFFFFFC50] =	vst v55  }
0x4d: {  	v61 =	vld [tilespmem:s22+$0xFFFFFFC0];
	[tilespmem:s31+$0xFFFFFC60] =	vst v56  }
0x4e: {  	s24 =	sand.u32 $0x80, s25;
	s30 =	sadd.s32 s26, s16;
	v62 =	vld [tilespmem:s22+$0x410];
	[tilespmem:s31+$0x0] =	vst v57  }
0x4f: {  	v63 =	vld [tilespmem:s22+$0x420];
	s20 =	sadd.s32 $0x1, s20;
	s24 =	sadd.s32 s24, s30;
	[tilespmem:s31+$0x10] =	vst v58  }
0x50: {  	p1 =	sne.s32 s20, $0x8;
	v0 =	vld.idx.msk [tilespmem:v0+s24+$0x400 ss:$0x1], $0xffff;
	[tilespmem:s31+$0x20] =	vst v59  }
.Ltmp4:
0x51: {  	[tilespmem:s31+$0x30] =	vst v60;
	(pc) =	sbr.rel @p1 .LBB1_3-.Ltmp4, $4  }
0x52: {  	[tilespmem:s31+$0xFFFFFBF0] =	vst v61  }
0x53: {  	[tilespmem:s31+$0x40] =	vst v62  }
0x54: {  	s21 =	sadd.s32 $0x800, s21;
	s13 =	sadd.s32 $0x800, s13;
	[tilespmem:s31+$0x50] =	vst v63  }
0x55: {  	s19 =	sadd.s32 $0x80, s19;
	p0 =	por !p0, !p0;
	s15 =	sadd.s32 $0x80, s15;
	[tilespmem:s21+$0x0] =	vst v0  }
.Ltmp5:
0x56: {  	(pc) =	sbr.rel .LBB1_7-.Ltmp5, $4  }
0x57: {  	_ = 	snop  }
0x58: {  	s12 =	sshll.u32 s12, $0xB  }
0x59: {  	s12 =	sadd.s32 s4, s12  }
0x5a: {  	[hbm4b:s12+s8] =	stream.linear.scatter [tilespmem:s14], [sflag:$0x2], $0x4000, $0x38;
	[tilespmem:$0x10000] =	vst v63  }
.LBB1_8:
0x5b: {  	_ =	sfence.sel $0x180000  }
0x5c: {  	s2 =	simm.s32 $0x1;
	[bflag:$0x0] =	sbarrier.arrive $0xFFFF  }
0x5d: {  	s31 =	simm.s32 $0x2;
	[sflag:s2] =	ssyncpa.u1 $0x1  }
0x5e: {  	[sflag:s31] =	ssyncpa.u1 $0x1  }
0x5f: {  	p0 =	sne.s32 s1, $0x0;
	_ =	strace $0x9000004A  }
0x60: {  	s0 =	sadd.s32 @!p0 $0x100000, s0;
	[bflag:$0x2] =	sbarrier.arrive $0xFFFF  }
0x61: {  	[sflag:s0] =	ssyncadd.tile.s32 @!p0 $0x1;
	_ =	shalt  }
.Lfunc_end1:
_tile_overlayer_lowered:
.L_overlay_start_2:
0x62: {  	(tag) =	ssettag $0x2  }
0x63: {  	s0 =	rddreg [dreg:$0x0];
	s2 =	stileid.u32  }
0x64: {  	s1 =	rddreg [dreg:$0x1];
	p0 =	sne.s32 s2, $0x0  }
0x65: {  	s3 =	rddreg [dreg:$0x2];
	[bflag:$0x3] =	sbarrier.arrive $0xFFFF;
	s2 =	simm.s32 @!p0 $0x1C01  }
0x66: {  	[timem:s3], [sflag:s2] =	dma.local @!p0 [hbm:s0], s1  }
0x67: {  	s0 =	simm.s32 @!p0 $0x1  }
0x68: {  	_ =	swait.ge @!p0 [sflag:s0], s1  }
0x69: {  	s1 =	ssub.s32 @!p0 $0x0, s1;
	[sflag:s0] =	ssyncset.done @!p0 $0x0  }
0x6a: {  	[sflag:s0] =	ssyncadd.s32 @!p0 s1  }
0x6b: {  	[bflag:$0x3] =	sbarrier.arrive $0xFFFF  }
0x6c: {  	_ =	shalt  }

</sc_bundles>
